<compile_context>
chip_gen: v7x
topology: tpu7x:2x2x1
jax: 0.10.2.dev20260603
libtpu: 0.0.44.dev20260713+nightly
codegen_flags: <defaults>
</compile_context>

<pallas_src>
import functools

import jax
import jax.numpy as jnp
from jax import lax
from jax.experimental import pallas as pl
from jax.experimental.pallas import tpu as pltpu
from jax.experimental.pallas import tpu_sc as plsc

NC = 2
NS = 16
NW = NC * NS

BATCH = 16384
F = 26
D = 64
V = 1000000
BPT = BATCH // NW
NBUF = 3


def _body(x_hbm, idx_hbm, tab_hbm, out_hbm, idx_v, buf0, buf1, buf2,
          xsem, gsem, osem):
    wid = lax.axis_index("s") * NC + lax.axis_index("c")
    b0 = wid * BPT
    bufs = (buf0, buf1, buf2)

    pltpu.sync_copy(idx_hbm.at[:, pl.ds(b0, BPT)], idx_v)

    def issue_x(f):
        pltpu.async_copy(
            x_hbm.at[f, pl.ds(b0, BPT), :], bufs[f % NBUF], xsem)

    def issue_gather(f):
        pltpu.async_copy(
            tab_hbm.at[idx_v.at[f]], bufs[f % NBUF], gsem, add=True)

    def issue_out(f):
        pltpu.async_copy(
            bufs[f % NBUF], out_hbm.at[f, pl.ds(b0, BPT), :], osem)

    def wait(sem):
        pltpu.make_async_copy(
            x_hbm.at[0, pl.ds(0, BPT), :], buf0, sem).wait()

    issue_x(0)
    issue_x(1)

    for f in range(F):
        wait(xsem)
        issue_gather(f)
        wait(gsem)
        issue_out(f)
        if f >= 1:
            wait(osem)
        if f + 2 < F:
            issue_x(f + 2)

    wait(osem)


_sc_call = functools.partial(
    pl.kernel,
    mesh=plsc.VectorSubcoreMesh(core_axis_name="c", subcore_axis_name="s"),
    out_type=jax.ShapeDtypeStruct((F, BATCH, D), jnp.float32),
    scratch_types=[
        pltpu.VMEM((F, BPT), jnp.int32),
        pltpu.VMEM((BPT, D), jnp.float32),
        pltpu.VMEM((BPT, D), jnp.float32),
        pltpu.VMEM((BPT, D), jnp.float32),
        pltpu.SemaphoreType.DMA,
        pltpu.SemaphoreType.DMA,
        pltpu.SemaphoreType.DMA,
    ],
    compiler_params=pltpu.CompilerParams(use_tc_tiling_on_sc=False),
)(_body)


@jax.jit
def kernel(x, idxs, embed_weight):
    xT = x.transpose(1, 0, 2)
    idxT = idxs.astype(jnp.int32).T
    outT = _sc_call(xT, idxT, embed_weight)
    return outT.transpose(1, 0, 2)

# --- scband reference (transcript-rebuilt; emitter-appended) ---
"""Pipeline reference for scband-sample-embedding-net-41729902248499 (READ-ONLY COPY).

The authoritative reference and input builder live on the scoring server;
editing this copy changes nothing except your own understanding.
"""

import jax, jax.numpy as jnp
import numpy as np

VOCAB = 1000000
EMBED_DIM = 64
BATCH = 16384
FIELDS = 26

def setup_inputs(seed: int = 0) -> dict:
    key = jax.random.key(seed)
    k1, k2, k3 = jax.random.split(key, 3)
    x = jax.random.normal(k1, (BATCH, FIELDS, EMBED_DIM), dtype=jnp.float32)
    idxs = jax.random.randint(k2, (BATCH, FIELDS), 0, VOCAB)
    # learned parameter: nn.Embedding(embeddings_count, embed_dim) weight
    embed_weight = jax.random.normal(k3, (VOCAB, EMBED_DIM), dtype=jnp.float32) * 0.02
    return {"x": x, "idxs": idxs, "embed_weight": embed_weight}

def reference(x, idxs, embed_weight):
    # training-mode forward: x, idxs = x; embeds = embed(idxs);
    # embed_transform = Identity; x = x + embeds; main_net = Identity
    embeds = jnp.take(embed_weight, idxs, axis=0)
    out = x + embeds
    return out

if __name__ == "__main__":
    import jax
    _d = setup_inputs()
    print(jax.jit(kernel)(*tuple(_d.values())))

</pallas_src>

<mosaic_0001>
#map = affine_map<(d0, d1) -> (0, 0, 0)>
#map1 = affine_map<(d0, d1) -> (0, 0)>
module attributes {stable_mosaic.version = 14 : i64} {
  func.func @_body(%arg0: i32, %arg1: i32, %arg2: memref<26x16384x64xf32, #tpu.memory_space<hbm>>, %arg3: memref<26x16384xi32, #tpu.memory_space<hbm>>, %arg4: memref<1000000x64xf32, #tpu.memory_space<hbm>>, %arg5: memref<26x16384x64xf32, #tpu.memory_space<hbm>>, %arg6: memref<26x512xi32, #tpu.memory_space<vmem>>, %arg7: memref<512x64xf32, #tpu.memory_space<vmem>>, %arg8: memref<512x64xf32, #tpu.memory_space<vmem>>, %arg9: memref<512x64xf32, #tpu.memory_space<vmem>>, %arg10: memref<!tpu.dma_semaphore, #tpu.memory_space<semaphore_mem>>, %arg11: memref<!tpu.dma_semaphore, #tpu.memory_space<semaphore_mem>>, %arg12: memref<!tpu.dma_semaphore, #tpu.memory_space<semaphore_mem>>) attributes {dimension_semantics = [#tpu.dimension_semantics<core_parallel>, #tpu.dimension_semantics<subcore_parallel>], iteration_bounds = array<i64: 2, 16>, scalar_prefetch = 0 : i64, scratch_operands = 7 : i64, tpu.core_type = #tpu.core_type<sc_vector_subcore>, window_params = [{transform_indices = #map}, {transform_indices = #map1}, {transform_indices = #map1}, {transform_indices = #map}]} {
    %mul3A = arith.constant 2 : i32
    %mul3A_0 = arith.muli %arg1, %mul3A : i32
    %add3A = arith.addi %mul3A_0, %arg0 : i32
    %mul3A_1 = arith.constant 512 : i32
    %mul3A_2 = arith.muli %add3A, %mul3A_1 : i32
    "tpu.region"() ({
      %run_scoped3A = tpu.sem_alloc : memref<!tpu.dma_semaphore, #tpu.memory_space<semaphore_mem>>
      %dma_start3A_1249 = arith.constant 0 : i32
      %dma_start3A_1250 = tpu.memref_slice %arg3[%dma_start3A_1249, %mul3A_2] : memref<26x16384xi32, #tpu.memory_space<hbm>> -> memref<26x512xi32, #tpu.memory_space<hbm>>
      %dma_start3A_1251 = arith.constant 0 : i32
      %dma_start3A_1252 = tpu.memref_slice %arg3[%dma_start3A_1251, %mul3A_2] : memref<26x16384xi32, #tpu.memory_space<hbm>> -> memref<26x512xi32, #tpu.memory_space<hbm>>
      tpu.enqueue_dma source(%dma_start3A_1252 : memref<26x512xi32, #tpu.memory_space<hbm>>) target(%arg6 : memref<26x512xi32, #tpu.memory_space<vmem>>) target_semaphore(%run_scoped3A : memref<!tpu.dma_semaphore, #tpu.memory_space<semaphore_mem>>)
      %dma_wait3A_1253 = arith.constant 0 : i32
      %dma_wait3A_1254 = tpu.memref_slice %arg3[%dma_wait3A_1253, %mul3A_2] : memref<26x16384xi32, #tpu.memory_space<hbm>> -> memref<26x512xi32, #tpu.memory_space<hbm>>
      %dma_wait3A_1255 = arith.constant 0 : i32
      %dma_wait3A_1256 = tpu.memref_slice %arg3[%dma_wait3A_1255, %mul3A_2] : memref<26x16384xi32, #tpu.memory_space<hbm>> -> memref<26x512xi32, #tpu.memory_space<hbm>>
      tpu.wait_dma2 semaphore(%run_scoped3A : memref<!tpu.dma_semaphore, #tpu.memory_space<semaphore_mem>>) src(%dma_wait3A_1256 : memref<26x512xi32, #tpu.memory_space<hbm>>) dst(%arg6 : memref<26x512xi32, #tpu.memory_space<vmem>>)
      tpu.yield
    }) : () -> ()
    %dma_start3A = arith.constant 0 : i32
    %dma_start3A_3 = arith.constant 0 : i32
    %dma_start3A_4 = tpu.memref_slice %arg2[%dma_start3A, %mul3A_2, %dma_start3A_3] : memref<26x16384x64xf32, #tpu.memory_space<hbm>> -> memref<1x512x64xf32, #tpu.memory_space<hbm>>
    %dma_start3A_5 = tpu.memref_squeeze %dma_start3A_4 : memref<1x512x64xf32, #tpu.memory_space<hbm>> -> memref<512x64xf32, #tpu.memory_space<hbm>>
    %dma_start3A_6 = arith.constant 0 : i32
    %dma_start3A_7 = tpu.memref_slice %arg2[%dma_start3A, %mul3A_2, %dma_start3A_6] : memref<26x16384x64xf32, #tpu.memory_space<hbm>> -> memref<1x512x64xf32, #tpu.memory_space<hbm>>
    %dma_start3A_8 = tpu.memref_squeeze %dma_start3A_7 : memref<1x512x64xf32, #tpu.memory_space<hbm>> -> memref<512x64xf32, #tpu.memory_space<hbm>>
    tpu.enqueue_dma source(%dma_start3A_8 : memref<512x64xf32, #tpu.memory_space<hbm>>) target(%arg7 : memref<512x64xf32, #tpu.memory_space<vmem>>) target_semaphore(%arg10 : memref<!tpu.dma_semaphore, #tpu.memory_space<semaphore_mem>>)
    %dma_start3A_9 = arith.constant 1 : i32
    %dma_start3A_10 = arith.constant 0 : i32
    %dma_start3A_11 = tpu.memref_slice %arg2[%dma_start3A_9, %mul3A_2, %dma_start3A_10] : memref<26x16384x64xf32, #tpu.memory_space<hbm>> -> memref<1x512x64xf32, #tpu.memory_space<hbm>>
    %dma_start3A_12 = tpu.memref_squeeze %dma_start3A_11 : memref<1x512x64xf32, #tpu.memory_space<hbm>> -> memref<512x64xf32, #tpu.memory_space<hbm>>
    %dma_start3A_13 = arith.constant 0 : i32
    %dma_start3A_14 = tpu.memref_slice %arg2[%dma_start3A_9, %mul3A_2, %dma_start3A_13] : memref<26x16384x64xf32, #tpu.memory_space<hbm>> -> memref<1x512x64xf32, #tpu.memory_space<hbm>>
    %dma_start3A_15 = tpu.memref_squeeze %dma_start3A_14 : memref<1x512x64xf32, #tpu.memory_space<hbm>> -> memref<512x64xf32, #tpu.memory_space<hbm>>
    tpu.enqueue_dma source(%dma_start3A_15 : memref<512x64xf32, #tpu.memory_space<hbm>>) target(%arg8 : memref<512x64xf32, #tpu.memory_space<vmem>>) target_semaphore(%arg10 : memref<!tpu.dma_semaphore, #tpu.memory_space<semaphore_mem>>)
    %dma_wait3A = arith.constant 0 : i32
    %dma_wait3A_16 = arith.constant 0 : i32
    %dma_wait3A_17 = arith.constant 0 : i32
    %dma_wait3A_18 = tpu.memref_slice %arg2[%dma_wait3A, %dma_wait3A_16, %dma_wait3A_17] : memref<26x16384x64xf32, #tpu.memory_space<hbm>> -> memref<1x512x64xf32, #tpu.memory_space<hbm>>
    %dma_wait3A_19 = tpu.memref_squeeze %dma_wait3A_18 : memref<1x512x64xf32, #tpu.memory_space<hbm>> -> memref<512x64xf32, #tpu.memory_space<hbm>>
    %dma_wait3A_20 = arith.constant 0 : i32
    %dma_wait3A_21 = arith.constant 0 : i32
    %dma_wait3A_22 = tpu.memref_slice %arg2[%dma_wait3A, %dma_wait3A_20, %dma_wait3A_21] : memref<26x16384x64xf32, #tpu.memory_space<hbm>> -> memref<1x512x64xf32, #tpu.memory_space<hbm>>
    %dma_wait3A_23 = tpu.memref_squeeze %dma_wait3A_22 : memref<1x512x64xf32, #tpu.memory_space<hbm>> -> memref<512x64xf32, #tpu.memory_space<hbm>>
    tpu.wait_dma2 semaphore(%arg10 : memref<!tpu.dma_semaphore, #tpu.memory_space<semaphore_mem>>) src(%dma_wait3A_23 : memref<512x64xf32, #tpu.memory_space<hbm>>) dst(%arg7 : memref<512x64xf32, #tpu.memory_space<vmem>>)
    %dma_start3A_24 = arith.constant 0 : i32
    %dma_start3A_25 = arith.constant 0 : i32
    %dma_start3A_26 = tpu.memref_slice %arg6[%dma_start3A_24, %dma_start3A_25] : memref<26x512xi32, #tpu.memory_space<vmem>> -> memref<1x512xi32, #tpu.memory_space<vmem>>
    %dma_start3A_27 = tpu.memref_squeeze %dma_start3A_26 : memref<1x512xi32, #tpu.memory_space<vmem>> -> memref<512xi32, #tpu.memory_space<vmem>>
    %dma_start3A_28 = arith.constant 0 : i32
    %dma_start3A_29 = arith.constant 0 : i32
    %dma_start3A_30 = tpu.memref_slice %arg4[%dma_start3A_28, %dma_start3A_29] : memref<1000000x64xf32, #tpu.memory_space<hbm>> -> memref<1000000x64xf32, #tpu.memory_space<hbm>>
    tpu.enqueue_indirect_dma source(%dma_start3A_30 : memref<1000000x64xf32, #tpu.memory_space<hbm>>) target(%arg7 : memref<512x64xf32, #tpu.memory_space<vmem>>) offsets(%dma_start3A_27 : memref<512xi32, #tpu.memory_space<vmem>>) semaphore(%arg11 : memref<!tpu.dma_semaphore, #tpu.memory_space<semaphore_mem>>) {add = true}
    %dma_wait3A_31 = arith.constant 0 : i32
    %dma_wait3A_32 = arith.constant 0 : i32
    %dma_wait3A_33 = arith.constant 0 : i32
    %dma_wait3A_34 = tpu.memref_slice %arg2[%dma_wait3A_31, %dma_wait3A_32, %dma_wait3A_33] : memref<26x16384x64xf32, #tpu.memory_space<hbm>> -> memref<1x512x64xf32, #tpu.memory_space<hbm>>
    %dma_wait3A_35 = tpu.memref_squeeze %dma_wait3A_34 : memref<1x512x64xf32, #tpu.memory_space<hbm>> -> memref<512x64xf32, #tpu.memory_space<hbm>>
    %dma_wait3A_36 = arith.constant 0 : i32
    %dma_wait3A_37 = arith.constant 0 : i32
    %dma_wait3A_38 = tpu.memref_slice %arg2[%dma_wait3A_31, %dma_wait3A_36, %dma_wait3A_37] : memref<26x16384x64xf32, #tpu.memory_space<hbm>> -> memref<1x512x64xf32, #tpu.memory_space<hbm>>
    %dma_wait3A_39 = tpu.memref_squeeze %dma_wait3A_38 : memref<1x512x64xf32, #tpu.memory_space<hbm>> -> memref<512x64xf32, #tpu.memory_space<hbm>>
    tpu.wait_dma2 semaphore(%arg11 : memref<!tpu.dma_semaphore, #tpu.memory_space<semaphore_mem>>) src(%dma_wait3A_39 : memref<512x64xf32, #tpu.memory_space<hbm>>) dst(%arg7 : memref<512x64xf32, #tpu.memory_space<vmem>>)
    %dma_start3A_40 = arith.constant 0 : i32
    %dma_start3A_41 = arith.constant 0 : i32
    %dma_start3A_42 = tpu.memref_slice %arg5[%dma_start3A_40, %mul3A_2, %dma_start3A_41] : memref<26x16384x64xf32, #tpu.memory_space<hbm>> -> memref<1x512x64xf32, #tpu.memory_space<hbm>>
    %dma_start3A_43 = tpu.memref_squeeze %dma_start3A_42 : memref<1x512x64xf32, #tpu.memory_space<hbm>> -> memref<512x64xf32, #tpu.memory_space<hbm>>
    %dma_start3A_44 = arith.constant 0 : i32
    %dma_start3A_45 = tpu.memref_slice %arg5[%dma_start3A_40, %mul3A_2, %dma_start3A_44] : memref<26x16384x64xf32, #tpu.memory_space<hbm>> -> memref<1x512x64xf32, #tpu.memory_space<hbm>>
    %dma_start3A_46 = tpu.memref_squeeze %dma_start3A_45 : memref<1x512x64xf32, #tpu.memory_space<hbm>> -> memref<512x64xf32, #tpu.memory_space<hbm>>
    tpu.enqueue_dma source(%arg7 : memref<512x64xf32, #tpu.memory_space<vmem>>) target(%dma_start3A_46 : memref<512x64xf32, #tpu.memory_space<hbm>>) target_semaphore(%arg12 : memref<!tpu.dma_semaphore, #tpu.memory_space<semaphore_mem>>)
    %dma_start3A_47 = arith.constant 2 : i32
    %dma_start3A_48 = arith.constant 0 : i32
    %dma_start3A_49 = tpu.memref_slice %arg2[%dma_start3A_47, %mul3A_2, %dma_start3A_48] : memref<26x16384x64xf32, #tpu.memory_space<hbm>> -> memref<1x512x64xf32, #tpu.memory_space<hbm>>
    %dma_start3A_50 = tpu.memref_squeeze %dma_start3A_49 : memref<1x512x64xf32, #tpu.memory_space<hbm>> -> memref<512x64xf32, #tpu.memory_space<hbm>>
    %dma_start3A_51 = arith.constant 0 : i32
    %dma_start3A_52 = tpu.memref_slice %arg2[%dma_start3A_47, %mul3A_2, %dma_start3A_51] : memref<26x16384x64xf32, #tpu.memory_space<hbm>> -> memref<1x512x64xf32, #tpu.memory_space<hbm>>
    %dma_start3A_53 = tpu.memref_squeeze %dma_start3A_52 : memref<1x512x64xf32, #tpu.memory_space<hbm>> -> memref<512x64xf32, #tpu.memory_space<hbm>>
    tpu.enqueue_dma source(%dma_start3A_53 : memref<512x64xf32, #tpu.memory_space<hbm>>) target(%arg9 : memref<512x64xf32, #tpu.memory_space<vmem>>) target_semaphore(%arg10 : memref<!tpu.dma_semaphore, #tpu.memory_space<semaphore_mem>>)
    %dma_wait3A_54 = arith.constant 0 : i32
    %dma_wait3A_55 = arith.constant 0 : i32
    %dma_wait3A_56 = arith.constant 0 : i32
    %dma_wait3A_57 = tpu.memref_slice %arg2[%dma_wait3A_54, %dma_wait3A_55, %dma_wait3A_56] : memref<26x16384x64xf32, #tpu.memory_space<hbm>> -> memref<1x512x64xf32, #tpu.memory_space<hbm>>
    %dma_wait3A_58 = tpu.memref_squeeze %dma_wait3A_57 : memref<1x512x64xf32, #tpu.memory_space<hbm>> -> memref<512x64xf32, #tpu.memory_space<hbm>>
    %dma_wait3A_59 = arith.constant 0 : i32
    %dma_wait3A_60 = arith.constant 0 : i32
    %dma_wait3A_61 = tpu.memref_slice %arg2[%dma_wait3A_54, %dma_wait3A_59, %dma_wait3A_60] : memref<26x16384x64xf32, #tpu.memory_space<hbm>> -> memref<1x512x64xf32, #tpu.memory_space<hbm>>
    %dma_wait3A_62 = tpu.memref_squeeze %dma_wait3A_61 : memref<1x512x64xf32, #tpu.memory_space<hbm>> -> memref<512x64xf32, #tpu.memory_space<hbm>>
    tpu.wait_dma2 semaphore(%arg10 : memref<!tpu.dma_semaphore, #tpu.memory_space<semaphore_mem>>) src(%dma_wait3A_62 : memref<512x64xf32, #tpu.memory_space<hbm>>) dst(%arg7 : memref<512x64xf32, #tpu.memory_space<vmem>>)
    %dma_start3A_63 = arith.constant 1 : i32
    %dma_start3A_64 = arith.constant 0 : i32
    %dma_start3A_65 = tpu.memref_slice %arg6[%dma_start3A_63, %dma_start3A_64] : memref<26x512xi32, #tpu.memory_space<vmem>> -> memref<1x512xi32, #tpu.memory_space<vmem>>
    %dma_start3A_66 = tpu.memref_squeeze %dma_start3A_65 : memref<1x512xi32, #tpu.memory_space<vmem>> -> memref<512xi32, #tpu.memory_space<vmem>>
    %dma_start3A_67 = arith.constant 0 : i32
    %dma_start3A_68 = arith.constant 0 : i32
    %dma_start3A_69 = tpu.memref_slice %arg4[%dma_start3A_67, %dma_start3A_68] : memref<1000000x64xf32, #tpu.memory_space<hbm>> -> memref<1000000x64xf32, #tpu.memory_space<hbm>>
    tpu.enqueue_indirect_dma source(%dma_start3A_69 : memref<1000000x64xf32, #tpu.memory_space<hbm>>) target(%arg8 : memref<512x64xf32, #tpu.memory_space<vmem>>) offsets(%dma_start3A_66 : memref<512xi32, #tpu.memory_space<vmem>>) semaphore(%arg11 : memref<!tpu.dma_semaphore, #tpu.memory_space<semaphore_mem>>) {add = true}
    %dma_wait3A_70 = arith.constant 0 : i32
    %dma_wait3A_71 = arith.constant 0 : i32
    %dma_wait3A_72 = arith.constant 0 : i32
    %dma_wait3A_73 = tpu.memref_slice %arg2[%dma_wait3A_70, %dma_wait3A_71, %dma_wait3A_72] : memref<26x16384x64xf32, #tpu.memory_space<hbm>> -> memref<1x512x64xf32, #tpu.memory_space<hbm>>
    %dma_wait3A_74 = tpu.memref_squeeze %dma_wait3A_73 : memref<1x512x64xf32, #tpu.memory_space<hbm>> -> memref<512x64xf32, #tpu.memory_space<hbm>>
    %dma_wait3A_75 = arith.constant 0 : i32
    %dma_wait3A_76 = arith.constant 0 : i32
    %dma_wait3A_77 = tpu.memref_slice %arg2[%dma_wait3A_70, %dma_wait3A_75, %dma_wait3A_76] : memref<26x16384x64xf32, #tpu.memory_space<hbm>> -> memref<1x512x64xf32, #tpu.memory_space<hbm>>
    %dma_wait3A_78 = tpu.memref_squeeze %dma_wait3A_77 : memref<1x512x64xf32, #tpu.memory_space<hbm>> -> memref<512x64xf32, #tpu.memory_space<hbm>>
    tpu.wait_dma2 semaphore(%arg11 : memref<!tpu.dma_semaphore, #tpu.memory_space<semaphore_mem>>) src(%dma_wait3A_78 : memref<512x64xf32, #tpu.memory_space<hbm>>) dst(%arg7 : memref<512x64xf32, #tpu.memory_space<vmem>>)
    %dma_start3A_79 = arith.constant 1 : i32
    %dma_start3A_80 = arith.constant 0 : i32
    %dma_start3A_81 = tpu.memref_slice %arg5[%dma_start3A_79, %mul3A_2, %dma_start3A_80] : memref<26x16384x64xf32, #tpu.memory_space<hbm>> -> memref<1x512x64xf32, #tpu.memory_space<hbm>>
    %dma_start3A_82 = tpu.memref_squeeze %dma_start3A_81 : memref<1x512x64xf32, #tpu.memory_space<hbm>> -> memref<512x64xf32, #tpu.memory_space<hbm>>
    %dma_start3A_83 = arith.constant 0 : i32
    %dma_start3A_84 = tpu.memref_slice %arg5[%dma_start3A_79, %mul3A_2, %dma_start3A_83] : memref<26x16384x64xf32, #tpu.memory_space<hbm>> -> memref<1x512x64xf32, #tpu.memory_space<hbm>>
    %dma_start3A_85 = tpu.memref_squeeze %dma_start3A_84 : memref<1x512x64xf32, #tpu.memory_space<hbm>> -> memref<512x64xf32, #tpu.memory_space<hbm>>
    tpu.enqueue_dma source(%arg8 : memref<512x64xf32, #tpu.memory_space<vmem>>) target(%dma_start3A_85 : memref<512x64xf32, #tpu.memory_space<hbm>>) target_semaphore(%arg12 : memref<!tpu.dma_semaphore, #tpu.memory_space<semaphore_mem>>)
    %dma_wait3A_86 = arith.constant 0 : i32
    %dma_wait3A_87 = arith.constant 0 : i32
    %dma_wait3A_88 = arith.constant 0 : i32
    %dma_wait3A_89 = tpu.memref_slice %arg2[%dma_wait3A_86, %dma_wait3A_87, %dma_wait3A_88] : memref<26x16384x64xf32, #tpu.memory_space<hbm>> -> memref<1x512x64xf32, #tpu.memory_space<hbm>>
    %dma_wait3A_90 = tpu.memref_squeeze %dma_wait3A_89 : memref<1x512x64xf32, #tpu.memory_space<hbm>> -> memref<512x64xf32, #tpu.memory_space<hbm>>
    %dma_wait3A_91 = arith.constant 0 : i32
    %dma_wait3A_92 = arith.constant 0 : i32
    %dma_wait3A_93 = tpu.memref_slice %arg2[%dma_wait3A_86, %dma_wait3A_91, %dma_wait3A_92] : memref<26x16384x64xf32, #tpu.memory_space<hbm>> -> memref<1x512x64xf32, #tpu.memory_space<hbm>>
    %dma_wait3A_94 = tpu.memref_squeeze %dma_wait3A_93 : memref<1x512x64xf32, #tpu.memory_space<hbm>> -> memref<512x64xf32, #tpu.memory_space<hbm>>
    tpu.wait_dma2 semaphore(%arg12 : memref<!tpu.dma_semaphore, #tpu.memory_space<semaphore_mem>>) src(%dma_wait3A_94 : memref<512x64xf32, #tpu.memory_space<hbm>>) dst(%arg7 : memref<512x64xf32, #tpu.memory_space<vmem>>)
    %dma_start3A_95 = arith.constant 3 : i32
    %dma_start3A_96 = arith.constant 0 : i32
    %dma_start3A_97 = tpu.memref_slice %arg2[%dma_start3A_95, %mul3A_2, %dma_start3A_96] : memref<26x16384x64xf32, #tpu.memory_space<hbm>> -> memref<1x512x64xf32, #tpu.memory_space<hbm>>
    %dma_start3A_98 = tpu.memref_squeeze %dma_start3A_97 : memref<1x512x64xf32, #tpu.memory_space<hbm>> -> memref<512x64xf32, #tpu.memory_space<hbm>>
    %dma_start3A_99 = arith.constant 0 : i32
    %dma_start3A_100 = tpu.memref_slice %arg2[%dma_start3A_95, %mul3A_2, %dma_start3A_99] : memref<26x16384x64xf32, #tpu.memory_space<hbm>> -> memref<1x512x64xf32, #tpu.memory_space<hbm>>
    %dma_start3A_101 = tpu.memref_squeeze %dma_start3A_100 : memref<1x512x64xf32, #tpu.memory_space<hbm>> -> memref<512x64xf32, #tpu.memory_space<hbm>>
    tpu.enqueue_dma source(%dma_start3A_101 : memref<512x64xf32, #tpu.memory_space<hbm>>) target(%arg7 : memref<512x64xf32, #tpu.memory_space<vmem>>) target_semaphore(%arg10 : memref<!tpu.dma_semaphore, #tpu.memory_space<semaphore_mem>>)
    %dma_wait3A_102 = arith.constant 0 : i32
    %dma_wait3A_103 = arith.constant 0 : i32
    %dma_wait3A_104 = arith.constant 0 : i32
    %dma_wait3A_105 = tpu.memref_slice %arg2[%dma_wait3A_102, %dma_wait3A_103, %dma_wait3A_104] : memref<26x16384x64xf32, #tpu.memory_space<hbm>> -> memref<1x512x64xf32, #tpu.memory_space<hbm>>
    %dma_wait3A_106 = tpu.memref_squeeze %dma_wait3A_105 : memref<1x512x64xf32, #tpu.memory_space<hbm>> -> memref<512x64xf32, #tpu.memory_space<hbm>>
    %dma_wait3A_107 = arith.constant 0 : i32
    %dma_wait3A_108 = arith.constant 0 : i32
    %dma_wait3A_109 = tpu.memref_slice %arg2[%dma_wait3A_102, %dma_wait3A_107, %dma_wait3A_108] : memref<26x16384x64xf32, #tpu.memory_space<hbm>> -> memref<1x512x64xf32, #tpu.memory_space<hbm>>
    %dma_wait3A_110 = tpu.memref_squeeze %dma_wait3A_109 : memref<1x512x64xf32, #tpu.memory_space<hbm>> -> memref<512x64xf32, #tpu.memory_space<hbm>>
    tpu.wait_dma2 semaphore(%arg10 : memref<!tpu.dma_semaphore, #tpu.memory_space<semaphore_mem>>) src(%dma_wait3A_110 : memref<512x64xf32, #tpu.memory_space<hbm>>) dst(%arg7 : memref<512x64xf32, #tpu.memory_space<vmem>>)
    %dma_start3A_111 = arith.constant 2 : i32
    %dma_start3A_112 = arith.constant 0 : i32
    %dma_start3A_113 = tpu.memref_slice %arg6[%dma_start3A_111, %dma_start3A_112] : memref<26x512xi32, #tpu.memory_space<vmem>> -> memref<1x512xi32, #tpu.memory_space<vmem>>
    %dma_start3A_114 = tpu.memref_squeeze %dma_start3A_113 : memref<1x512xi32, #tpu.memory_space<vmem>> -> memref<512xi32, #tpu.memory_space<vmem>>
    %dma_start3A_115 = arith.constant 0 : i32
    %dma_start3A_116 = arith.constant 0 : i32
    %dma_start3A_117 = tpu.memref_slice %arg4[%dma_start3A_115, %dma_start3A_116] : memref<1000000x64xf32, #tpu.memory_space<hbm>> -> memref<1000000x64xf32, #tpu.memory_space<hbm>>
    tpu.enqueue_indirect_dma source(%dma_start3A_117 : memref<1000000x64xf32, #tpu.memory_space<hbm>>) target(%arg9 : memref<512x64xf32, #tpu.memory_space<vmem>>) offsets(%dma_start3A_114 : memref<512xi32, #tpu.memory_space<vmem>>) semaphore(%arg11 : memref<!tpu.dma_semaphore, #tpu.memory_space<semaphore_mem>>) {add = true}
    %dma_wait3A_118 = arith.constant 0 : i32
    %dma_wait3A_119 = arith.constant 0 : i32
    %dma_wait3A_120 = arith.constant 0 : i32
    %dma_wait3A_121 = tpu.memref_slice %arg2[%dma_wait3A_118, %dma_wait3A_119, %dma_wait3A_120] : memref<26x16384x64xf32, #tpu.memory_space<hbm>> -> memref<1x512x64xf32, #tpu.memory_space<hbm>>
    %dma_wait3A_122 = tpu.memref_squeeze %dma_wait3A_121 : memref<1x512x64xf32, #tpu.memory_space<hbm>> -> memref<512x64xf32, #tpu.memory_space<hbm>>
    %dma_wait3A_123 = arith.constant 0 : i32
    %dma_wait3A_124 = arith.constant 0 : i32
    %dma_wait3A_125 = tpu.memref_slice %arg2[%dma_wait3A_118, %dma_wait3A_123, %dma_wait3A_124] : memref<26x16384x64xf32, #tpu.memory_space<hbm>> -> memref<1x512x64xf32, #tpu.memory_space<hbm>>
    %dma_wait3A_126 = tpu.memref_squeeze %dma_wait3A_125 : memref<1x512x64xf32, #tpu.memory_space<hbm>> -> memref<512x64xf32, #tpu.memory_space<hbm>>
    tpu.wait_dma2 semaphore(%arg11 : memref<!tpu.dma_semaphore, #tpu.memory_space<semaphore_mem>>) src(%dma_wait3A_126 : memref<512x64xf32, #tpu.memory_space<hbm>>) dst(%arg7 : memref<512x64xf32, #tpu.memory_space<vmem>>)
    %dma_start3A_127 = arith.constant 2 : i32
    %dma_start3A_128 = arith.constant 0 : i32
    %dma_start3A_129 = tpu.memref_slice %arg5[%dma_start3A_127, %mul3A_2, %dma_start3A_128] : memref<26x16384x64xf32, #tpu.memory_space<hbm>> -> memref<1x512x64xf32, #tpu.memory_space<hbm>>
    %dma_start3A_130 = tpu.memref_squeeze %dma_start3A_129 : memref<1x512x64xf32, #tpu.memory_space<hbm>> -> memref<512x64xf32, #tpu.memory_space<hbm>>
    %dma_start3A_131 = arith.constant 0 : i32
    %dma_start3A_132 = tpu.memref_slice %arg5[%dma_start3A_127, %mul3A_2, %dma_start3A_131] : memref<26x16384x64xf32, #tpu.memory_space<hbm>> -> memref<1x512x64xf32, #tpu.memory_space<hbm>>
    %dma_start3A_133 = tpu.memref_squeeze %dma_start3A_132 : memref<1x512x64xf32, #tpu.memory_space<hbm>> -> memref<512x64xf32, #tpu.memory_space<hbm>>
    tpu.enqueue_dma source(%arg9 : memref<512x64xf32, #tpu.memory_space<vmem>>) target(%dma_start3A_133 : memref<512x64xf32, #tpu.memory_space<hbm>>) target_semaphore(%arg12 : memref<!tpu.dma_semaphore, #tpu.memory_space<semaphore_mem>>)
    %dma_wait3A_134 = arith.constant 0 : i32
    %dma_wait3A_135 = arith.constant 0 : i32
    %dma_wait3A_136 = arith.constant 0 : i32
    %dma_wait3A_137 = tpu.memref_slice %arg2[%dma_wait3A_134, %dma_wait3A_135, %dma_wait3A_136] : memref<26x16384x64xf32, #tpu.memory_space<hbm>> -> memref<1x512x64xf32, #tpu.memory_space<hbm>>
    %dma_wait3A_138 = tpu.memref_squeeze %dma_wait3A_137 : memref<1x512x64xf32, #tpu.memory_space<hbm>> -> memref<512x64xf32, #tpu.memory_space<hbm>>
    %dma_wait3A_139 = arith.constant 0 : i32
    %dma_wait3A_140 = arith.constant 0 : i32
    %dma_wait3A_141 = tpu.memref_slice %arg2[%dma_wait3A_134, %dma_wait3A_139, %dma_wait3A_140] : memref<26x16384x64xf32, #tpu.memory_space<hbm>> -> memref<1x512x64xf32, #tpu.memory_space<hbm>>
    %dma_wait3A_142 = tpu.memref_squeeze %dma_wait3A_141 : memref<1x512x64xf32, #tpu.memory_space<hbm>> -> memref<512x64xf32, #tpu.memory_space<hbm>>
    tpu.wait_dma2 semaphore(%arg12 : memref<!tpu.dma_semaphore, #tpu.memory_space<semaphore_mem>>) src(%dma_wait3A_142 : memref<512x64xf32, #tpu.memory_space<hbm>>) dst(%arg7 : memref<512x64xf32, #tpu.memory_space<vmem>>)
    %dma_start3A_143 = arith.constant 4 : i32
    %dma_start3A_144 = arith.constant 0 : i32
    %dma_start3A_145 = tpu.memref_slice %arg2[%dma_start3A_143, %mul3A_2, %dma_start3A_144] : memref<26x16384x64xf32, #tpu.memory_space<hbm>> -> memref<1x512x64xf32, #tpu.memory_space<hbm>>
    %dma_start3A_146 = tpu.memref_squeeze %dma_start3A_145 : memref<1x512x64xf32, #tpu.memory_space<hbm>> -> memref<512x64xf32, #tpu.memory_space<hbm>>
    %dma_start3A_147 = arith.constant 0 : i32
    %dma_start3A_148 = tpu.memref_slice %arg2[%dma_start3A_143, %mul3A_2, %dma_start3A_147] : memref<26x16384x64xf32, #tpu.memory_space<hbm>> -> memref<1x512x64xf32, #tpu.memory_space<hbm>>
    %dma_start3A_149 = tpu.memref_squeeze %dma_start3A_148 : memref<1x512x64xf32, #tpu.memory_space<hbm>> -> memref<512x64xf32, #tpu.memory_space<hbm>>
    tpu.enqueue_dma source(%dma_start3A_149 : memref<512x64xf32, #tpu.memory_space<hbm>>) target(%arg8 : memref<512x64xf32, #tpu.memory_space<vmem>>) target_semaphore(%arg10 : memref<!tpu.dma_semaphore, #tpu.memory_space<semaphore_mem>>)
    %dma_wait3A_150 = arith.constant 0 : i32
    %dma_wait3A_151 = arith.constant 0 : i32
    %dma_wait3A_152 = arith.constant 0 : i32
    %dma_wait3A_153 = tpu.memref_slice %arg2[%dma_wait3A_150, %dma_wait3A_151, %dma_wait3A_152] : memref<26x16384x64xf32, #tpu.memory_space<hbm>> -> memref<1x512x64xf32, #tpu.memory_space<hbm>>
    %dma_wait3A_154 = tpu.memref_squeeze %dma_wait3A_153 : memref<1x512x64xf32, #tpu.memory_space<hbm>> -> memref<512x64xf32, #tpu.memory_space<hbm>>
    %dma_wait3A_155 = arith.constant 0 : i32
    %dma_wait3A_156 = arith.constant 0 : i32
    %dma_wait3A_157 = tpu.memref_slice %arg2[%dma_wait3A_150, %dma_wait3A_155, %dma_wait3A_156] : memref<26x16384x64xf32, #tpu.memory_space<hbm>> -> memref<1x512x64xf32, #tpu.memory_space<hbm>>
    %dma_wait3A_158 = tpu.memref_squeeze %dma_wait3A_157 : memref<1x512x64xf32, #tpu.memory_space<hbm>> -> memref<512x64xf32, #tpu.memory_space<hbm>>
    tpu.wait_dma2 semaphore(%arg10 : memref<!tpu.dma_semaphore, #tpu.memory_space<semaphore_mem>>) src(%dma_wait3A_158 : memref<512x64xf32, #tpu.memory_space<hbm>>) dst(%arg7 : memref<512x64xf32, #tpu.memory_space<vmem>>)
    %dma_start3A_159 = arith.constant 3 : i32
    %dma_start3A_160 = arith.constant 0 : i32
    %dma_start3A_161 = tpu.memref_slice %arg6[%dma_start3A_159, %dma_start3A_160] : memref<26x512xi32, #tpu.memory_space<vmem>> -> memref<1x512xi32, #tpu.memory_space<vmem>>
    %dma_start3A_162 = tpu.memref_squeeze %dma_start3A_161 : memref<1x512xi32, #tpu.memory_space<vmem>> -> memref<512xi32, #tpu.memory_space<vmem>>
    %dma_start3A_163 = arith.constant 0 : i32
    %dma_start3A_164 = arith.constant 0 : i32
    %dma_start3A_165 = tpu.memref_slice %arg4[%dma_start3A_163, %dma_start3A_164] : memref<1000000x64xf32, #tpu.memory_space<hbm>> -> memref<1000000x64xf32, #tpu.memory_space<hbm>>
    tpu.enqueue_indirect_dma source(%dma_start3A_165 : memref<1000000x64xf32, #tpu.memory_space<hbm>>) target(%arg7 : memref<512x64xf32, #tpu.memory_space<vmem>>) offsets(%dma_start3A_162 : memref<512xi32, #tpu.memory_space<vmem>>) semaphore(%arg11 : memref<!tpu.dma_semaphore, #tpu.memory_space<semaphore_mem>>) {add = true}
    %dma_wait3A_166 = arith.constant 0 : i32
    %dma_wait3A_167 = arith.constant 0 : i32
    %dma_wait3A_168 = arith.constant 0 : i32
    %dma_wait3A_169 = tpu.memref_slice %arg2[%dma_wait3A_166, %dma_wait3A_167, %dma_wait3A_168] : memref<26x16384x64xf32, #tpu.memory_space<hbm>> -> memref<1x512x64xf32, #tpu.memory_space<hbm>>
    %dma_wait3A_170 = tpu.memref_squeeze %dma_wait3A_169 : memref<1x512x64xf32, #tpu.memory_space<hbm>> -> memref<512x64xf32, #tpu.memory_space<hbm>>
    %dma_wait3A_171 = arith.constant 0 : i32
    %dma_wait3A_172 = arith.constant 0 : i32
    %dma_wait3A_173 = tpu.memref_slice %arg2[%dma_wait3A_166, %dma_wait3A_171, %dma_wait3A_172] : memref<26x16384x64xf32, #tpu.memory_space<hbm>> -> memref<1x512x64xf32, #tpu.memory_space<hbm>>
    %dma_wait3A_174 = tpu.memref_squeeze %dma_wait3A_173 : memref<1x512x64xf32, #tpu.memory_space<hbm>> -> memref<512x64xf32, #tpu.memory_space<hbm>>
    tpu.wait_dma2 semaphore(%arg11 : memref<!tpu.dma_semaphore, #tpu.memory_space<semaphore_mem>>) src(%dma_wait3A_174 : memref<512x64xf32, #tpu.memory_space<hbm>>) dst(%arg7 : memref<512x64xf32, #tpu.memory_space<vmem>>)
    %dma_start3A_175 = arith.constant 3 : i32
    %dma_start3A_176 = arith.constant 0 : i32
    %dma_start3A_177 = tpu.memref_slice %arg5[%dma_start3A_175, %mul3A_2, %dma_start3A_176] : memref<26x16384x64xf32, #tpu.memory_space<hbm>> -> memref<1x512x64xf32, #tpu.memory_space<hbm>>
    %dma_start3A_178 = tpu.memref_squeeze %dma_start3A_177 : memref<1x512x64xf32, #tpu.memory_space<hbm>> -> memref<512x64xf32, #tpu.memory_space<hbm>>
    %dma_start3A_179 = arith.constant 0 : i32
    %dma_start3A_180 = tpu.memref_slice %arg5[%dma_start3A_175, %mul3A_2, %dma_start3A_179] : memref<26x16384x64xf32, #tpu.memory_space<hbm>> -> memref<1x512x64xf32, #tpu.memory_space<hbm>>
    %dma_start3A_181 = tpu.memref_squeeze %dma_start3A_180 : memref<1x512x64xf32, #tpu.memory_space<hbm>> -> memref<512x64xf32, #tpu.memory_space<hbm>>
    tpu.enqueue_dma source(%arg7 : memref<512x64xf32, #tpu.memory_space<vmem>>) target(%dma_start3A_181 : memref<512x64xf32, #tpu.memory_space<hbm>>) target_semaphore(%arg12 : memref<!tpu.dma_semaphore, #tpu.memory_space<semaphore_mem>>)
    %dma_wait3A_182 = arith.constant 0 : i32
    %dma_wait3A_183 = arith.constant 0 : i32
    %dma_wait3A_184 = arith.constant 0 : i32
    %dma_wait3A_185 = tpu.memref_slice %arg2[%dma_wait3A_182, %dma_wait3A_183, %dma_wait3A_184] : memref<26x16384x64xf32, #tpu.memory_space<hbm>> -> memref<1x512x64xf32, #tpu.memory_space<hbm>>
    %dma_wait3A_186 = tpu.memref_squeeze %dma_wait3A_185 : memref<1x512x64xf32, #tpu.memory_space<hbm>> -> memref<512x64xf32, #tpu.memory_space<hbm>>
    %dma_wait3A_187 = arith.constant 0 : i32
    %dma_wait3A_188 = arith.constant 0 : i32
    %dma_wait3A_189 = tpu.memref_slice %arg2[%dma_wait3A_182, %dma_wait3A_187, %dma_wait3A_188] : memref<26x16384x64xf32, #tpu.memory_space<hbm>> -> memref<1x512x64xf32, #tpu.memory_space<hbm>>
    %dma_wait3A_190 = tpu.memref_squeeze %dma_wait3A_189 : memref<1x512x64xf32, #tpu.memory_space<hbm>> -> memref<512x64xf32, #tpu.memory_space<hbm>>
    tpu.wait_dma2 semaphore(%arg12 : memref<!tpu.dma_semaphore, #tpu.memory_space<semaphore_mem>>) src(%dma_wait3A_190 : memref<512x64xf32, #tpu.memory_space<hbm>>) dst(%arg7 : memref<512x64xf32, #tpu.memory_space<vmem>>)
    %dma_start3A_191 = arith.constant 5 : i32
    %dma_start3A_192 = arith.constant 0 : i32
    %dma_start3A_193 = tpu.memref_slice %arg2[%dma_start3A_191, %mul3A_2, %dma_start3A_192] : memref<26x16384x64xf32, #tpu.memory_space<hbm>> -> memref<1x512x64xf32, #tpu.memory_space<hbm>>
    %dma_start3A_194 = tpu.memref_squeeze %dma_start3A_193 : memref<1x512x64xf32, #tpu.memory_space<hbm>> -> memref<512x64xf32, #tpu.memory_space<hbm>>
    %dma_start3A_195 = arith.constant 0 : i32
    %dma_start3A_196 = tpu.memref_slice %arg2[%dma_start3A_191, %mul3A_2, %dma_start3A_195] : memref<26x16384x64xf32, #tpu.memory_space<hbm>> -> memref<1x512x64xf32, #tpu.memory_space<hbm>>
    %dma_start3A_197 = tpu.memref_squeeze %dma_start3A_196 : memref<1x512x64xf32, #tpu.memory_space<hbm>> -> memref<512x64xf32, #tpu.memory_space<hbm>>
    tpu.enqueue_dma source(%dma_start3A_197 : memref<512x64xf32, #tpu.memory_space<hbm>>) target(%arg9 : memref<512x64xf32, #tpu.memory_space<vmem>>) target_semaphore(%arg10 : memref<!tpu.dma_semaphore, #tpu.memory_space<semaphore_mem>>)
    %dma_wait3A_198 = arith.constant 0 : i32
    %dma_wait3A_199 = arith.constant 0 : i32
    %dma_wait3A_200 = arith.constant 0 : i32
    %dma_wait3A_201 = tpu.memref_slice %arg2[%dma_wait3A_198, %dma_wait3A_199, %dma_wait3A_200] : memref<26x16384x64xf32, #tpu.memory_space<hbm>> -> memref<1x512x64xf32, #tpu.memory_space<hbm>>
    %dma_wait3A_202 = tpu.memref_squeeze %dma_wait3A_201 : memref<1x512x64xf32, #tpu.memory_space<hbm>> -> memref<512x64xf32, #tpu.memory_space<hbm>>
    %dma_wait3A_203 = arith.constant 0 : i32
    %dma_wait3A_204 = arith.constant 0 : i32
    %dma_wait3A_205 = tpu.memref_slice %arg2[%dma_wait3A_198, %dma_wait3A_203, %dma_wait3A_204] : memref<26x16384x64xf32, #tpu.memory_space<hbm>> -> memref<1x512x64xf32, #tpu.memory_space<hbm>>
    %dma_wait3A_206 = tpu.memref_squeeze %dma_wait3A_205 : memref<1x512x64xf32, #tpu.memory_space<hbm>> -> memref<512x64xf32, #tpu.memory_space<hbm>>
    tpu.wait_dma2 semaphore(%arg10 : memref<!tpu.dma_semaphore, #tpu.memory_space<semaphore_mem>>) src(%dma_wait3A_206 : memref<512x64xf32, #tpu.memory_space<hbm>>) dst(%arg7 : memref<512x64xf32, #tpu.memory_space<vmem>>)
    %dma_start3A_207 = arith.constant 4 : i32
    %dma_start3A_208 = arith.constant 0 : i32
    %dma_start3A_209 = tpu.memref_slice %arg6[%dma_start3A_207, %dma_start3A_208] : memref<26x512xi32, #tpu.memory_space<vmem>> -> memref<1x512xi32, #tpu.memory_space<vmem>>
    %dma_start3A_210 = tpu.memref_squeeze %dma_start3A_209 : memref<1x512xi32, #tpu.memory_space<vmem>> -> memref<512xi32, #tpu.memory_space<vmem>>
    %dma_start3A_211 = arith.constant 0 : i32
    %dma_start3A_212 = arith.constant 0 : i32
    %dma_start3A_213 = tpu.memref_slice %arg4[%dma_start3A_211, %dma_start3A_212] : memref<1000000x64xf32, #tpu.memory_space<hbm>> -> memref<1000000x64xf32, #tpu.memory_space<hbm>>
    tpu.enqueue_indirect_dma source(%dma_start3A_213 : memref<1000000x64xf32, #tpu.memory_space<hbm>>) target(%arg8 : memref<512x64xf32, #tpu.memory_space<vmem>>) offsets(%dma_start3A_210 : memref<512xi32, #tpu.memory_space<vmem>>) semaphore(%arg11 : memref<!tpu.dma_semaphore, #tpu.memory_space<semaphore_mem>>) {add = true}
    %dma_wait3A_214 = arith.constant 0 : i32
    %dma_wait3A_215 = arith.constant 0 : i32
    %dma_wait3A_216 = arith.constant 0 : i32
    %dma_wait3A_217 = tpu.memref_slice %arg2[%dma_wait3A_214, %dma_wait3A_215, %dma_wait3A_216] : memref<26x16384x64xf32, #tpu.memory_space<hbm>> -> memref<1x512x64xf32, #tpu.memory_space<hbm>>
    %dma_wait3A_218 = tpu.memref_squeeze %dma_wait3A_217 : memref<1x512x64xf32, #tpu.memory_space<hbm>> -> memref<512x64xf32, #tpu.memory_space<hbm>>
    %dma_wait3A_219 = arith.constant 0 : i32
    %dma_wait3A_220 = arith.constant 0 : i32
    %dma_wait3A_221 = tpu.memref_slice %arg2[%dma_wait3A_214, %dma_wait3A_219, %dma_wait3A_220] : memref<26x16384x64xf32, #tpu.memory_space<hbm>> -> memref<1x512x64xf32, #tpu.memory_space<hbm>>
    %dma_wait3A_222 = tpu.memref_squeeze %dma_wait3A_221 : memref<1x512x64xf32, #tpu.memory_space<hbm>> -> memref<512x64xf32, #tpu.memory_space<hbm>>
    tpu.wait_dma2 semaphore(%arg11 : memref<!tpu.dma_semaphore, #tpu.memory_space<semaphore_mem>>) src(%dma_wait3A_222 : memref<512x64xf32, #tpu.memory_space<hbm>>) dst(%arg7 : memref<512x64xf32, #tpu.memory_space<vmem>>)
    %dma_start3A_223 = arith.constant 4 : i32
    %dma_start3A_224 = arith.constant 0 : i32
    %dma_start3A_225 = tpu.memref_slice %arg5[%dma_start3A_223, %mul3A_2, %dma_start3A_224] : memref<26x16384x64xf32, #tpu.memory_space<hbm>> -> memref<1x512x64xf32, #tpu.memory_space<hbm>>
    %dma_start3A_226 = tpu.memref_squeeze %dma_start3A_225 : memref<1x512x64xf32, #tpu.memory_space<hbm>> -> memref<512x64xf32, #tpu.memory_space<hbm>>
    %dma_start3A_227 = arith.constant 0 : i32
    %dma_start3A_228 = tpu.memref_slice %arg5[%dma_start3A_223, %mul3A_2, %dma_start3A_227] : memref<26x16384x64xf32, #tpu.memory_space<hbm>> -> memref<1x512x64xf32, #tpu.memory_space<hbm>>
    %dma_start3A_229 = tpu.memref_squeeze %dma_start3A_228 : memref<1x512x64xf32, #tpu.memory_space<hbm>> -> memref<512x64xf32, #tpu.memory_space<hbm>>
    tpu.enqueue_dma source(%arg8 : memref<512x64xf32, #tpu.memory_space<vmem>>) target(%dma_start3A_229 : memref<512x64xf32, #tpu.memory_space<hbm>>) target_semaphore(%arg12 : memref<!tpu.dma_semaphore, #tpu.memory_space<semaphore_mem>>)
    %dma_wait3A_230 = arith.constant 0 : i32
    %dma_wait3A_231 = arith.constant 0 : i32
    %dma_wait3A_232 = arith.constant 0 : i32
    %dma_wait3A_233 = tpu.memref_slice %arg2[%dma_wait3A_230, %dma_wait3A_231, %dma_wait3A_232] : memref<26x16384x64xf32, #tpu.memory_space<hbm>> -> memref<1x512x64xf32, #tpu.memory_space<hbm>>
    %dma_wait3A_234 = tpu.memref_squeeze %dma_wait3A_233 : memref<1x512x64xf32, #tpu.memory_space<hbm>> -> memref<512x64xf32, #tpu.memory_space<hbm>>
    %dma_wait3A_235 = arith.constant 0 : i32
    %dma_wait3A_236 = arith.constant 0 : i32
    %dma_wait3A_237 = tpu.memref_slice %arg2[%dma_wait3A_230, %dma_wait3A_235, %dma_wait3A_236] : memref<26x16384x64xf32, #tpu.memory_space<hbm>> -> memref<1x512x64xf32, #tpu.memory_space<hbm>>
    %dma_wait3A_238 = tpu.memref_squeeze %dma_wait3A_237 : memref<1x512x64xf32, #tpu.memory_space<hbm>> -> memref<512x64xf32, #tpu.memory_space<hbm>>
    tpu.wait_dma2 semaphore(%arg12 : memref<!tpu.dma_semaphore, #tpu.memory_space<semaphore_mem>>) src(%dma_wait3A_238 : memref<512x64xf32, #tpu.memory_space<hbm>>) dst(%arg7 : memref<512x64xf32, #tpu.memory_space<vmem>>)
    %dma_start3A_239 = arith.constant 6 : i32
    %dma_start3A_240 = arith.constant 0 : i32
    %dma_start3A_241 = tpu.memref_slice %arg2[%dma_start3A_239, %mul3A_2, %dma_start3A_240] : memref<26x16384x64xf32, #tpu.memory_space<hbm>> -> memref<1x512x64xf32, #tpu.memory_space<hbm>>
    %dma_start3A_242 = tpu.memref_squeeze %dma_start3A_241 : memref<1x512x64xf32, #tpu.memory_space<hbm>> -> memref<512x64xf32, #tpu.memory_space<hbm>>
    %dma_start3A_243 = arith.constant 0 : i32
    %dma_start3A_244 = tpu.memref_slice %arg2[%dma_start3A_239, %mul3A_2, %dma_start3A_243] : memref<26x16384x64xf32, #tpu.memory_space<hbm>> -> memref<1x512x64xf32, #tpu.memory_space<hbm>>
    %dma_start3A_245 = tpu.memref_squeeze %dma_start3A_244 : memref<1x512x64xf32, #tpu.memory_space<hbm>> -> memref<512x64xf32, #tpu.memory_space<hbm>>
    tpu.enqueue_dma source(%dma_start3A_245 : memref<512x64xf32, #tpu.memory_space<hbm>>) target(%arg7 : memref<512x64xf32, #tpu.memory_space<vmem>>) target_semaphore(%arg10 : memref<!tpu.dma_semaphore, #tpu.memory_space<semaphore_mem>>)
    %dma_wait3A_246 = arith.constant 0 : i32
    %dma_wait3A_247 = arith.constant 0 : i32
    %dma_wait3A_248 = arith.constant 0 : i32
    %dma_wait3A_249 = tpu.memref_slice %arg2[%dma_wait3A_246, %dma_wait3A_247, %dma_wait3A_248] : memref<26x16384x64xf32, #tpu.memory_space<hbm>> -> memref<1x512x64xf32, #tpu.memory_space<hbm>>
    %dma_wait3A_250 = tpu.memref_squeeze %dma_wait3A_249 : memref<1x512x64xf32, #tpu.memory_space<hbm>> -> memref<512x64xf32, #tpu.memory_space<hbm>>
    %dma_wait3A_251 = arith.constant 0 : i32
    %dma_wait3A_252 = arith.constant 0 : i32
    %dma_wait3A_253 = tpu.memref_slice %arg2[%dma_wait3A_246, %dma_wait3A_251, %dma_wait3A_252] : memref<26x16384x64xf32, #tpu.memory_space<hbm>> -> memref<1x512x64xf32, #tpu.memory_space<hbm>>
    %dma_wait3A_254 = tpu.memref_squeeze %dma_wait3A_253 : memref<1x512x64xf32, #tpu.memory_space<hbm>> -> memref<512x64xf32, #tpu.memory_space<hbm>>
    tpu.wait_dma2 semaphore(%arg10 : memref<!tpu.dma_semaphore, #tpu.memory_space<semaphore_mem>>) src(%dma_wait3A_254 : memref<512x64xf32, #tpu.memory_space<hbm>>) dst(%arg7 : memref<512x64xf32, #tpu.memory_space<vmem>>)
    %dma_start3A_255 = arith.constant 5 : i32
    %dma_start3A_256 = arith.constant 0 : i32
    %dma_start3A_257 = tpu.memref_slice %arg6[%dma_start3A_255, %dma_start3A_256] : memref<26x512xi32, #tpu.memory_space<vmem>> -> memref<1x512xi32, #tpu.memory_space<vmem>>
    %dma_start3A_258 = tpu.memref_squeeze %dma_start3A_257 : memref<1x512xi32, #tpu.memory_space<vmem>> -> memref<512xi32, #tpu.memory_space<vmem>>
    %dma_start3A_259 = arith.constant 0 : i32
    %dma_start3A_260 = arith.constant 0 : i32
    %dma_start3A_261 = tpu.memref_slice %arg4[%dma_start3A_259, %dma_start3A_260] : memref<1000000x64xf32, #tpu.memory_space<hbm>> -> memref<1000000x64xf32, #tpu.memory_space<hbm>>
    tpu.enqueue_indirect_dma source(%dma_start3A_261 : memref<1000000x64xf32, #tpu.memory_space<hbm>>) target(%arg9 : memref<512x64xf32, #tpu.memory_space<vmem>>) offsets(%dma_start3A_258 : memref<512xi32, #tpu.memory_space<vmem>>) semaphore(%arg11 : memref<!tpu.dma_semaphore, #tpu.memory_space<semaphore_mem>>) {add = true}
    %dma_wait3A_262 = arith.constant 0 : i32
    %dma_wait3A_263 = arith.constant 0 : i32
    %dma_wait3A_264 = arith.constant 0 : i32
    %dma_wait3A_265 = tpu.memref_slice %arg2[%dma_wait3A_262, %dma_wait3A_263, %dma_wait3A_264] : memref<26x16384x64xf32, #tpu.memory_space<hbm>> -> memref<1x512x64xf32, #tpu.memory_space<hbm>>
    %dma_wait3A_266 = tpu.memref_squeeze %dma_wait3A_265 : memref<1x512x64xf32, #tpu.memory_space<hbm>> -> memref<512x64xf32, #tpu.memory_space<hbm>>
    %dma_wait3A_267 = arith.constant 0 : i32
    %dma_wait3A_268 = arith.constant 0 : i32
    %dma_wait3A_269 = tpu.memref_slice %arg2[%dma_wait3A_262, %dma_wait3A_267, %dma_wait3A_268] : memref<26x16384x64xf32, #tpu.memory_space<hbm>> -> memref<1x512x64xf32, #tpu.memory_space<hbm>>
    %dma_wait3A_270 = tpu.memref_squeeze %dma_wait3A_269 : memref<1x512x64xf32, #tpu.memory_space<hbm>> -> memref<512x64xf32, #tpu.memory_space<hbm>>
    tpu.wait_dma2 semaphore(%arg11 : memref<!tpu.dma_semaphore, #tpu.memory_space<semaphore_mem>>) src(%dma_wait3A_270 : memref<512x64xf32, #tpu.memory_space<hbm>>) dst(%arg7 : memref<512x64xf32, #tpu.memory_space<vmem>>)
    %dma_start3A_271 = arith.constant 5 : i32
    %dma_start3A_272 = arith.constant 0 : i32
    %dma_start3A_273 = tpu.memref_slice %arg5[%dma_start3A_271, %mul3A_2, %dma_start3A_272] : memref<26x16384x64xf32, #tpu.memory_space<hbm>> -> memref<1x512x64xf32, #tpu.memory_space<hbm>>
    %dma_start3A_274 = tpu.memref_squeeze %dma_start3A_273 : memref<1x512x64xf32, #tpu.memory_space<hbm>> -> memref<512x64xf32, #tpu.memory_space<hbm>>
    %dma_start3A_275 = arith.constant 0 : i32
    %dma_start3A_276 = tpu.memref_slice %arg5[%dma_start3A_271, %mul3A_2, %dma_start3A_275] : memref<26x16384x64xf32, #tpu.memory_space<hbm>> -> memref<1x512x64xf32, #tpu.memory_space<hbm>>
    %dma_start3A_277 = tpu.memref_squeeze %dma_start3A_276 : memref<1x512x64xf32, #tpu.memory_space<hbm>> -> memref<512x64xf32, #tpu.memory_space<hbm>>
    tpu.enqueue_dma source(%arg9 : memref<512x64xf32, #tpu.memory_space<vmem>>) target(%dma_start3A_277 : memref<512x64xf32, #tpu.memory_space<hbm>>) target_semaphore(%arg12 : memref<!tpu.dma_semaphore, #tpu.memory_space<semaphore_mem>>)
    %dma_wait3A_278 = arith.constant 0 : i32
    %dma_wait3A_279 = arith.constant 0 : i32
    %dma_wait3A_280 = arith.constant 0 : i32
    %dma_wait3A_281 = tpu.memref_slice %arg2[%dma_wait3A_278, %dma_wait3A_279, %dma_wait3A_280] : memref<26x16384x64xf32, #tpu.memory_space<hbm>> -> memref<1x512x64xf32, #tpu.memory_space<hbm>>
    %dma_wait3A_282 = tpu.memref_squeeze %dma_wait3A_281 : memref<1x512x64xf32, #tpu.memory_space<hbm>> -> memref<512x64xf32, #tpu.memory_space<hbm>>
    %dma_wait3A_283 = arith.constant 0 : i32
    %dma_wait3A_284 = arith.constant 0 : i32
    %dma_wait3A_285 = tpu.memref_slice %arg2[%dma_wait3A_278, %dma_wait3A_283, %dma_wait3A_284] : memref<26x16384x64xf32, #tpu.memory_space<hbm>> -> memref<1x512x64xf32, #tpu.memory_space<hbm>>
    %dma_wait3A_286 = tpu.memref_squeeze %dma_wait3A_285 : memref<1x512x64xf32, #tpu.memory_space<hbm>> -> memref<512x64xf32, #tpu.memory_space<hbm>>
    tpu.wait_dma2 semaphore(%arg12 : memref<!tpu.dma_semaphore, #tpu.memory_space<semaphore_mem>>) src(%dma_wait3A_286 : memref<512x64xf32, #tpu.memory_space<hbm>>) dst(%arg7 : memref<512x64xf32, #tpu.memory_space<vmem>>)
    %dma_start3A_287 = arith.constant 7 : i32
    %dma_start3A_288 = arith.constant 0 : i32
    %dma_start3A_289 = tpu.memref_slice %arg2[%dma_start3A_287, %mul3A_2, %dma_start3A_288] : memref<26x16384x64xf32, #tpu.memory_space<hbm>> -> memref<1x512x64xf32, #tpu.memory_space<hbm>>
    %dma_start3A_290 = tpu.memref_squeeze %dma_start3A_289 : memref<1x512x64xf32, #tpu.memory_space<hbm>> -> memref<512x64xf32, #tpu.memory_space<hbm>>
    %dma_start3A_291 = arith.constant 0 : i32
    %dma_start3A_292 = tpu.memref_slice %arg2[%dma_start3A_287, %mul3A_2, %dma_start3A_291] : memref<26x16384x64xf32, #tpu.memory_space<hbm>> -> memref<1x512x64xf32, #tpu.memory_space<hbm>>
    %dma_start3A_293 = tpu.memref_squeeze %dma_start3A_292 : memref<1x512x64xf32, #tpu.memory_space<hbm>> -> memref<512x64xf32, #tpu.memory_space<hbm>>
    tpu.enqueue_dma source(%dma_start3A_293 : memref<512x64xf32, #tpu.memory_space<hbm>>) target(%arg8 : memref<512x64xf32, #tpu.memory_space<vmem>>) target_semaphore(%arg10 : memref<!tpu.dma_semaphore, #tpu.memory_space<semaphore_mem>>)
    %dma_wait3A_294 = arith.constant 0 : i32
    %dma_wait3A_295 = arith.constant 0 : i32
    %dma_wait3A_296 = arith.constant 0 : i32
    %dma_wait3A_297 = tpu.memref_slice %arg2[%dma_wait3A_294, %dma_wait3A_295, %dma_wait3A_296] : memref<26x16384x64xf32, #tpu.memory_space<hbm>> -> memref<1x512x64xf32, #tpu.memory_space<hbm>>
    %dma_wait3A_298 = tpu.memref_squeeze %dma_wait3A_297 : memref<1x512x64xf32, #tpu.memory_space<hbm>> -> memref<512x64xf32, #tpu.memory_space<hbm>>
    %dma_wait3A_299 = arith.constant 0 : i32
    %dma_wait3A_300 = arith.constant 0 : i32
    %dma_wait3A_301 = tpu.memref_slice %arg2[%dma_wait3A_294, %dma_wait3A_299, %dma_wait3A_300] : memref<26x16384x64xf32, #tpu.memory_space<hbm>> -> memref<1x512x64xf32, #tpu.memory_space<hbm>>
    %dma_wait3A_302 = tpu.memref_squeeze %dma_wait3A_301 : memref<1x512x64xf32, #tpu.memory_space<hbm>> -> memref<512x64xf32, #tpu.memory_space<hbm>>
    tpu.wait_dma2 semaphore(%arg10 : memref<!tpu.dma_semaphore, #tpu.memory_space<semaphore_mem>>) src(%dma_wait3A_302 : memref<512x64xf32, #tpu.memory_space<hbm>>) dst(%arg7 : memref<512x64xf32, #tpu.memory_space<vmem>>)
    %dma_start3A_303 = arith.constant 6 : i32
    %dma_start3A_304 = arith.constant 0 : i32
    %dma_start3A_305 = tpu.memref_slice %arg6[%dma_start3A_303, %dma_start3A_304] : memref<26x512xi32, #tpu.memory_space<vmem>> -> memref<1x512xi32, #tpu.memory_space<vmem>>
    %dma_start3A_306 = tpu.memref_squeeze %dma_start3A_305 : memref<1x512xi32, #tpu.memory_space<vmem>> -> memref<512xi32, #tpu.memory_space<vmem>>
    %dma_start3A_307 = arith.constant 0 : i32
    %dma_start3A_308 = arith.constant 0 : i32
    %dma_start3A_309 = tpu.memref_slice %arg4[%dma_start3A_307, %dma_start3A_308] : memref<1000000x64xf32, #tpu.memory_space<hbm>> -> memref<1000000x64xf32, #tpu.memory_space<hbm>>
    tpu.enqueue_indirect_dma source(%dma_start3A_309 : memref<1000000x64xf32, #tpu.memory_space<hbm>>) target(%arg7 : memref<512x64xf32, #tpu.memory_space<vmem>>) offsets(%dma_start3A_306 : memref<512xi32, #tpu.memory_space<vmem>>) semaphore(%arg11 : memref<!tpu.dma_semaphore, #tpu.memory_space<semaphore_mem>>) {add = true}
    %dma_wait3A_310 = arith.constant 0 : i32
    %dma_wait3A_311 = arith.constant 0 : i32
    %dma_wait3A_312 = arith.constant 0 : i32
    %dma_wait3A_313 = tpu.memref_slice %arg2[%dma_wait3A_310, %dma_wait3A_311, %dma_wait3A_312] : memref<26x16384x64xf32, #tpu.memory_space<hbm>> -> memref<1x512x64xf32, #tpu.memory_space<hbm>>
    %dma_wait3A_314 = tpu.memref_squeeze %dma_wait3A_313 : memref<1x512x64xf32, #tpu.memory_space<hbm>> -> memref<512x64xf32, #tpu.memory_space<hbm>>
    %dma_wait3A_315 = arith.constant 0 : i32
    %dma_wait3A_316 = arith.constant 0 : i32
    %dma_wait3A_317 = tpu.memref_slice %arg2[%dma_wait3A_310, %dma_wait3A_315, %dma_wait3A_316] : memref<26x16384x64xf32, #tpu.memory_space<hbm>> -> memref<1x512x64xf32, #tpu.memory_space<hbm>>
    %dma_wait3A_318 = tpu.memref_squeeze %dma_wait3A_317 : memref<1x512x64xf32, #tpu.memory_space<hbm>> -> memref<512x64xf32, #tpu.memory_space<hbm>>
    tpu.wait_dma2 semaphore(%arg11 : memref<!tpu.dma_semaphore, #tpu.memory_space<semaphore_mem>>) src(%dma_wait3A_318 : memref<512x64xf32, #tpu.memory_space<hbm>>) dst(%arg7 : memref<512x64xf32, #tpu.memory_space<vmem>>)
    %dma_start3A_319 = arith.constant 6 : i32
    %dma_start3A_320 = arith.constant 0 : i32
    %dma_start3A_321 = tpu.memref_slice %arg5[%dma_start3A_319, %mul3A_2, %dma_start3A_320] : memref<26x16384x64xf32, #tpu.memory_space<hbm>> -> memref<1x512x64xf32, #tpu.memory_space<hbm>>
    %dma_start3A_322 = tpu.memref_squeeze %dma_start3A_321 : memref<1x512x64xf32, #tpu.memory_space<hbm>> -> memref<512x64xf32, #tpu.memory_space<hbm>>
    %dma_start3A_323 = arith.constant 0 : i32
    %dma_start3A_324 = tpu.memref_slice %arg5[%dma_start3A_319, %mul3A_2, %dma_start3A_323] : memref<26x16384x64xf32, #tpu.memory_space<hbm>> -> memref<1x512x64xf32, #tpu.memory_space<hbm>>
    %dma_start3A_325 = tpu.memref_squeeze %dma_start3A_324 : memref<1x512x64xf32, #tpu.memory_space<hbm>> -> memref<512x64xf32, #tpu.memory_space<hbm>>
    tpu.enqueue_dma source(%arg7 : memref<512x64xf32, #tpu.memory_space<vmem>>) target(%dma_start3A_325 : memref<512x64xf32, #tpu.memory_space<hbm>>) target_semaphore(%arg12 : memref<!tpu.dma_semaphore, #tpu.memory_space<semaphore_mem>>)
    %dma_wait3A_326 = arith.constant 0 : i32
    %dma_wait3A_327 = arith.constant 0 : i32
    %dma_wait3A_328 = arith.constant 0 : i32
    %dma_wait3A_329 = tpu.memref_slice %arg2[%dma_wait3A_326, %dma_wait3A_327, %dma_wait3A_328] : memref<26x16384x64xf32, #tpu.memory_space<hbm>> -> memref<1x512x64xf32, #tpu.memory_space<hbm>>
    %dma_wait3A_330 = tpu.memref_squeeze %dma_wait3A_329 : memref<1x512x64xf32, #tpu.memory_space<hbm>> -> memref<512x64xf32, #tpu.memory_space<hbm>>
    %dma_wait3A_331 = arith.constant 0 : i32
    %dma_wait3A_332 = arith.constant 0 : i32
    %dma_wait3A_333 = tpu.memref_slice %arg2[%dma_wait3A_326, %dma_wait3A_331, %dma_wait3A_332] : memref<26x16384x64xf32, #tpu.memory_space<hbm>> -> memref<1x512x64xf32, #tpu.memory_space<hbm>>
    %dma_wait3A_334 = tpu.memref_squeeze %dma_wait3A_333 : memref<1x512x64xf32, #tpu.memory_space<hbm>> -> memref<512x64xf32, #tpu.memory_space<hbm>>
    tpu.wait_dma2 semaphore(%arg12 : memref<!tpu.dma_semaphore, #tpu.memory_space<semaphore_mem>>) src(%dma_wait3A_334 : memref<512x64xf32, #tpu.memory_space<hbm>>) dst(%arg7 : memref<512x64xf32, #tpu.memory_space<vmem>>)
    %dma_start3A_335 = arith.constant 8 : i32
    %dma_start3A_336 = arith.constant 0 : i32
    %dma_start3A_337 = tpu.memref_slice %arg2[%dma_start3A_335, %mul3A_2, %dma_start3A_336] : memref<26x16384x64xf32, #tpu.memory_space<hbm>> -> memref<1x512x64xf32, #tpu.memory_space<hbm>>
    %dma_start3A_338 = tpu.memref_squeeze %dma_start3A_337 : memref<1x512x64xf32, #tpu.memory_space<hbm>> -> memref<512x64xf32, #tpu.memory_space<hbm>>
    %dma_start3A_339 = arith.constant 0 : i32
    %dma_start3A_340 = tpu.memref_slice %arg2[%dma_start3A_335, %mul3A_2, %dma_start3A_339] : memref<26x16384x64xf32, #tpu.memory_space<hbm>> -> memref<1x512x64xf32, #tpu.memory_space<hbm>>
    %dma_start3A_341 = tpu.memref_squeeze %dma_start3A_340 : memref<1x512x64xf32, #tpu.memory_space<hbm>> -> memref<512x64xf32, #tpu.memory_space<hbm>>
    tpu.enqueue_dma source(%dma_start3A_341 : memref<512x64xf32, #tpu.memory_space<hbm>>) target(%arg9 : memref<512x64xf32, #tpu.memory_space<vmem>>) target_semaphore(%arg10 : memref<!tpu.dma_semaphore, #tpu.memory_space<semaphore_mem>>)
    %dma_wait3A_342 = arith.constant 0 : i32
    %dma_wait3A_343 = arith.constant 0 : i32
    %dma_wait3A_344 = arith.constant 0 : i32
    %dma_wait3A_345 = tpu.memref_slice %arg2[%dma_wait3A_342, %dma_wait3A_343, %dma_wait3A_344] : memref<26x16384x64xf32, #tpu.memory_space<hbm>> -> memref<1x512x64xf32, #tpu.memory_space<hbm>>
    %dma_wait3A_346 = tpu.memref_squeeze %dma_wait3A_345 : memref<1x512x64xf32, #tpu.memory_space<hbm>> -> memref<512x64xf32, #tpu.memory_space<hbm>>
    %dma_wait3A_347 = arith.constant 0 : i32
    %dma_wait3A_348 = arith.constant 0 : i32
    %dma_wait3A_349 = tpu.memref_slice %arg2[%dma_wait3A_342, %dma_wait3A_347, %dma_wait3A_348] : memref<26x16384x64xf32, #tpu.memory_space<hbm>> -> memref<1x512x64xf32, #tpu.memory_space<hbm>>
    %dma_wait3A_350 = tpu.memref_squeeze %dma_wait3A_349 : memref<1x512x64xf32, #tpu.memory_space<hbm>> -> memref<512x64xf32, #tpu.memory_space<hbm>>
    tpu.wait_dma2 semaphore(%arg10 : memref<!tpu.dma_semaphore, #tpu.memory_space<semaphore_mem>>) src(%dma_wait3A_350 : memref<512x64xf32, #tpu.memory_space<hbm>>) dst(%arg7 : memref<512x64xf32, #tpu.memory_space<vmem>>)
    %dma_start3A_351 = arith.constant 7 : i32
    %dma_start3A_352 = arith.constant 0 : i32
    %dma_start3A_353 = tpu.memref_slice %arg6[%dma_start3A_351, %dma_start3A_352] : memref<26x512xi32, #tpu.memory_space<vmem>> -> memref<1x512xi32, #tpu.memory_space<vmem>>
    %dma_start3A_354 = tpu.memref_squeeze %dma_start3A_353 : memref<1x512xi32, #tpu.memory_space<vmem>> -> memref<512xi32, #tpu.memory_space<vmem>>
    %dma_start3A_355 = arith.constant 0 : i32
    %dma_start3A_356 = arith.constant 0 : i32
    %dma_start3A_357 = tpu.memref_slice %arg4[%dma_start3A_355, %dma_start3A_356] : memref<1000000x64xf32, #tpu.memory_space<hbm>> -> memref<1000000x64xf32, #tpu.memory_space<hbm>>
    tpu.enqueue_indirect_dma source(%dma_start3A_357 : memref<1000000x64xf32, #tpu.memory_space<hbm>>) target(%arg8 : memref<512x64xf32, #tpu.memory_space<vmem>>) offsets(%dma_start3A_354 : memref<512xi32, #tpu.memory_space<vmem>>) semaphore(%arg11 : memref<!tpu.dma_semaphore, #tpu.memory_space<semaphore_mem>>) {add = true}
    %dma_wait3A_358 = arith.constant 0 : i32
    %dma_wait3A_359 = arith.constant 0 : i32
    %dma_wait3A_360 = arith.constant 0 : i32
    %dma_wait3A_361 = tpu.memref_slice %arg2[%dma_wait3A_358, %dma_wait3A_359, %dma_wait3A_360] : memref<26x16384x64xf32, #tpu.memory_space<hbm>> -> memref<1x512x64xf32, #tpu.memory_space<hbm>>
    %dma_wait3A_362 = tpu.memref_squeeze %dma_wait3A_361 : memref<1x512x64xf32, #tpu.memory_space<hbm>> -> memref<512x64xf32, #tpu.memory_space<hbm>>
    %dma_wait3A_363 = arith.constant 0 : i32
    %dma_wait3A_364 = arith.constant 0 : i32
    %dma_wait3A_365 = tpu.memref_slice %arg2[%dma_wait3A_358, %dma_wait3A_363, %dma_wait3A_364] : memref<26x16384x64xf32, #tpu.memory_space<hbm>> -> memref<1x512x64xf32, #tpu.memory_space<hbm>>
    %dma_wait3A_366 = tpu.memref_squeeze %dma_wait3A_365 : memref<1x512x64xf32, #tpu.memory_space<hbm>> -> memref<512x64xf32, #tpu.memory_space<hbm>>
    tpu.wait_dma2 semaphore(%arg11 : memref<!tpu.dma_semaphore, #tpu.memory_space<semaphore_mem>>) src(%dma_wait3A_366 : memref<512x64xf32, #tpu.memory_space<hbm>>) dst(%arg7 : memref<512x64xf32, #tpu.memory_space<vmem>>)
    %dma_start3A_367 = arith.constant 7 : i32
    %dma_start3A_368 = arith.constant 0 : i32
    %dma_start3A_369 = tpu.memref_slice %arg5[%dma_start3A_367, %mul3A_2, %dma_start3A_368] : memref<26x16384x64xf32, #tpu.memory_space<hbm>> -> memref<1x512x64xf32, #tpu.memory_space<hbm>>
    %dma_start3A_370 = tpu.memref_squeeze %dma_start3A_369 : memref<1x512x64xf32, #tpu.memory_space<hbm>> -> memref<512x64xf32, #tpu.memory_space<hbm>>
    %dma_start3A_371 = arith.constant 0 : i32
    %dma_start3A_372 = tpu.memref_slice %arg5[%dma_start3A_367, %mul3A_2, %dma_start3A_371] : memref<26x16384x64xf32, #tpu.memory_space<hbm>> -> memref<1x512x64xf32, #tpu.memory_space<hbm>>
    %dma_start3A_373 = tpu.memref_squeeze %dma_start3A_372 : memref<1x512x64xf32, #tpu.memory_space<hbm>> -> memref<512x64xf32, #tpu.memory_space<hbm>>
    tpu.enqueue_dma source(%arg8 : memref<512x64xf32, #tpu.memory_space<vmem>>) target(%dma_start3A_373 : memref<512x64xf32, #tpu.memory_space<hbm>>) target_semaphore(%arg12 : memref<!tpu.dma_semaphore, #tpu.memory_space<semaphore_mem>>)
    %dma_wait3A_374 = arith.constant 0 : i32
    %dma_wait3A_375 = arith.constant 0 : i32
    %dma_wait3A_376 = arith.constant 0 : i32
    %dma_wait3A_377 = tpu.memref_slice %arg2[%dma_wait3A_374, %dma_wait3A_375, %dma_wait3A_376] : memref<26x16384x64xf32, #tpu.memory_space<hbm>> -> memref<1x512x64xf32, #tpu.memory_space<hbm>>
    %dma_wait3A_378 = tpu.memref_squeeze %dma_wait3A_377 : memref<1x512x64xf32, #tpu.memory_space<hbm>> -> memref<512x64xf32, #tpu.memory_space<hbm>>
    %dma_wait3A_379 = arith.constant 0 : i32
    %dma_wait3A_380 = arith.constant 0 : i32
    %dma_wait3A_381 = tpu.memref_slice %arg2[%dma_wait3A_374, %dma_wait3A_379, %dma_wait3A_380] : memref<26x16384x64xf32, #tpu.memory_space<hbm>> -> memref<1x512x64xf32, #tpu.memory_space<hbm>>
    %dma_wait3A_382 = tpu.memref_squeeze %dma_wait3A_381 : memref<1x512x64xf32, #tpu.memory_space<hbm>> -> memref<512x64xf32, #tpu.memory_space<hbm>>
    tpu.wait_dma2 semaphore(%arg12 : memref<!tpu.dma_semaphore, #tpu.memory_space<semaphore_mem>>) src(%dma_wait3A_382 : memref<512x64xf32, #tpu.memory_space<hbm>>) dst(%arg7 : memref<512x64xf32, #tpu.memory_space<vmem>>)
    %dma_start3A_383 = arith.constant 9 : i32
    %dma_start3A_384 = arith.constant 0 : i32
    %dma_start3A_385 = tpu.memref_slice %arg2[%dma_start3A_383, %mul3A_2, %dma_start3A_384] : memref<26x16384x64xf32, #tpu.memory_space<hbm>> -> memref<1x512x64xf32, #tpu.memory_space<hbm>>
    %dma_start3A_386 = tpu.memref_squeeze %dma_start3A_385 : memref<1x512x64xf32, #tpu.memory_space<hbm>> -> memref<512x64xf32, #tpu.memory_space<hbm>>
    %dma_start3A_387 = arith.constant 0 : i32
    %dma_start3A_388 = tpu.memref_slice %arg2[%dma_start3A_383, %mul3A_2, %dma_start3A_387] : memref<26x16384x64xf32, #tpu.memory_space<hbm>> -> memref<1x512x64xf32, #tpu.memory_space<hbm>>
    %dma_start3A_389 = tpu.memref_squeeze %dma_start3A_388 : memref<1x512x64xf32, #tpu.memory_space<hbm>> -> memref<512x64xf32, #tpu.memory_space<hbm>>
    tpu.enqueue_dma source(%dma_start3A_389 : memref<512x64xf32, #tpu.memory_space<hbm>>) target(%arg7 : memref<512x64xf32, #tpu.memory_space<vmem>>) target_semaphore(%arg10 : memref<!tpu.dma_semaphore, #tpu.memory_space<semaphore_mem>>)
    %dma_wait3A_390 = arith.constant 0 : i32
    %dma_wait3A_391 = arith.constant 0 : i32
    %dma_wait3A_392 = arith.constant 0 : i32
    %dma_wait3A_393 = tpu.memref_slice %arg2[%dma_wait3A_390, %dma_wait3A_391, %dma_wait3A_392] : memref<26x16384x64xf32, #tpu.memory_space<hbm>> -> memref<1x512x64xf32, #tpu.memory_space<hbm>>
    %dma_wait3A_394 = tpu.memref_squeeze %dma_wait3A_393 : memref<1x512x64xf32, #tpu.memory_space<hbm>> -> memref<512x64xf32, #tpu.memory_space<hbm>>
    %dma_wait3A_395 = arith.constant 0 : i32
    %dma_wait3A_396 = arith.constant 0 : i32
    %dma_wait3A_397 = tpu.memref_slice %arg2[%dma_wait3A_390, %dma_wait3A_395, %dma_wait3A_396] : memref<26x16384x64xf32, #tpu.memory_space<hbm>> -> memref<1x512x64xf32, #tpu.memory_space<hbm>>
    %dma_wait3A_398 = tpu.memref_squeeze %dma_wait3A_397 : memref<1x512x64xf32, #tpu.memory_space<hbm>> -> memref<512x64xf32, #tpu.memory_space<hbm>>
    tpu.wait_dma2 semaphore(%arg10 : memref<!tpu.dma_semaphore, #tpu.memory_space<semaphore_mem>>) src(%dma_wait3A_398 : memref<512x64xf32, #tpu.memory_space<hbm>>) dst(%arg7 : memref<512x64xf32, #tpu.memory_space<vmem>>)
    %dma_start3A_399 = arith.constant 8 : i32
    %dma_start3A_400 = arith.constant 0 : i32
    %dma_start3A_401 = tpu.memref_slice %arg6[%dma_start3A_399, %dma_start3A_400] : memref<26x512xi32, #tpu.memory_space<vmem>> -> memref<1x512xi32, #tpu.memory_space<vmem>>
    %dma_start3A_402 = tpu.memref_squeeze %dma_start3A_401 : memref<1x512xi32, #tpu.memory_space<vmem>> -> memref<512xi32, #tpu.memory_space<vmem>>
    %dma_start3A_403 = arith.constant 0 : i32
    %dma_start3A_404 = arith.constant 0 : i32
    %dma_start3A_405 = tpu.memref_slice %arg4[%dma_start3A_403, %dma_start3A_404] : memref<1000000x64xf32, #tpu.memory_space<hbm>> -> memref<1000000x64xf32, #tpu.memory_space<hbm>>
    tpu.enqueue_indirect_dma source(%dma_start3A_405 : memref<1000000x64xf32, #tpu.memory_space<hbm>>) target(%arg9 : memref<512x64xf32, #tpu.memory_space<vmem>>) offsets(%dma_start3A_402 : memref<512xi32, #tpu.memory_space<vmem>>) semaphore(%arg11 : memref<!tpu.dma_semaphore, #tpu.memory_space<semaphore_mem>>) {add = true}
    %dma_wait3A_406 = arith.constant 0 : i32
    %dma_wait3A_407 = arith.constant 0 : i32
    %dma_wait3A_408 = arith.constant 0 : i32
    %dma_wait3A_409 = tpu.memref_slice %arg2[%dma_wait3A_406, %dma_wait3A_407, %dma_wait3A_408] : memref<26x16384x64xf32, #tpu.memory_space<hbm>> -> memref<1x512x64xf32, #tpu.memory_space<hbm>>
    %dma_wait3A_410 = tpu.memref_squeeze %dma_wait3A_409 : memref<1x512x64xf32, #tpu.memory_space<hbm>> -> memref<512x64xf32, #tpu.memory_space<hbm>>
    %dma_wait3A_411 = arith.constant 0 : i32
    %dma_wait3A_412 = arith.constant 0 : i32
    %dma_wait3A_413 = tpu.memref_slice %arg2[%dma_wait3A_406, %dma_wait3A_411, %dma_wait3A_412] : memref<26x16384x64xf32, #tpu.memory_space<hbm>> -> memref<1x512x64xf32, #tpu.memory_space<hbm>>
    %dma_wait3A_414 = tpu.memref_squeeze %dma_wait3A_413 : memref<1x512x64xf32, #tpu.memory_space<hbm>> -> memref<512x64xf32, #tpu.memory_space<hbm>>
    tpu.wait_dma2 semaphore(%arg11 : memref<!tpu.dma_semaphore, #tpu.memory_space<semaphore_mem>>) src(%dma_wait3A_414 : memref<512x64xf32, #tpu.memory_space<hbm>>) dst(%arg7 : memref<512x64xf32, #tpu.memory_space<vmem>>)
    %dma_start3A_415 = arith.constant 8 : i32
    %dma_start3A_416 = arith.constant 0 : i32
    %dma_start3A_417 = tpu.memref_slice %arg5[%dma_start3A_415, %mul3A_2, %dma_start3A_416] : memref<26x16384x64xf32, #tpu.memory_space<hbm>> -> memref<1x512x64xf32, #tpu.memory_space<hbm>>
    %dma_start3A_418 = tpu.memref_squeeze %dma_start3A_417 : memref<1x512x64xf32, #tpu.memory_space<hbm>> -> memref<512x64xf32, #tpu.memory_space<hbm>>
    %dma_start3A_419 = arith.constant 0 : i32
    %dma_start3A_420 = tpu.memref_slice %arg5[%dma_start3A_415, %mul3A_2, %dma_start3A_419] : memref<26x16384x64xf32, #tpu.memory_space<hbm>> -> memref<1x512x64xf32, #tpu.memory_space<hbm>>
    %dma_start3A_421 = tpu.memref_squeeze %dma_start3A_420 : memref<1x512x64xf32, #tpu.memory_space<hbm>> -> memref<512x64xf32, #tpu.memory_space<hbm>>
    tpu.enqueue_dma source(%arg9 : memref<512x64xf32, #tpu.memory_space<vmem>>) target(%dma_start3A_421 : memref<512x64xf32, #tpu.memory_space<hbm>>) target_semaphore(%arg12 : memref<!tpu.dma_semaphore, #tpu.memory_space<semaphore_mem>>)
    %dma_wait3A_422 = arith.constant 0 : i32
    %dma_wait3A_423 = arith.constant 0 : i32
    %dma_wait3A_424 = arith.constant 0 : i32
    %dma_wait3A_425 = tpu.memref_slice %arg2[%dma_wait3A_422, %dma_wait3A_423, %dma_wait3A_424] : memref<26x16384x64xf32, #tpu.memory_space<hbm>> -> memref<1x512x64xf32, #tpu.memory_space<hbm>>
    %dma_wait3A_426 = tpu.memref_squeeze %dma_wait3A_425 : memref<1x512x64xf32, #tpu.memory_space<hbm>> -> memref<512x64xf32, #tpu.memory_space<hbm>>
    %dma_wait3A_427 = arith.constant 0 : i32
    %dma_wait3A_428 = arith.constant 0 : i32
    %dma_wait3A_429 = tpu.memref_slice %arg2[%dma_wait3A_422, %dma_wait3A_427, %dma_wait3A_428] : memref<26x16384x64xf32, #tpu.memory_space<hbm>> -> memref<1x512x64xf32, #tpu.memory_space<hbm>>
    %dma_wait3A_430 = tpu.memref_squeeze %dma_wait3A_429 : memref<1x512x64xf32, #tpu.memory_space<hbm>> -> memref<512x64xf32, #tpu.memory_space<hbm>>
    tpu.wait_dma2 semaphore(%arg12 : memref<!tpu.dma_semaphore, #tpu.memory_space<semaphore_mem>>) src(%dma_wait3A_430 : memref<512x64xf32, #tpu.memory_space<hbm>>) dst(%arg7 : memref<512x64xf32, #tpu.memory_space<vmem>>)
    %dma_start3A_431 = arith.constant 10 : i32
    %dma_start3A_432 = arith.constant 0 : i32
    %dma_start3A_433 = tpu.memref_slice %arg2[%dma_start3A_431, %mul3A_2, %dma_start3A_432] : memref<26x16384x64xf32, #tpu.memory_space<hbm>> -> memref<1x512x64xf32, #tpu.memory_space<hbm>>
    %dma_start3A_434 = tpu.memref_squeeze %dma_start3A_433 : memref<1x512x64xf32, #tpu.memory_space<hbm>> -> memref<512x64xf32, #tpu.memory_space<hbm>>
    %dma_start3A_435 = arith.constant 0 : i32
    %dma_start3A_436 = tpu.memref_slice %arg2[%dma_start3A_431, %mul3A_2, %dma_start3A_435] : memref<26x16384x64xf32, #tpu.memory_space<hbm>> -> memref<1x512x64xf32, #tpu.memory_space<hbm>>
    %dma_start3A_437 = tpu.memref_squeeze %dma_start3A_436 : memref<1x512x64xf32, #tpu.memory_space<hbm>> -> memref<512x64xf32, #tpu.memory_space<hbm>>
    tpu.enqueue_dma source(%dma_start3A_437 : memref<512x64xf32, #tpu.memory_space<hbm>>) target(%arg8 : memref<512x64xf32, #tpu.memory_space<vmem>>) target_semaphore(%arg10 : memref<!tpu.dma_semaphore, #tpu.memory_space<semaphore_mem>>)
    %dma_wait3A_438 = arith.constant 0 : i32
    %dma_wait3A_439 = arith.constant 0 : i32
    %dma_wait3A_440 = arith.constant 0 : i32
    %dma_wait3A_441 = tpu.memref_slice %arg2[%dma_wait3A_438, %dma_wait3A_439, %dma_wait3A_440] : memref<26x16384x64xf32, #tpu.memory_space<hbm>> -> memref<1x512x64xf32, #tpu.memory_space<hbm>>
    %dma_wait3A_442 = tpu.memref_squeeze %dma_wait3A_441 : memref<1x512x64xf32, #tpu.memory_space<hbm>> -> memref<512x64xf32, #tpu.memory_space<hbm>>
    %dma_wait3A_443 = arith.constant 0 : i32
    %dma_wait3A_444 = arith.constant 0 : i32
    %dma_wait3A_445 = tpu.memref_slice %arg2[%dma_wait3A_438, %dma_wait3A_443, %dma_wait3A_444] : memref<26x16384x64xf32, #tpu.memory_space<hbm>> -> memref<1x512x64xf32, #tpu.memory_space<hbm>>
    %dma_wait3A_446 = tpu.memref_squeeze %dma_wait3A_445 : memref<1x512x64xf32, #tpu.memory_space<hbm>> -> memref<512x64xf32, #tpu.memory_space<hbm>>
    tpu.wait_dma2 semaphore(%arg10 : memref<!tpu.dma_semaphore, #tpu.memory_space<semaphore_mem>>) src(%dma_wait3A_446 : memref<512x64xf32, #tpu.memory_space<hbm>>) dst(%arg7 : memref<512x64xf32, #tpu.memory_space<vmem>>)
    %dma_start3A_447 = arith.constant 9 : i32
    %dma_start3A_448 = arith.constant 0 : i32
    %dma_start3A_449 = tpu.memref_slice %arg6[%dma_start3A_447, %dma_start3A_448] : memref<26x512xi32, #tpu.memory_space<vmem>> -> memref<1x512xi32, #tpu.memory_space<vmem>>
    %dma_start3A_450 = tpu.memref_squeeze %dma_start3A_449 : memref<1x512xi32, #tpu.memory_space<vmem>> -> memref<512xi32, #tpu.memory_space<vmem>>
    %dma_start3A_451 = arith.constant 0 : i32
    %dma_start3A_452 = arith.constant 0 : i32
    %dma_start3A_453 = tpu.memref_slice %arg4[%dma_start3A_451, %dma_start3A_452] : memref<1000000x64xf32, #tpu.memory_space<hbm>> -> memref<1000000x64xf32, #tpu.memory_space<hbm>>
    tpu.enqueue_indirect_dma source(%dma_start3A_453 : memref<1000000x64xf32, #tpu.memory_space<hbm>>) target(%arg7 : memref<512x64xf32, #tpu.memory_space<vmem>>) offsets(%dma_start3A_450 : memref<512xi32, #tpu.memory_space<vmem>>) semaphore(%arg11 : memref<!tpu.dma_semaphore, #tpu.memory_space<semaphore_mem>>) {add = true}
    %dma_wait3A_454 = arith.constant 0 : i32
    %dma_wait3A_455 = arith.constant 0 : i32
    %dma_wait3A_456 = arith.constant 0 : i32
    %dma_wait3A_457 = tpu.memref_slice %arg2[%dma_wait3A_454, %dma_wait3A_455, %dma_wait3A_456] : memref<26x16384x64xf32, #tpu.memory_space<hbm>> -> memref<1x512x64xf32, #tpu.memory_space<hbm>>
    %dma_wait3A_458 = tpu.memref_squeeze %dma_wait3A_457 : memref<1x512x64xf32, #tpu.memory_space<hbm>> -> memref<512x64xf32, #tpu.memory_space<hbm>>
    %dma_wait3A_459 = arith.constant 0 : i32
    %dma_wait3A_460 = arith.constant 0 : i32
    %dma_wait3A_461 = tpu.memref_slice %arg2[%dma_wait3A_454, %dma_wait3A_459, %dma_wait3A_460] : memref<26x16384x64xf32, #tpu.memory_space<hbm>> -> memref<1x512x64xf32, #tpu.memory_space<hbm>>
    %dma_wait3A_462 = tpu.memref_squeeze %dma_wait3A_461 : memref<1x512x64xf32, #tpu.memory_space<hbm>> -> memref<512x64xf32, #tpu.memory_space<hbm>>
    tpu.wait_dma2 semaphore(%arg11 : memref<!tpu.dma_semaphore, #tpu.memory_space<semaphore_mem>>) src(%dma_wait3A_462 : memref<512x64xf32, #tpu.memory_space<hbm>>) dst(%arg7 : memref<512x64xf32, #tpu.memory_space<vmem>>)
    %dma_start3A_463 = arith.constant 9 : i32
    %dma_start3A_464 = arith.constant 0 : i32
    %dma_start3A_465 = tpu.memref_slice %arg5[%dma_start3A_463, %mul3A_2, %dma_start3A_464] : memref<26x16384x64xf32, #tpu.memory_space<hbm>> -> memref<1x512x64xf32, #tpu.memory_space<hbm>>
    %dma_start3A_466 = tpu.memref_squeeze %dma_start3A_465 : memref<1x512x64xf32, #tpu.memory_space<hbm>> -> memref<512x64xf32, #tpu.memory_space<hbm>>
    %dma_start3A_467 = arith.constant 0 : i32
    %dma_start3A_468 = tpu.memref_slice %arg5[%dma_start3A_463, %mul3A_2, %dma_start3A_467] : memref<26x16384x64xf32, #tpu.memory_space<hbm>> -> memref<1x512x64xf32, #tpu.memory_space<hbm>>
    %dma_start3A_469 = tpu.memref_squeeze %dma_start3A_468 : memref<1x512x64xf32, #tpu.memory_space<hbm>> -> memref<512x64xf32, #tpu.memory_space<hbm>>
    tpu.enqueue_dma source(%arg7 : memref<512x64xf32, #tpu.memory_space<vmem>>) target(%dma_start3A_469 : memref<512x64xf32, #tpu.memory_space<hbm>>) target_semaphore(%arg12 : memref<!tpu.dma_semaphore, #tpu.memory_space<semaphore_mem>>)
    %dma_wait3A_470 = arith.constant 0 : i32
    %dma_wait3A_471 = arith.constant 0 : i32
    %dma_wait3A_472 = arith.constant 0 : i32
    %dma_wait3A_473 = tpu.memref_slice %arg2[%dma_wait3A_470, %dma_wait3A_471, %dma_wait3A_472] : memref<26x16384x64xf32, #tpu.memory_space<hbm>> -> memref<1x512x64xf32, #tpu.memory_space<hbm>>
    %dma_wait3A_474 = tpu.memref_squeeze %dma_wait3A_473 : memref<1x512x64xf32, #tpu.memory_space<hbm>> -> memref<512x64xf32, #tpu.memory_space<hbm>>
    %dma_wait3A_475 = arith.constant 0 : i32
    %dma_wait3A_476 = arith.constant 0 : i32
    %dma_wait3A_477 = tpu.memref_slice %arg2[%dma_wait3A_470, %dma_wait3A_475, %dma_wait3A_476] : memref<26x16384x64xf32, #tpu.memory_space<hbm>> -> memref<1x512x64xf32, #tpu.memory_space<hbm>>
    %dma_wait3A_478 = tpu.memref_squeeze %dma_wait3A_477 : memref<1x512x64xf32, #tpu.memory_space<hbm>> -> memref<512x64xf32, #tpu.memory_space<hbm>>
    tpu.wait_dma2 semaphore(%arg12 : memref<!tpu.dma_semaphore, #tpu.memory_space<semaphore_mem>>) src(%dma_wait3A_478 : memref<512x64xf32, #tpu.memory_space<hbm>>) dst(%arg7 : memref<512x64xf32, #tpu.memory_space<vmem>>)
    %dma_start3A_479 = arith.constant 11 : i32
    %dma_start3A_480 = arith.constant 0 : i32
    %dma_start3A_481 = tpu.memref_slice %arg2[%dma_start3A_479, %mul3A_2, %dma_start3A_480] : memref<26x16384x64xf32, #tpu.memory_space<hbm>> -> memref<1x512x64xf32, #tpu.memory_space<hbm>>
    %dma_start3A_482 = tpu.memref_squeeze %dma_start3A_481 : memref<1x512x64xf32, #tpu.memory_space<hbm>> -> memref<512x64xf32, #tpu.memory_space<hbm>>
    %dma_start3A_483 = arith.constant 0 : i32
    %dma_start3A_484 = tpu.memref_slice %arg2[%dma_start3A_479, %mul3A_2, %dma_start3A_483] : memref<26x16384x64xf32, #tpu.memory_space<hbm>> -> memref<1x512x64xf32, #tpu.memory_space<hbm>>
    %dma_start3A_485 = tpu.memref_squeeze %dma_start3A_484 : memref<1x512x64xf32, #tpu.memory_space<hbm>> -> memref<512x64xf32, #tpu.memory_space<hbm>>
    tpu.enqueue_dma source(%dma_start3A_485 : memref<512x64xf32, #tpu.memory_space<hbm>>) target(%arg9 : memref<512x64xf32, #tpu.memory_space<vmem>>) target_semaphore(%arg10 : memref<!tpu.dma_semaphore, #tpu.memory_space<semaphore_mem>>)
    %dma_wait3A_486 = arith.constant 0 : i32
    %dma_wait3A_487 = arith.constant 0 : i32
    %dma_wait3A_488 = arith.constant 0 : i32
    %dma_wait3A_489 = tpu.memref_slice %arg2[%dma_wait3A_486, %dma_wait3A_487, %dma_wait3A_488] : memref<26x16384x64xf32, #tpu.memory_space<hbm>> -> memref<1x512x64xf32, #tpu.memory_space<hbm>>
    %dma_wait3A_490 = tpu.memref_squeeze %dma_wait3A_489 : memref<1x512x64xf32, #tpu.memory_space<hbm>> -> memref<512x64xf32, #tpu.memory_space<hbm>>
    %dma_wait3A_491 = arith.constant 0 : i32
    %dma_wait3A_492 = arith.constant 0 : i32
    %dma_wait3A_493 = tpu.memref_slice %arg2[%dma_wait3A_486, %dma_wait3A_491, %dma_wait3A_492] : memref<26x16384x64xf32, #tpu.memory_space<hbm>> -> memref<1x512x64xf32, #tpu.memory_space<hbm>>
    %dma_wait3A_494 = tpu.memref_squeeze %dma_wait3A_493 : memref<1x512x64xf32, #tpu.memory_space<hbm>> -> memref<512x64xf32, #tpu.memory_space<hbm>>
    tpu.wait_dma2 semaphore(%arg10 : memref<!tpu.dma_semaphore, #tpu.memory_space<semaphore_mem>>) src(%dma_wait3A_494 : memref<512x64xf32, #tpu.memory_space<hbm>>) dst(%arg7 : memref<512x64xf32, #tpu.memory_space<vmem>>)
    %dma_start3A_495 = arith.constant 10 : i32
    %dma_start3A_496 = arith.constant 0 : i32
    %dma_start3A_497 = tpu.memref_slice %arg6[%dma_start3A_495, %dma_start3A_496] : memref<26x512xi32, #tpu.memory_space<vmem>> -> memref<1x512xi32, #tpu.memory_space<vmem>>
    %dma_start3A_498 = tpu.memref_squeeze %dma_start3A_497 : memref<1x512xi32, #tpu.memory_space<vmem>> -> memref<512xi32, #tpu.memory_space<vmem>>
    %dma_start3A_499 = arith.constant 0 : i32
    %dma_start3A_500 = arith.constant 0 : i32
    %dma_start3A_501 = tpu.memref_slice %arg4[%dma_start3A_499, %dma_start3A_500] : memref<1000000x64xf32, #tpu.memory_space<hbm>> -> memref<1000000x64xf32, #tpu.memory_space<hbm>>
    tpu.enqueue_indirect_dma source(%dma_start3A_501 : memref<1000000x64xf32, #tpu.memory_space<hbm>>) target(%arg8 : memref<512x64xf32, #tpu.memory_space<vmem>>) offsets(%dma_start3A_498 : memref<512xi32, #tpu.memory_space<vmem>>) semaphore(%arg11 : memref<!tpu.dma_semaphore, #tpu.memory_space<semaphore_mem>>) {add = true}
    %dma_wait3A_502 = arith.constant 0 : i32
    %dma_wait3A_503 = arith.constant 0 : i32
    %dma_wait3A_504 = arith.constant 0 : i32
    %dma_wait3A_505 = tpu.memref_slice %arg2[%dma_wait3A_502, %dma_wait3A_503, %dma_wait3A_504] : memref<26x16384x64xf32, #tpu.memory_space<hbm>> -> memref<1x512x64xf32, #tpu.memory_space<hbm>>
    %dma_wait3A_506 = tpu.memref_squeeze %dma_wait3A_505 : memref<1x512x64xf32, #tpu.memory_space<hbm>> -> memref<512x64xf32, #tpu.memory_space<hbm>>
    %dma_wait3A_507 = arith.constant 0 : i32
    %dma_wait3A_508 = arith.constant 0 : i32
    %dma_wait3A_509 = tpu.memref_slice %arg2[%dma_wait3A_502, %dma_wait3A_507, %dma_wait3A_508] : memref<26x16384x64xf32, #tpu.memory_space<hbm>> -> memref<1x512x64xf32, #tpu.memory_space<hbm>>
    %dma_wait3A_510 = tpu.memref_squeeze %dma_wait3A_509 : memref<1x512x64xf32, #tpu.memory_space<hbm>> -> memref<512x64xf32, #tpu.memory_space<hbm>>
    tpu.wait_dma2 semaphore(%arg11 : memref<!tpu.dma_semaphore, #tpu.memory_space<semaphore_mem>>) src(%dma_wait3A_510 : memref<512x64xf32, #tpu.memory_space<hbm>>) dst(%arg7 : memref<512x64xf32, #tpu.memory_space<vmem>>)
    %dma_start3A_511 = arith.constant 10 : i32
    %dma_start3A_512 = arith.constant 0 : i32
    %dma_start3A_513 = tpu.memref_slice %arg5[%dma_start3A_511, %mul3A_2, %dma_start3A_512] : memref<26x16384x64xf32, #tpu.memory_space<hbm>> -> memref<1x512x64xf32, #tpu.memory_space<hbm>>
    %dma_start3A_514 = tpu.memref_squeeze %dma_start3A_513 : memref<1x512x64xf32, #tpu.memory_space<hbm>> -> memref<512x64xf32, #tpu.memory_space<hbm>>
    %dma_start3A_515 = arith.constant 0 : i32
    %dma_start3A_516 = tpu.memref_slice %arg5[%dma_start3A_511, %mul3A_2, %dma_start3A_515] : memref<26x16384x64xf32, #tpu.memory_space<hbm>> -> memref<1x512x64xf32, #tpu.memory_space<hbm>>
    %dma_start3A_517 = tpu.memref_squeeze %dma_start3A_516 : memref<1x512x64xf32, #tpu.memory_space<hbm>> -> memref<512x64xf32, #tpu.memory_space<hbm>>
    tpu.enqueue_dma source(%arg8 : memref<512x64xf32, #tpu.memory_space<vmem>>) target(%dma_start3A_517 : memref<512x64xf32, #tpu.memory_space<hbm>>) target_semaphore(%arg12 : memref<!tpu.dma_semaphore, #tpu.memory_space<semaphore_mem>>)
    %dma_wait3A_518 = arith.constant 0 : i32
    %dma_wait3A_519 = arith.constant 0 : i32
    %dma_wait3A_520 = arith.constant 0 : i32
    %dma_wait3A_521 = tpu.memref_slice %arg2[%dma_wait3A_518, %dma_wait3A_519, %dma_wait3A_520] : memref<26x16384x64xf32, #tpu.memory_space<hbm>> -> memref<1x512x64xf32, #tpu.memory_space<hbm>>
    %dma_wait3A_522 = tpu.memref_squeeze %dma_wait3A_521 : memref<1x512x64xf32, #tpu.memory_space<hbm>> -> memref<512x64xf32, #tpu.memory_space<hbm>>
    %dma_wait3A_523 = arith.constant 0 : i32
    %dma_wait3A_524 = arith.constant 0 : i32
    %dma_wait3A_525 = tpu.memref_slice %arg2[%dma_wait3A_518, %dma_wait3A_523, %dma_wait3A_524] : memref<26x16384x64xf32, #tpu.memory_space<hbm>> -> memref<1x512x64xf32, #tpu.memory_space<hbm>>
    %dma_wait3A_526 = tpu.memref_squeeze %dma_wait3A_525 : memref<1x512x64xf32, #tpu.memory_space<hbm>> -> memref<512x64xf32, #tpu.memory_space<hbm>>
    tpu.wait_dma2 semaphore(%arg12 : memref<!tpu.dma_semaphore, #tpu.memory_space<semaphore_mem>>) src(%dma_wait3A_526 : memref<512x64xf32, #tpu.memory_space<hbm>>) dst(%arg7 : memref<512x64xf32, #tpu.memory_space<vmem>>)
    %dma_start3A_527 = arith.constant 12 : i32
    %dma_start3A_528 = arith.constant 0 : i32
    %dma_start3A_529 = tpu.memref_slice %arg2[%dma_start3A_527, %mul3A_2, %dma_start3A_528] : memref<26x16384x64xf32, #tpu.memory_space<hbm>> -> memref<1x512x64xf32, #tpu.memory_space<hbm>>
    %dma_start3A_530 = tpu.memref_squeeze %dma_start3A_529 : memref<1x512x64xf32, #tpu.memory_space<hbm>> -> memref<512x64xf32, #tpu.memory_space<hbm>>
    %dma_start3A_531 = arith.constant 0 : i32
    %dma_start3A_532 = tpu.memref_slice %arg2[%dma_start3A_527, %mul3A_2, %dma_start3A_531] : memref<26x16384x64xf32, #tpu.memory_space<hbm>> -> memref<1x512x64xf32, #tpu.memory_space<hbm>>
    %dma_start3A_533 = tpu.memref_squeeze %dma_start3A_532 : memref<1x512x64xf32, #tpu.memory_space<hbm>> -> memref<512x64xf32, #tpu.memory_space<hbm>>
    tpu.enqueue_dma source(%dma_start3A_533 : memref<512x64xf32, #tpu.memory_space<hbm>>) target(%arg7 : memref<512x64xf32, #tpu.memory_space<vmem>>) target_semaphore(%arg10 : memref<!tpu.dma_semaphore, #tpu.memory_space<semaphore_mem>>)
    %dma_wait3A_534 = arith.constant 0 : i32
    %dma_wait3A_535 = arith.constant 0 : i32
    %dma_wait3A_536 = arith.constant 0 : i32
    %dma_wait3A_537 = tpu.memref_slice %arg2[%dma_wait3A_534, %dma_wait3A_535, %dma_wait3A_536] : memref<26x16384x64xf32, #tpu.memory_space<hbm>> -> memref<1x512x64xf32, #tpu.memory_space<hbm>>
    %dma_wait3A_538 = tpu.memref_squeeze %dma_wait3A_537 : memref<1x512x64xf32, #tpu.memory_space<hbm>> -> memref<512x64xf32, #tpu.memory_space<hbm>>
    %dma_wait3A_539 = arith.constant 0 : i32
    %dma_wait3A_540 = arith.constant 0 : i32
    %dma_wait3A_541 = tpu.memref_slice %arg2[%dma_wait3A_534, %dma_wait3A_539, %dma_wait3A_540] : memref<26x16384x64xf32, #tpu.memory_space<hbm>> -> memref<1x512x64xf32, #tpu.memory_space<hbm>>
    %dma_wait3A_542 = tpu.memref_squeeze %dma_wait3A_541 : memref<1x512x64xf32, #tpu.memory_space<hbm>> -> memref<512x64xf32, #tpu.memory_space<hbm>>
    tpu.wait_dma2 semaphore(%arg10 : memref<!tpu.dma_semaphore, #tpu.memory_space<semaphore_mem>>) src(%dma_wait3A_542 : memref<512x64xf32, #tpu.memory_space<hbm>>) dst(%arg7 : memref<512x64xf32, #tpu.memory_space<vmem>>)
    %dma_start3A_543 = arith.constant 11 : i32
    %dma_start3A_544 = arith.constant 0 : i32
    %dma_start3A_545 = tpu.memref_slice %arg6[%dma_start3A_543, %dma_start3A_544] : memref<26x512xi32, #tpu.memory_space<vmem>> -> memref<1x512xi32, #tpu.memory_space<vmem>>
    %dma_start3A_546 = tpu.memref_squeeze %dma_start3A_545 : memref<1x512xi32, #tpu.memory_space<vmem>> -> memref<512xi32, #tpu.memory_space<vmem>>
    %dma_start3A_547 = arith.constant 0 : i32
    %dma_start3A_548 = arith.constant 0 : i32
    %dma_start3A_549 = tpu.memref_slice %arg4[%dma_start3A_547, %dma_start3A_548] : memref<1000000x64xf32, #tpu.memory_space<hbm>> -> memref<1000000x64xf32, #tpu.memory_space<hbm>>
    tpu.enqueue_indirect_dma source(%dma_start3A_549 : memref<1000000x64xf32, #tpu.memory_space<hbm>>) target(%arg9 : memref<512x64xf32, #tpu.memory_space<vmem>>) offsets(%dma_start3A_546 : memref<512xi32, #tpu.memory_space<vmem>>) semaphore(%arg11 : memref<!tpu.dma_semaphore, #tpu.memory_space<semaphore_mem>>) {add = true}
    %dma_wait3A_550 = arith.constant 0 : i32
    %dma_wait3A_551 = arith.constant 0 : i32
    %dma_wait3A_552 = arith.constant 0 : i32
    %dma_wait3A_553 = tpu.memref_slice %arg2[%dma_wait3A_550, %dma_wait3A_551, %dma_wait3A_552] : memref<26x16384x64xf32, #tpu.memory_space<hbm>> -> memref<1x512x64xf32, #tpu.memory_space<hbm>>
    %dma_wait3A_554 = tpu.memref_squeeze %dma_wait3A_553 : memref<1x512x64xf32, #tpu.memory_space<hbm>> -> memref<512x64xf32, #tpu.memory_space<hbm>>
    %dma_wait3A_555 = arith.constant 0 : i32
    %dma_wait3A_556 = arith.constant 0 : i32
    %dma_wait3A_557 = tpu.memref_slice %arg2[%dma_wait3A_550, %dma_wait3A_555, %dma_wait3A_556] : memref<26x16384x64xf32, #tpu.memory_space<hbm>> -> memref<1x512x64xf32, #tpu.memory_space<hbm>>
    %dma_wait3A_558 = tpu.memref_squeeze %dma_wait3A_557 : memref<1x512x64xf32, #tpu.memory_space<hbm>> -> memref<512x64xf32, #tpu.memory_space<hbm>>
    tpu.wait_dma2 semaphore(%arg11 : memref<!tpu.dma_semaphore, #tpu.memory_space<semaphore_mem>>) src(%dma_wait3A_558 : memref<512x64xf32, #tpu.memory_space<hbm>>) dst(%arg7 : memref<512x64xf32, #tpu.memory_space<vmem>>)
    %dma_start3A_559 = arith.constant 11 : i32
    %dma_start3A_560 = arith.constant 0 : i32
    %dma_start3A_561 = tpu.memref_slice %arg5[%dma_start3A_559, %mul3A_2, %dma_start3A_560] : memref<26x16384x64xf32, #tpu.memory_space<hbm>> -> memref<1x512x64xf32, #tpu.memory_space<hbm>>
    %dma_start3A_562 = tpu.memref_squeeze %dma_start3A_561 : memref<1x512x64xf32, #tpu.memory_space<hbm>> -> memref<512x64xf32, #tpu.memory_space<hbm>>
    %dma_start3A_563 = arith.constant 0 : i32
    %dma_start3A_564 = tpu.memref_slice %arg5[%dma_start3A_559, %mul3A_2, %dma_start3A_563] : memref<26x16384x64xf32, #tpu.memory_space<hbm>> -> memref<1x512x64xf32, #tpu.memory_space<hbm>>
    %dma_start3A_565 = tpu.memref_squeeze %dma_start3A_564 : memref<1x512x64xf32, #tpu.memory_space<hbm>> -> memref<512x64xf32, #tpu.memory_space<hbm>>
    tpu.enqueue_dma source(%arg9 : memref<512x64xf32, #tpu.memory_space<vmem>>) target(%dma_start3A_565 : memref<512x64xf32, #tpu.memory_space<hbm>>) target_semaphore(%arg12 : memref<!tpu.dma_semaphore, #tpu.memory_space<semaphore_mem>>)
    %dma_wait3A_566 = arith.constant 0 : i32
    %dma_wait3A_567 = arith.constant 0 : i32
    %dma_wait3A_568 = arith.constant 0 : i32
    %dma_wait3A_569 = tpu.memref_slice %arg2[%dma_wait3A_566, %dma_wait3A_567, %dma_wait3A_568] : memref<26x16384x64xf32, #tpu.memory_space<hbm>> -> memref<1x512x64xf32, #tpu.memory_space<hbm>>
    %dma_wait3A_570 = tpu.memref_squeeze %dma_wait3A_569 : memref<1x512x64xf32, #tpu.memory_space<hbm>> -> memref<512x64xf32, #tpu.memory_space<hbm>>
    %dma_wait3A_571 = arith.constant 0 : i32
    %dma_wait3A_572 = arith.constant 0 : i32
    %dma_wait3A_573 = tpu.memref_slice %arg2[%dma_wait3A_566, %dma_wait3A_571, %dma_wait3A_572] : memref<26x16384x64xf32, #tpu.memory_space<hbm>> -> memref<1x512x64xf32, #tpu.memory_space<hbm>>
    %dma_wait3A_574 = tpu.memref_squeeze %dma_wait3A_573 : memref<1x512x64xf32, #tpu.memory_space<hbm>> -> memref<512x64xf32, #tpu.memory_space<hbm>>
    tpu.wait_dma2 semaphore(%arg12 : memref<!tpu.dma_semaphore, #tpu.memory_space<semaphore_mem>>) src(%dma_wait3A_574 : memref<512x64xf32, #tpu.memory_space<hbm>>) dst(%arg7 : memref<512x64xf32, #tpu.memory_space<vmem>>)
    %dma_start3A_575 = arith.constant 13 : i32
    %dma_start3A_576 = arith.constant 0 : i32
    %dma_start3A_577 = tpu.memref_slice %arg2[%dma_start3A_575, %mul3A_2, %dma_start3A_576] : memref<26x16384x64xf32, #tpu.memory_space<hbm>> -> memref<1x512x64xf32, #tpu.memory_space<hbm>>
    %dma_start3A_578 = tpu.memref_squeeze %dma_start3A_577 : memref<1x512x64xf32, #tpu.memory_space<hbm>> -> memref<512x64xf32, #tpu.memory_space<hbm>>
    %dma_start3A_579 = arith.constant 0 : i32
    %dma_start3A_580 = tpu.memref_slice %arg2[%dma_start3A_575, %mul3A_2, %dma_start3A_579] : memref<26x16384x64xf32, #tpu.memory_space<hbm>> -> memref<1x512x64xf32, #tpu.memory_space<hbm>>
    %dma_start3A_581 = tpu.memref_squeeze %dma_start3A_580 : memref<1x512x64xf32, #tpu.memory_space<hbm>> -> memref<512x64xf32, #tpu.memory_space<hbm>>
    tpu.enqueue_dma source(%dma_start3A_581 : memref<512x64xf32, #tpu.memory_space<hbm>>) target(%arg8 : memref<512x64xf32, #tpu.memory_space<vmem>>) target_semaphore(%arg10 : memref<!tpu.dma_semaphore, #tpu.memory_space<semaphore_mem>>)
    %dma_wait3A_582 = arith.constant 0 : i32
    %dma_wait3A_583 = arith.constant 0 : i32
    %dma_wait3A_584 = arith.constant 0 : i32
    %dma_wait3A_585 = tpu.memref_slice %arg2[%dma_wait3A_582, %dma_wait3A_583, %dma_wait3A_584] : memref<26x16384x64xf32, #tpu.memory_space<hbm>> -> memref<1x512x64xf32, #tpu.memory_space<hbm>>
    %dma_wait3A_586 = tpu.memref_squeeze %dma_wait3A_585 : memref<1x512x64xf32, #tpu.memory_space<hbm>> -> memref<512x64xf32, #tpu.memory_space<hbm>>
    %dma_wait3A_587 = arith.constant 0 : i32
    %dma_wait3A_588 = arith.constant 0 : i32
    %dma_wait3A_589 = tpu.memref_slice %arg2[%dma_wait3A_582, %dma_wait3A_587, %dma_wait3A_588] : memref<26x16384x64xf32, #tpu.memory_space<hbm>> -> memref<1x512x64xf32, #tpu.memory_space<hbm>>
    %dma_wait3A_590 = tpu.memref_squeeze %dma_wait3A_589 : memref<1x512x64xf32, #tpu.memory_space<hbm>> -> memref<512x64xf32, #tpu.memory_space<hbm>>
    tpu.wait_dma2 semaphore(%arg10 : memref<!tpu.dma_semaphore, #tpu.memory_space<semaphore_mem>>) src(%dma_wait3A_590 : memref<512x64xf32, #tpu.memory_space<hbm>>) dst(%arg7 : memref<512x64xf32, #tpu.memory_space<vmem>>)
    %dma_start3A_591 = arith.constant 12 : i32
    %dma_start3A_592 = arith.constant 0 : i32
    %dma_start3A_593 = tpu.memref_slice %arg6[%dma_start3A_591, %dma_start3A_592] : memref<26x512xi32, #tpu.memory_space<vmem>> -> memref<1x512xi32, #tpu.memory_space<vmem>>
    %dma_start3A_594 = tpu.memref_squeeze %dma_start3A_593 : memref<1x512xi32, #tpu.memory_space<vmem>> -> memref<512xi32, #tpu.memory_space<vmem>>
    %dma_start3A_595 = arith.constant 0 : i32
    %dma_start3A_596 = arith.constant 0 : i32
    %dma_start3A_597 = tpu.memref_slice %arg4[%dma_start3A_595, %dma_start3A_596] : memref<1000000x64xf32, #tpu.memory_space<hbm>> -> memref<1000000x64xf32, #tpu.memory_space<hbm>>
    tpu.enqueue_indirect_dma source(%dma_start3A_597 : memref<1000000x64xf32, #tpu.memory_space<hbm>>) target(%arg7 : memref<512x64xf32, #tpu.memory_space<vmem>>) offsets(%dma_start3A_594 : memref<512xi32, #tpu.memory_space<vmem>>) semaphore(%arg11 : memref<!tpu.dma_semaphore, #tpu.memory_space<semaphore_mem>>) {add = true}
    %dma_wait3A_598 = arith.constant 0 : i32
    %dma_wait3A_599 = arith.constant 0 : i32
    %dma_wait3A_600 = arith.constant 0 : i32
    %dma_wait3A_601 = tpu.memref_slice %arg2[%dma_wait3A_598, %dma_wait3A_599, %dma_wait3A_600] : memref<26x16384x64xf32, #tpu.memory_space<hbm>> -> memref<1x512x64xf32, #tpu.memory_space<hbm>>
    %dma_wait3A_602 = tpu.memref_squeeze %dma_wait3A_601 : memref<1x512x64xf32, #tpu.memory_space<hbm>> -> memref<512x64xf32, #tpu.memory_space<hbm>>
    %dma_wait3A_603 = arith.constant 0 : i32
    %dma_wait3A_604 = arith.constant 0 : i32
    %dma_wait3A_605 = tpu.memref_slice %arg2[%dma_wait3A_598, %dma_wait3A_603, %dma_wait3A_604] : memref<26x16384x64xf32, #tpu.memory_space<hbm>> -> memref<1x512x64xf32, #tpu.memory_space<hbm>>
    %dma_wait3A_606 = tpu.memref_squeeze %dma_wait3A_605 : memref<1x512x64xf32, #tpu.memory_space<hbm>> -> memref<512x64xf32, #tpu.memory_space<hbm>>
    tpu.wait_dma2 semaphore(%arg11 : memref<!tpu.dma_semaphore, #tpu.memory_space<semaphore_mem>>) src(%dma_wait3A_606 : memref<512x64xf32, #tpu.memory_space<hbm>>) dst(%arg7 : memref<512x64xf32, #tpu.memory_space<vmem>>)
    %dma_start3A_607 = arith.constant 12 : i32
    %dma_start3A_608 = arith.constant 0 : i32
    %dma_start3A_609 = tpu.memref_slice %arg5[%dma_start3A_607, %mul3A_2, %dma_start3A_608] : memref<26x16384x64xf32, #tpu.memory_space<hbm>> -> memref<1x512x64xf32, #tpu.memory_space<hbm>>
    %dma_start3A_610 = tpu.memref_squeeze %dma_start3A_609 : memref<1x512x64xf32, #tpu.memory_space<hbm>> -> memref<512x64xf32, #tpu.memory_space<hbm>>
    %dma_start3A_611 = arith.constant 0 : i32
    %dma_start3A_612 = tpu.memref_slice %arg5[%dma_start3A_607, %mul3A_2, %dma_start3A_611] : memref<26x16384x64xf32, #tpu.memory_space<hbm>> -> memref<1x512x64xf32, #tpu.memory_space<hbm>>
    %dma_start3A_613 = tpu.memref_squeeze %dma_start3A_612 : memref<1x512x64xf32, #tpu.memory_space<hbm>> -> memref<512x64xf32, #tpu.memory_space<hbm>>
    tpu.enqueue_dma source(%arg7 : memref<512x64xf32, #tpu.memory_space<vmem>>) target(%dma_start3A_613 : memref<512x64xf32, #tpu.memory_space<hbm>>) target_semaphore(%arg12 : memref<!tpu.dma_semaphore, #tpu.memory_space<semaphore_mem>>)
    %dma_wait3A_614 = arith.constant 0 : i32
    %dma_wait3A_615 = arith.constant 0 : i32
    %dma_wait3A_616 = arith.constant 0 : i32
    %dma_wait3A_617 = tpu.memref_slice %arg2[%dma_wait3A_614, %dma_wait3A_615, %dma_wait3A_616] : memref<26x16384x64xf32, #tpu.memory_space<hbm>> -> memref<1x512x64xf32, #tpu.memory_space<hbm>>
    %dma_wait3A_618 = tpu.memref_squeeze %dma_wait3A_617 : memref<1x512x64xf32, #tpu.memory_space<hbm>> -> memref<512x64xf32, #tpu.memory_space<hbm>>
    %dma_wait3A_619 = arith.constant 0 : i32
    %dma_wait3A_620 = arith.constant 0 : i32
    %dma_wait3A_621 = tpu.memref_slice %arg2[%dma_wait3A_614, %dma_wait3A_619, %dma_wait3A_620] : memref<26x16384x64xf32, #tpu.memory_space<hbm>> -> memref<1x512x64xf32, #tpu.memory_space<hbm>>
    %dma_wait3A_622 = tpu.memref_squeeze %dma_wait3A_621 : memref<1x512x64xf32, #tpu.memory_space<hbm>> -> memref<512x64xf32, #tpu.memory_space<hbm>>
    tpu.wait_dma2 semaphore(%arg12 : memref<!tpu.dma_semaphore, #tpu.memory_space<semaphore_mem>>) src(%dma_wait3A_622 : memref<512x64xf32, #tpu.memory_space<hbm>>) dst(%arg7 : memref<512x64xf32, #tpu.memory_space<vmem>>)
    %dma_start3A_623 = arith.constant 14 : i32
    %dma_start3A_624 = arith.constant 0 : i32
    %dma_start3A_625 = tpu.memref_slice %arg2[%dma_start3A_623, %mul3A_2, %dma_start3A_624] : memref<26x16384x64xf32, #tpu.memory_space<hbm>> -> memref<1x512x64xf32, #tpu.memory_space<hbm>>
    %dma_start3A_626 = tpu.memref_squeeze %dma_start3A_625 : memref<1x512x64xf32, #tpu.memory_space<hbm>> -> memref<512x64xf32, #tpu.memory_space<hbm>>
    %dma_start3A_627 = arith.constant 0 : i32
    %dma_start3A_628 = tpu.memref_slice %arg2[%dma_start3A_623, %mul3A_2, %dma_start3A_627] : memref<26x16384x64xf32, #tpu.memory_space<hbm>> -> memref<1x512x64xf32, #tpu.memory_space<hbm>>
    %dma_start3A_629 = tpu.memref_squeeze %dma_start3A_628 : memref<1x512x64xf32, #tpu.memory_space<hbm>> -> memref<512x64xf32, #tpu.memory_space<hbm>>
    tpu.enqueue_dma source(%dma_start3A_629 : memref<512x64xf32, #tpu.memory_space<hbm>>) target(%arg9 : memref<512x64xf32, #tpu.memory_space<vmem>>) target_semaphore(%arg10 : memref<!tpu.dma_semaphore, #tpu.memory_space<semaphore_mem>>)
    %dma_wait3A_630 = arith.constant 0 : i32
    %dma_wait3A_631 = arith.constant 0 : i32
    %dma_wait3A_632 = arith.constant 0 : i32
    %dma_wait3A_633 = tpu.memref_slice %arg2[%dma_wait3A_630, %dma_wait3A_631, %dma_wait3A_632] : memref<26x16384x64xf32, #tpu.memory_space<hbm>> -> memref<1x512x64xf32, #tpu.memory_space<hbm>>
    %dma_wait3A_634 = tpu.memref_squeeze %dma_wait3A_633 : memref<1x512x64xf32, #tpu.memory_space<hbm>> -> memref<512x64xf32, #tpu.memory_space<hbm>>
    %dma_wait3A_635 = arith.constant 0 : i32
    %dma_wait3A_636 = arith.constant 0 : i32
    %dma_wait3A_637 = tpu.memref_slice %arg2[%dma_wait3A_630, %dma_wait3A_635, %dma_wait3A_636] : memref<26x16384x64xf32, #tpu.memory_space<hbm>> -> memref<1x512x64xf32, #tpu.memory_space<hbm>>
    %dma_wait3A_638 = tpu.memref_squeeze %dma_wait3A_637 : memref<1x512x64xf32, #tpu.memory_space<hbm>> -> memref<512x64xf32, #tpu.memory_space<hbm>>
    tpu.wait_dma2 semaphore(%arg10 : memref<!tpu.dma_semaphore, #tpu.memory_space<semaphore_mem>>) src(%dma_wait3A_638 : memref<512x64xf32, #tpu.memory_space<hbm>>) dst(%arg7 : memref<512x64xf32, #tpu.memory_space<vmem>>)
    %dma_start3A_639 = arith.constant 13 : i32
    %dma_start3A_640 = arith.constant 0 : i32
    %dma_start3A_641 = tpu.memref_slice %arg6[%dma_start3A_639, %dma_start3A_640] : memref<26x512xi32, #tpu.memory_space<vmem>> -> memref<1x512xi32, #tpu.memory_space<vmem>>
    %dma_start3A_642 = tpu.memref_squeeze %dma_start3A_641 : memref<1x512xi32, #tpu.memory_space<vmem>> -> memref<512xi32, #tpu.memory_space<vmem>>
    %dma_start3A_643 = arith.constant 0 : i32
    %dma_start3A_644 = arith.constant 0 : i32
    %dma_start3A_645 = tpu.memref_slice %arg4[%dma_start3A_643, %dma_start3A_644] : memref<1000000x64xf32, #tpu.memory_space<hbm>> -> memref<1000000x64xf32, #tpu.memory_space<hbm>>
    tpu.enqueue_indirect_dma source(%dma_start3A_645 : memref<1000000x64xf32, #tpu.memory_space<hbm>>) target(%arg8 : memref<512x64xf32, #tpu.memory_space<vmem>>) offsets(%dma_start3A_642 : memref<512xi32, #tpu.memory_space<vmem>>) semaphore(%arg11 : memref<!tpu.dma_semaphore, #tpu.memory_space<semaphore_mem>>) {add = true}
    %dma_wait3A_646 = arith.constant 0 : i32
    %dma_wait3A_647 = arith.constant 0 : i32
    %dma_wait3A_648 = arith.constant 0 : i32
    %dma_wait3A_649 = tpu.memref_slice %arg2[%dma_wait3A_646, %dma_wait3A_647, %dma_wait3A_648] : memref<26x16384x64xf32, #tpu.memory_space<hbm>> -> memref<1x512x64xf32, #tpu.memory_space<hbm>>
    %dma_wait3A_650 = tpu.memref_squeeze %dma_wait3A_649 : memref<1x512x64xf32, #tpu.memory_space<hbm>> -> memref<512x64xf32, #tpu.memory_space<hbm>>
    %dma_wait3A_651 = arith.constant 0 : i32
    %dma_wait3A_652 = arith.constant 0 : i32
    %dma_wait3A_653 = tpu.memref_slice %arg2[%dma_wait3A_646, %dma_wait3A_651, %dma_wait3A_652] : memref<26x16384x64xf32, #tpu.memory_space<hbm>> -> memref<1x512x64xf32, #tpu.memory_space<hbm>>
    %dma_wait3A_654 = tpu.memref_squeeze %dma_wait3A_653 : memref<1x512x64xf32, #tpu.memory_space<hbm>> -> memref<512x64xf32, #tpu.memory_space<hbm>>
    tpu.wait_dma2 semaphore(%arg11 : memref<!tpu.dma_semaphore, #tpu.memory_space<semaphore_mem>>) src(%dma_wait3A_654 : memref<512x64xf32, #tpu.memory_space<hbm>>) dst(%arg7 : memref<512x64xf32, #tpu.memory_space<vmem>>)
    %dma_start3A_655 = arith.constant 13 : i32
    %dma_start3A_656 = arith.constant 0 : i32
    %dma_start3A_657 = tpu.memref_slice %arg5[%dma_start3A_655, %mul3A_2, %dma_start3A_656] : memref<26x16384x64xf32, #tpu.memory_space<hbm>> -> memref<1x512x64xf32, #tpu.memory_space<hbm>>
    %dma_start3A_658 = tpu.memref_squeeze %dma_start3A_657 : memref<1x512x64xf32, #tpu.memory_space<hbm>> -> memref<512x64xf32, #tpu.memory_space<hbm>>
    %dma_start3A_659 = arith.constant 0 : i32
    %dma_start3A_660 = tpu.memref_slice %arg5[%dma_start3A_655, %mul3A_2, %dma_start3A_659] : memref<26x16384x64xf32, #tpu.memory_space<hbm>> -> memref<1x512x64xf32, #tpu.memory_space<hbm>>
    %dma_start3A_661 = tpu.memref_squeeze %dma_start3A_660 : memref<1x512x64xf32, #tpu.memory_space<hbm>> -> memref<512x64xf32, #tpu.memory_space<hbm>>
    tpu.enqueue_dma source(%arg8 : memref<512x64xf32, #tpu.memory_space<vmem>>) target(%dma_start3A_661 : memref<512x64xf32, #tpu.memory_space<hbm>>) target_semaphore(%arg12 : memref<!tpu.dma_semaphore, #tpu.memory_space<semaphore_mem>>)
    %dma_wait3A_662 = arith.constant 0 : i32
    %dma_wait3A_663 = arith.constant 0 : i32
    %dma_wait3A_664 = arith.constant 0 : i32
    %dma_wait3A_665 = tpu.memref_slice %arg2[%dma_wait3A_662, %dma_wait3A_663, %dma_wait3A_664] : memref<26x16384x64xf32, #tpu.memory_space<hbm>> -> memref<1x512x64xf32, #tpu.memory_space<hbm>>
    %dma_wait3A_666 = tpu.memref_squeeze %dma_wait3A_665 : memref<1x512x64xf32, #tpu.memory_space<hbm>> -> memref<512x64xf32, #tpu.memory_space<hbm>>
    %dma_wait3A_667 = arith.constant 0 : i32
    %dma_wait3A_668 = arith.constant 0 : i32
    %dma_wait3A_669 = tpu.memref_slice %arg2[%dma_wait3A_662, %dma_wait3A_667, %dma_wait3A_668] : memref<26x16384x64xf32, #tpu.memory_space<hbm>> -> memref<1x512x64xf32, #tpu.memory_space<hbm>>
    %dma_wait3A_670 = tpu.memref_squeeze %dma_wait3A_669 : memref<1x512x64xf32, #tpu.memory_space<hbm>> -> memref<512x64xf32, #tpu.memory_space<hbm>>
    tpu.wait_dma2 semaphore(%arg12 : memref<!tpu.dma_semaphore, #tpu.memory_space<semaphore_mem>>) src(%dma_wait3A_670 : memref<512x64xf32, #tpu.memory_space<hbm>>) dst(%arg7 : memref<512x64xf32, #tpu.memory_space<vmem>>)
    %dma_start3A_671 = arith.constant 15 : i32
    %dma_start3A_672 = arith.constant 0 : i32
    %dma_start3A_673 = tpu.memref_slice %arg2[%dma_start3A_671, %mul3A_2, %dma_start3A_672] : memref<26x16384x64xf32, #tpu.memory_space<hbm>> -> memref<1x512x64xf32, #tpu.memory_space<hbm>>
    %dma_start3A_674 = tpu.memref_squeeze %dma_start3A_673 : memref<1x512x64xf32, #tpu.memory_space<hbm>> -> memref<512x64xf32, #tpu.memory_space<hbm>>
    %dma_start3A_675 = arith.constant 0 : i32
    %dma_start3A_676 = tpu.memref_slice %arg2[%dma_start3A_671, %mul3A_2, %dma_start3A_675] : memref<26x16384x64xf32, #tpu.memory_space<hbm>> -> memref<1x512x64xf32, #tpu.memory_space<hbm>>
    %dma_start3A_677 = tpu.memref_squeeze %dma_start3A_676 : memref<1x512x64xf32, #tpu.memory_space<hbm>> -> memref<512x64xf32, #tpu.memory_space<hbm>>
    tpu.enqueue_dma source(%dma_start3A_677 : memref<512x64xf32, #tpu.memory_space<hbm>>) target(%arg7 : memref<512x64xf32, #tpu.memory_space<vmem>>) target_semaphore(%arg10 : memref<!tpu.dma_semaphore, #tpu.memory_space<semaphore_mem>>)
    %dma_wait3A_678 = arith.constant 0 : i32
    %dma_wait3A_679 = arith.constant 0 : i32
    %dma_wait3A_680 = arith.constant 0 : i32
    %dma_wait3A_681 = tpu.memref_slice %arg2[%dma_wait3A_678, %dma_wait3A_679, %dma_wait3A_680] : memref<26x16384x64xf32, #tpu.memory_space<hbm>> -> memref<1x512x64xf32, #tpu.memory_space<hbm>>
    %dma_wait3A_682 = tpu.memref_squeeze %dma_wait3A_681 : memref<1x512x64xf32, #tpu.memory_space<hbm>> -> memref<512x64xf32, #tpu.memory_space<hbm>>
    %dma_wait3A_683 = arith.constant 0 : i32
    %dma_wait3A_684 = arith.constant 0 : i32
    %dma_wait3A_685 = tpu.memref_slice %arg2[%dma_wait3A_678, %dma_wait3A_683, %dma_wait3A_684] : memref<26x16384x64xf32, #tpu.memory_space<hbm>> -> memref<1x512x64xf32, #tpu.memory_space<hbm>>
    %dma_wait3A_686 = tpu.memref_squeeze %dma_wait3A_685 : memref<1x512x64xf32, #tpu.memory_space<hbm>> -> memref<512x64xf32, #tpu.memory_space<hbm>>
    tpu.wait_dma2 semaphore(%arg10 : memref<!tpu.dma_semaphore, #tpu.memory_space<semaphore_mem>>) src(%dma_wait3A_686 : memref<512x64xf32, #tpu.memory_space<hbm>>) dst(%arg7 : memref<512x64xf32, #tpu.memory_space<vmem>>)
    %dma_start3A_687 = arith.constant 14 : i32
    %dma_start3A_688 = arith.constant 0 : i32
    %dma_start3A_689 = tpu.memref_slice %arg6[%dma_start3A_687, %dma_start3A_688] : memref<26x512xi32, #tpu.memory_space<vmem>> -> memref<1x512xi32, #tpu.memory_space<vmem>>
    %dma_start3A_690 = tpu.memref_squeeze %dma_start3A_689 : memref<1x512xi32, #tpu.memory_space<vmem>> -> memref<512xi32, #tpu.memory_space<vmem>>
    %dma_start3A_691 = arith.constant 0 : i32
    %dma_start3A_692 = arith.constant 0 : i32
    %dma_start3A_693 = tpu.memref_slice %arg4[%dma_start3A_691, %dma_start3A_692] : memref<1000000x64xf32, #tpu.memory_space<hbm>> -> memref<1000000x64xf32, #tpu.memory_space<hbm>>
    tpu.enqueue_indirect_dma source(%dma_start3A_693 : memref<1000000x64xf32, #tpu.memory_space<hbm>>) target(%arg9 : memref<512x64xf32, #tpu.memory_space<vmem>>) offsets(%dma_start3A_690 : memref<512xi32, #tpu.memory_space<vmem>>) semaphore(%arg11 : memref<!tpu.dma_semaphore, #tpu.memory_space<semaphore_mem>>) {add = true}
    %dma_wait3A_694 = arith.constant 0 : i32
    %dma_wait3A_695 = arith.constant 0 : i32
    %dma_wait3A_696 = arith.constant 0 : i32
    %dma_wait3A_697 = tpu.memref_slice %arg2[%dma_wait3A_694, %dma_wait3A_695, %dma_wait3A_696] : memref<26x16384x64xf32, #tpu.memory_space<hbm>> -> memref<1x512x64xf32, #tpu.memory_space<hbm>>
    %dma_wait3A_698 = tpu.memref_squeeze %dma_wait3A_697 : memref<1x512x64xf32, #tpu.memory_space<hbm>> -> memref<512x64xf32, #tpu.memory_space<hbm>>
    %dma_wait3A_699 = arith.constant 0 : i32
    %dma_wait3A_700 = arith.constant 0 : i32
    %dma_wait3A_701 = tpu.memref_slice %arg2[%dma_wait3A_694, %dma_wait3A_699, %dma_wait3A_700] : memref<26x16384x64xf32, #tpu.memory_space<hbm>> -> memref<1x512x64xf32, #tpu.memory_space<hbm>>
    %dma_wait3A_702 = tpu.memref_squeeze %dma_wait3A_701 : memref<1x512x64xf32, #tpu.memory_space<hbm>> -> memref<512x64xf32, #tpu.memory_space<hbm>>
    tpu.wait_dma2 semaphore(%arg11 : memref<!tpu.dma_semaphore, #tpu.memory_space<semaphore_mem>>) src(%dma_wait3A_702 : memref<512x64xf32, #tpu.memory_space<hbm>>) dst(%arg7 : memref<512x64xf32, #tpu.memory_space<vmem>>)
    %dma_start3A_703 = arith.constant 14 : i32
    %dma_start3A_704 = arith.constant 0 : i32
    %dma_start3A_705 = tpu.memref_slice %arg5[%dma_start3A_703, %mul3A_2, %dma_start3A_704] : memref<26x16384x64xf32, #tpu.memory_space<hbm>> -> memref<1x512x64xf32, #tpu.memory_space<hbm>>
    %dma_start3A_706 = tpu.memref_squeeze %dma_start3A_705 : memref<1x512x64xf32, #tpu.memory_space<hbm>> -> memref<512x64xf32, #tpu.memory_space<hbm>>
    %dma_start3A_707 = arith.constant 0 : i32
    %dma_start3A_708 = tpu.memref_slice %arg5[%dma_start3A_703, %mul3A_2, %dma_start3A_707] : memref<26x16384x64xf32, #tpu.memory_space<hbm>> -> memref<1x512x64xf32, #tpu.memory_space<hbm>>
    %dma_start3A_709 = tpu.memref_squeeze %dma_start3A_708 : memref<1x512x64xf32, #tpu.memory_space<hbm>> -> memref<512x64xf32, #tpu.memory_space<hbm>>
    tpu.enqueue_dma source(%arg9 : memref<512x64xf32, #tpu.memory_space<vmem>>) target(%dma_start3A_709 : memref<512x64xf32, #tpu.memory_space<hbm>>) target_semaphore(%arg12 : memref<!tpu.dma_semaphore, #tpu.memory_space<semaphore_mem>>)
    %dma_wait3A_710 = arith.constant 0 : i32
    %dma_wait3A_711 = arith.constant 0 : i32
    %dma_wait3A_712 = arith.constant 0 : i32
    %dma_wait3A_713 = tpu.memref_slice %arg2[%dma_wait3A_710, %dma_wait3A_711, %dma_wait3A_712] : memref<26x16384x64xf32, #tpu.memory_space<hbm>> -> memref<1x512x64xf32, #tpu.memory_space<hbm>>
    %dma_wait3A_714 = tpu.memref_squeeze %dma_wait3A_713 : memref<1x512x64xf32, #tpu.memory_space<hbm>> -> memref<512x64xf32, #tpu.memory_space<hbm>>
    %dma_wait3A_715 = arith.constant 0 : i32
    %dma_wait3A_716 = arith.constant 0 : i32
    %dma_wait3A_717 = tpu.memref_slice %arg2[%dma_wait3A_710, %dma_wait3A_715, %dma_wait3A_716] : memref<26x16384x64xf32, #tpu.memory_space<hbm>> -> memref<1x512x64xf32, #tpu.memory_space<hbm>>
    %dma_wait3A_718 = tpu.memref_squeeze %dma_wait3A_717 : memref<1x512x64xf32, #tpu.memory_space<hbm>> -> memref<512x64xf32, #tpu.memory_space<hbm>>
    tpu.wait_dma2 semaphore(%arg12 : memref<!tpu.dma_semaphore, #tpu.memory_space<semaphore_mem>>) src(%dma_wait3A_718 : memref<512x64xf32, #tpu.memory_space<hbm>>) dst(%arg7 : memref<512x64xf32, #tpu.memory_space<vmem>>)
    %dma_start3A_719 = arith.constant 16 : i32
    %dma_start3A_720 = arith.constant 0 : i32
    %dma_start3A_721 = tpu.memref_slice %arg2[%dma_start3A_719, %mul3A_2, %dma_start3A_720] : memref<26x16384x64xf32, #tpu.memory_space<hbm>> -> memref<1x512x64xf32, #tpu.memory_space<hbm>>
    %dma_start3A_722 = tpu.memref_squeeze %dma_start3A_721 : memref<1x512x64xf32, #tpu.memory_space<hbm>> -> memref<512x64xf32, #tpu.memory_space<hbm>>
    %dma_start3A_723 = arith.constant 0 : i32
    %dma_start3A_724 = tpu.memref_slice %arg2[%dma_start3A_719, %mul3A_2, %dma_start3A_723] : memref<26x16384x64xf32, #tpu.memory_space<hbm>> -> memref<1x512x64xf32, #tpu.memory_space<hbm>>
    %dma_start3A_725 = tpu.memref_squeeze %dma_start3A_724 : memref<1x512x64xf32, #tpu.memory_space<hbm>> -> memref<512x64xf32, #tpu.memory_space<hbm>>
    tpu.enqueue_dma source(%dma_start3A_725 : memref<512x64xf32, #tpu.memory_space<hbm>>) target(%arg8 : memref<512x64xf32, #tpu.memory_space<vmem>>) target_semaphore(%arg10 : memref<!tpu.dma_semaphore, #tpu.memory_space<semaphore_mem>>)
    %dma_wait3A_726 = arith.constant 0 : i32
    %dma_wait3A_727 = arith.constant 0 : i32
    %dma_wait3A_728 = arith.constant 0 : i32
    %dma_wait3A_729 = tpu.memref_slice %arg2[%dma_wait3A_726, %dma_wait3A_727, %dma_wait3A_728] : memref<26x16384x64xf32, #tpu.memory_space<hbm>> -> memref<1x512x64xf32, #tpu.memory_space<hbm>>
    %dma_wait3A_730 = tpu.memref_squeeze %dma_wait3A_729 : memref<1x512x64xf32, #tpu.memory_space<hbm>> -> memref<512x64xf32, #tpu.memory_space<hbm>>
    %dma_wait3A_731 = arith.constant 0 : i32
    %dma_wait3A_732 = arith.constant 0 : i32
    %dma_wait3A_733 = tpu.memref_slice %arg2[%dma_wait3A_726, %dma_wait3A_731, %dma_wait3A_732] : memref<26x16384x64xf32, #tpu.memory_space<hbm>> -> memref<1x512x64xf32, #tpu.memory_space<hbm>>
    %dma_wait3A_734 = tpu.memref_squeeze %dma_wait3A_733 : memref<1x512x64xf32, #tpu.memory_space<hbm>> -> memref<512x64xf32, #tpu.memory_space<hbm>>
    tpu.wait_dma2 semaphore(%arg10 : memref<!tpu.dma_semaphore, #tpu.memory_space<semaphore_mem>>) src(%dma_wait3A_734 : memref<512x64xf32, #tpu.memory_space<hbm>>) dst(%arg7 : memref<512x64xf32, #tpu.memory_space<vmem>>)
    %dma_start3A_735 = arith.constant 15 : i32
    %dma_start3A_736 = arith.constant 0 : i32
    %dma_start3A_737 = tpu.memref_slice %arg6[%dma_start3A_735, %dma_start3A_736] : memref<26x512xi32, #tpu.memory_space<vmem>> -> memref<1x512xi32, #tpu.memory_space<vmem>>
    %dma_start3A_738 = tpu.memref_squeeze %dma_start3A_737 : memref<1x512xi32, #tpu.memory_space<vmem>> -> memref<512xi32, #tpu.memory_space<vmem>>
    %dma_start3A_739 = arith.constant 0 : i32
    %dma_start3A_740 = arith.constant 0 : i32
    %dma_start3A_741 = tpu.memref_slice %arg4[%dma_start3A_739, %dma_start3A_740] : memref<1000000x64xf32, #tpu.memory_space<hbm>> -> memref<1000000x64xf32, #tpu.memory_space<hbm>>
    tpu.enqueue_indirect_dma source(%dma_start3A_741 : memref<1000000x64xf32, #tpu.memory_space<hbm>>) target(%arg7 : memref<512x64xf32, #tpu.memory_space<vmem>>) offsets(%dma_start3A_738 : memref<512xi32, #tpu.memory_space<vmem>>) semaphore(%arg11 : memref<!tpu.dma_semaphore, #tpu.memory_space<semaphore_mem>>) {add = true}
    %dma_wait3A_742 = arith.constant 0 : i32
    %dma_wait3A_743 = arith.constant 0 : i32
    %dma_wait3A_744 = arith.constant 0 : i32
    %dma_wait3A_745 = tpu.memref_slice %arg2[%dma_wait3A_742, %dma_wait3A_743, %dma_wait3A_744] : memref<26x16384x64xf32, #tpu.memory_space<hbm>> -> memref<1x512x64xf32, #tpu.memory_space<hbm>>
    %dma_wait3A_746 = tpu.memref_squeeze %dma_wait3A_745 : memref<1x512x64xf32, #tpu.memory_space<hbm>> -> memref<512x64xf32, #tpu.memory_space<hbm>>
    %dma_wait3A_747 = arith.constant 0 : i32
    %dma_wait3A_748 = arith.constant 0 : i32
    %dma_wait3A_749 = tpu.memref_slice %arg2[%dma_wait3A_742, %dma_wait3A_747, %dma_wait3A_748] : memref<26x16384x64xf32, #tpu.memory_space<hbm>> -> memref<1x512x64xf32, #tpu.memory_space<hbm>>
    %dma_wait3A_750 = tpu.memref_squeeze %dma_wait3A_749 : memref<1x512x64xf32, #tpu.memory_space<hbm>> -> memref<512x64xf32, #tpu.memory_space<hbm>>
    tpu.wait_dma2 semaphore(%arg11 : memref<!tpu.dma_semaphore, #tpu.memory_space<semaphore_mem>>) src(%dma_wait3A_750 : memref<512x64xf32, #tpu.memory_space<hbm>>) dst(%arg7 : memref<512x64xf32, #tpu.memory_space<vmem>>)
    %dma_start3A_751 = arith.constant 15 : i32
    %dma_start3A_752 = arith.constant 0 : i32
    %dma_start3A_753 = tpu.memref_slice %arg5[%dma_start3A_751, %mul3A_2, %dma_start3A_752] : memref<26x16384x64xf32, #tpu.memory_space<hbm>> -> memref<1x512x64xf32, #tpu.memory_space<hbm>>
    %dma_start3A_754 = tpu.memref_squeeze %dma_start3A_753 : memref<1x512x64xf32, #tpu.memory_space<hbm>> -> memref<512x64xf32, #tpu.memory_space<hbm>>
    %dma_start3A_755 = arith.constant 0 : i32
    %dma_start3A_756 = tpu.memref_slice %arg5[%dma_start3A_751, %mul3A_2, %dma_start3A_755] : memref<26x16384x64xf32, #tpu.memory_space<hbm>> -> memref<1x512x64xf32, #tpu.memory_space<hbm>>
    %dma_start3A_757 = tpu.memref_squeeze %dma_start3A_756 : memref<1x512x64xf32, #tpu.memory_space<hbm>> -> memref<512x64xf32, #tpu.memory_space<hbm>>
    tpu.enqueue_dma source(%arg7 : memref<512x64xf32, #tpu.memory_space<vmem>>) target(%dma_start3A_757 : memref<512x64xf32, #tpu.memory_space<hbm>>) target_semaphore(%arg12 : memref<!tpu.dma_semaphore, #tpu.memory_space<semaphore_mem>>)
    %dma_wait3A_758 = arith.constant 0 : i32
    %dma_wait3A_759 = arith.constant 0 : i32
    %dma_wait3A_760 = arith.constant 0 : i32
    %dma_wait3A_761 = tpu.memref_slice %arg2[%dma_wait3A_758, %dma_wait3A_759, %dma_wait3A_760] : memref<26x16384x64xf32, #tpu.memory_space<hbm>> -> memref<1x512x64xf32, #tpu.memory_space<hbm>>
    %dma_wait3A_762 = tpu.memref_squeeze %dma_wait3A_761 : memref<1x512x64xf32, #tpu.memory_space<hbm>> -> memref<512x64xf32, #tpu.memory_space<hbm>>
    %dma_wait3A_763 = arith.constant 0 : i32
    %dma_wait3A_764 = arith.constant 0 : i32
    %dma_wait3A_765 = tpu.memref_slice %arg2[%dma_wait3A_758, %dma_wait3A_763, %dma_wait3A_764] : memref<26x16384x64xf32, #tpu.memory_space<hbm>> -> memref<1x512x64xf32, #tpu.memory_space<hbm>>
    %dma_wait3A_766 = tpu.memref_squeeze %dma_wait3A_765 : memref<1x512x64xf32, #tpu.memory_space<hbm>> -> memref<512x64xf32, #tpu.memory_space<hbm>>
    tpu.wait_dma2 semaphore(%arg12 : memref<!tpu.dma_semaphore, #tpu.memory_space<semaphore_mem>>) src(%dma_wait3A_766 : memref<512x64xf32, #tpu.memory_space<hbm>>) dst(%arg7 : memref<512x64xf32, #tpu.memory_space<vmem>>)
    %dma_start3A_767 = arith.constant 17 : i32
    %dma_start3A_768 = arith.constant 0 : i32
    %dma_start3A_769 = tpu.memref_slice %arg2[%dma_start3A_767, %mul3A_2, %dma_start3A_768] : memref<26x16384x64xf32, #tpu.memory_space<hbm>> -> memref<1x512x64xf32, #tpu.memory_space<hbm>>
    %dma_start3A_770 = tpu.memref_squeeze %dma_start3A_769 : memref<1x512x64xf32, #tpu.memory_space<hbm>> -> memref<512x64xf32, #tpu.memory_space<hbm>>
    %dma_start3A_771 = arith.constant 0 : i32
    %dma_start3A_772 = tpu.memref_slice %arg2[%dma_start3A_767, %mul3A_2, %dma_start3A_771] : memref<26x16384x64xf32, #tpu.memory_space<hbm>> -> memref<1x512x64xf32, #tpu.memory_space<hbm>>
    %dma_start3A_773 = tpu.memref_squeeze %dma_start3A_772 : memref<1x512x64xf32, #tpu.memory_space<hbm>> -> memref<512x64xf32, #tpu.memory_space<hbm>>
    tpu.enqueue_dma source(%dma_start3A_773 : memref<512x64xf32, #tpu.memory_space<hbm>>) target(%arg9 : memref<512x64xf32, #tpu.memory_space<vmem>>) target_semaphore(%arg10 : memref<!tpu.dma_semaphore, #tpu.memory_space<semaphore_mem>>)
    %dma_wait3A_774 = arith.constant 0 : i32
    %dma_wait3A_775 = arith.constant 0 : i32
    %dma_wait3A_776 = arith.constant 0 : i32
    %dma_wait3A_777 = tpu.memref_slice %arg2[%dma_wait3A_774, %dma_wait3A_775, %dma_wait3A_776] : memref<26x16384x64xf32, #tpu.memory_space<hbm>> -> memref<1x512x64xf32, #tpu.memory_space<hbm>>
    %dma_wait3A_778 = tpu.memref_squeeze %dma_wait3A_777 : memref<1x512x64xf32, #tpu.memory_space<hbm>> -> memref<512x64xf32, #tpu.memory_space<hbm>>
    %dma_wait3A_779 = arith.constant 0 : i32
    %dma_wait3A_780 = arith.constant 0 : i32
    %dma_wait3A_781 = tpu.memref_slice %arg2[%dma_wait3A_774, %dma_wait3A_779, %dma_wait3A_780] : memref<26x16384x64xf32, #tpu.memory_space<hbm>> -> memref<1x512x64xf32, #tpu.memory_space<hbm>>
    %dma_wait3A_782 = tpu.memref_squeeze %dma_wait3A_781 : memref<1x512x64xf32, #tpu.memory_space<hbm>> -> memref<512x64xf32, #tpu.memory_space<hbm>>
    tpu.wait_dma2 semaphore(%arg10 : memref<!tpu.dma_semaphore, #tpu.memory_space<semaphore_mem>>) src(%dma_wait3A_782 : memref<512x64xf32, #tpu.memory_space<hbm>>) dst(%arg7 : memref<512x64xf32, #tpu.memory_space<vmem>>)
    %dma_start3A_783 = arith.constant 16 : i32
    %dma_start3A_784 = arith.constant 0 : i32
    %dma_start3A_785 = tpu.memref_slice %arg6[%dma_start3A_783, %dma_start3A_784] : memref<26x512xi32, #tpu.memory_space<vmem>> -> memref<1x512xi32, #tpu.memory_space<vmem>>
    %dma_start3A_786 = tpu.memref_squeeze %dma_start3A_785 : memref<1x512xi32, #tpu.memory_space<vmem>> -> memref<512xi32, #tpu.memory_space<vmem>>
    %dma_start3A_787 = arith.constant 0 : i32
    %dma_start3A_788 = arith.constant 0 : i32
    %dma_start3A_789 = tpu.memref_slice %arg4[%dma_start3A_787, %dma_start3A_788] : memref<1000000x64xf32, #tpu.memory_space<hbm>> -> memref<1000000x64xf32, #tpu.memory_space<hbm>>
    tpu.enqueue_indirect_dma source(%dma_start3A_789 : memref<1000000x64xf32, #tpu.memory_space<hbm>>) target(%arg8 : memref<512x64xf32, #tpu.memory_space<vmem>>) offsets(%dma_start3A_786 : memref<512xi32, #tpu.memory_space<vmem>>) semaphore(%arg11 : memref<!tpu.dma_semaphore, #tpu.memory_space<semaphore_mem>>) {add = true}
    %dma_wait3A_790 = arith.constant 0 : i32
    %dma_wait3A_791 = arith.constant 0 : i32
    %dma_wait3A_792 = arith.constant 0 : i32
    %dma_wait3A_793 = tpu.memref_slice %arg2[%dma_wait3A_790, %dma_wait3A_791, %dma_wait3A_792] : memref<26x16384x64xf32, #tpu.memory_space<hbm>> -> memref<1x512x64xf32, #tpu.memory_space<hbm>>
    %dma_wait3A_794 = tpu.memref_squeeze %dma_wait3A_793 : memref<1x512x64xf32, #tpu.memory_space<hbm>> -> memref<512x64xf32, #tpu.memory_space<hbm>>
    %dma_wait3A_795 = arith.constant 0 : i32
    %dma_wait3A_796 = arith.constant 0 : i32
    %dma_wait3A_797 = tpu.memref_slice %arg2[%dma_wait3A_790, %dma_wait3A_795, %dma_wait3A_796] : memref<26x16384x64xf32, #tpu.memory_space<hbm>> -> memref<1x512x64xf32, #tpu.memory_space<hbm>>
    %dma_wait3A_798 = tpu.memref_squeeze %dma_wait3A_797 : memref<1x512x64xf32, #tpu.memory_space<hbm>> -> memref<512x64xf32, #tpu.memory_space<hbm>>
    tpu.wait_dma2 semaphore(%arg11 : memref<!tpu.dma_semaphore, #tpu.memory_space<semaphore_mem>>) src(%dma_wait3A_798 : memref<512x64xf32, #tpu.memory_space<hbm>>) dst(%arg7 : memref<512x64xf32, #tpu.memory_space<vmem>>)
    %dma_start3A_799 = arith.constant 16 : i32
    %dma_start3A_800 = arith.constant 0 : i32
    %dma_start3A_801 = tpu.memref_slice %arg5[%dma_start3A_799, %mul3A_2, %dma_start3A_800] : memref<26x16384x64xf32, #tpu.memory_space<hbm>> -> memref<1x512x64xf32, #tpu.memory_space<hbm>>
    %dma_start3A_802 = tpu.memref_squeeze %dma_start3A_801 : memref<1x512x64xf32, #tpu.memory_space<hbm>> -> memref<512x64xf32, #tpu.memory_space<hbm>>
    %dma_start3A_803 = arith.constant 0 : i32
    %dma_start3A_804 = tpu.memref_slice %arg5[%dma_start3A_799, %mul3A_2, %dma_start3A_803] : memref<26x16384x64xf32, #tpu.memory_space<hbm>> -> memref<1x512x64xf32, #tpu.memory_space<hbm>>
    %dma_start3A_805 = tpu.memref_squeeze %dma_start3A_804 : memref<1x512x64xf32, #tpu.memory_space<hbm>> -> memref<512x64xf32, #tpu.memory_space<hbm>>
    tpu.enqueue_dma source(%arg8 : memref<512x64xf32, #tpu.memory_space<vmem>>) target(%dma_start3A_805 : memref<512x64xf32, #tpu.memory_space<hbm>>) target_semaphore(%arg12 : memref<!tpu.dma_semaphore, #tpu.memory_space<semaphore_mem>>)
    %dma_wait3A_806 = arith.constant 0 : i32
    %dma_wait3A_807 = arith.constant 0 : i32
    %dma_wait3A_808 = arith.constant 0 : i32
    %dma_wait3A_809 = tpu.memref_slice %arg2[%dma_wait3A_806, %dma_wait3A_807, %dma_wait3A_808] : memref<26x16384x64xf32, #tpu.memory_space<hbm>> -> memref<1x512x64xf32, #tpu.memory_space<hbm>>
    %dma_wait3A_810 = tpu.memref_squeeze %dma_wait3A_809 : memref<1x512x64xf32, #tpu.memory_space<hbm>> -> memref<512x64xf32, #tpu.memory_space<hbm>>
    %dma_wait3A_811 = arith.constant 0 : i32
    %dma_wait3A_812 = arith.constant 0 : i32
    %dma_wait3A_813 = tpu.memref_slice %arg2[%dma_wait3A_806, %dma_wait3A_811, %dma_wait3A_812] : memref<26x16384x64xf32, #tpu.memory_space<hbm>> -> memref<1x512x64xf32, #tpu.memory_space<hbm>>
    %dma_wait3A_814 = tpu.memref_squeeze %dma_wait3A_813 : memref<1x512x64xf32, #tpu.memory_space<hbm>> -> memref<512x64xf32, #tpu.memory_space<hbm>>
    tpu.wait_dma2 semaphore(%arg12 : memref<!tpu.dma_semaphore, #tpu.memory_space<semaphore_mem>>) src(%dma_wait3A_814 : memref<512x64xf32, #tpu.memory_space<hbm>>) dst(%arg7 : memref<512x64xf32, #tpu.memory_space<vmem>>)
    %dma_start3A_815 = arith.constant 18 : i32
    %dma_start3A_816 = arith.constant 0 : i32
    %dma_start3A_817 = tpu.memref_slice %arg2[%dma_start3A_815, %mul3A_2, %dma_start3A_816] : memref<26x16384x64xf32, #tpu.memory_space<hbm>> -> memref<1x512x64xf32, #tpu.memory_space<hbm>>
    %dma_start3A_818 = tpu.memref_squeeze %dma_start3A_817 : memref<1x512x64xf32, #tpu.memory_space<hbm>> -> memref<512x64xf32, #tpu.memory_space<hbm>>
    %dma_start3A_819 = arith.constant 0 : i32
    %dma_start3A_820 = tpu.memref_slice %arg2[%dma_start3A_815, %mul3A_2, %dma_start3A_819] : memref<26x16384x64xf32, #tpu.memory_space<hbm>> -> memref<1x512x64xf32, #tpu.memory_space<hbm>>
    %dma_start3A_821 = tpu.memref_squeeze %dma_start3A_820 : memref<1x512x64xf32, #tpu.memory_space<hbm>> -> memref<512x64xf32, #tpu.memory_space<hbm>>
    tpu.enqueue_dma source(%dma_start3A_821 : memref<512x64xf32, #tpu.memory_space<hbm>>) target(%arg7 : memref<512x64xf32, #tpu.memory_space<vmem>>) target_semaphore(%arg10 : memref<!tpu.dma_semaphore, #tpu.memory_space<semaphore_mem>>)
    %dma_wait3A_822 = arith.constant 0 : i32
    %dma_wait3A_823 = arith.constant 0 : i32
    %dma_wait3A_824 = arith.constant 0 : i32
    %dma_wait3A_825 = tpu.memref_slice %arg2[%dma_wait3A_822, %dma_wait3A_823, %dma_wait3A_824] : memref<26x16384x64xf32, #tpu.memory_space<hbm>> -> memref<1x512x64xf32, #tpu.memory_space<hbm>>
    %dma_wait3A_826 = tpu.memref_squeeze %dma_wait3A_825 : memref<1x512x64xf32, #tpu.memory_space<hbm>> -> memref<512x64xf32, #tpu.memory_space<hbm>>
    %dma_wait3A_827 = arith.constant 0 : i32
    %dma_wait3A_828 = arith.constant 0 : i32
    %dma_wait3A_829 = tpu.memref_slice %arg2[%dma_wait3A_822, %dma_wait3A_827, %dma_wait3A_828] : memref<26x16384x64xf32, #tpu.memory_space<hbm>> -> memref<1x512x64xf32, #tpu.memory_space<hbm>>
    %dma_wait3A_830 = tpu.memref_squeeze %dma_wait3A_829 : memref<1x512x64xf32, #tpu.memory_space<hbm>> -> memref<512x64xf32, #tpu.memory_space<hbm>>
    tpu.wait_dma2 semaphore(%arg10 : memref<!tpu.dma_semaphore, #tpu.memory_space<semaphore_mem>>) src(%dma_wait3A_830 : memref<512x64xf32, #tpu.memory_space<hbm>>) dst(%arg7 : memref<512x64xf32, #tpu.memory_space<vmem>>)
    %dma_start3A_831 = arith.constant 17 : i32
    %dma_start3A_832 = arith.constant 0 : i32
    %dma_start3A_833 = tpu.memref_slice %arg6[%dma_start3A_831, %dma_start3A_832] : memref<26x512xi32, #tpu.memory_space<vmem>> -> memref<1x512xi32, #tpu.memory_space<vmem>>
    %dma_start3A_834 = tpu.memref_squeeze %dma_start3A_833 : memref<1x512xi32, #tpu.memory_space<vmem>> -> memref<512xi32, #tpu.memory_space<vmem>>
    %dma_start3A_835 = arith.constant 0 : i32
    %dma_start3A_836 = arith.constant 0 : i32
    %dma_start3A_837 = tpu.memref_slice %arg4[%dma_start3A_835, %dma_start3A_836] : memref<1000000x64xf32, #tpu.memory_space<hbm>> -> memref<1000000x64xf32, #tpu.memory_space<hbm>>
    tpu.enqueue_indirect_dma source(%dma_start3A_837 : memref<1000000x64xf32, #tpu.memory_space<hbm>>) target(%arg9 : memref<512x64xf32, #tpu.memory_space<vmem>>) offsets(%dma_start3A_834 : memref<512xi32, #tpu.memory_space<vmem>>) semaphore(%arg11 : memref<!tpu.dma_semaphore, #tpu.memory_space<semaphore_mem>>) {add = true}
    %dma_wait3A_838 = arith.constant 0 : i32
    %dma_wait3A_839 = arith.constant 0 : i32
    %dma_wait3A_840 = arith.constant 0 : i32
    %dma_wait3A_841 = tpu.memref_slice %arg2[%dma_wait3A_838, %dma_wait3A_839, %dma_wait3A_840] : memref<26x16384x64xf32, #tpu.memory_space<hbm>> -> memref<1x512x64xf32, #tpu.memory_space<hbm>>
    %dma_wait3A_842 = tpu.memref_squeeze %dma_wait3A_841 : memref<1x512x64xf32, #tpu.memory_space<hbm>> -> memref<512x64xf32, #tpu.memory_space<hbm>>
    %dma_wait3A_843 = arith.constant 0 : i32
    %dma_wait3A_844 = arith.constant 0 : i32
    %dma_wait3A_845 = tpu.memref_slice %arg2[%dma_wait3A_838, %dma_wait3A_843, %dma_wait3A_844] : memref<26x16384x64xf32, #tpu.memory_space<hbm>> -> memref<1x512x64xf32, #tpu.memory_space<hbm>>
    %dma_wait3A_846 = tpu.memref_squeeze %dma_wait3A_845 : memref<1x512x64xf32, #tpu.memory_space<hbm>> -> memref<512x64xf32, #tpu.memory_space<hbm>>
    tpu.wait_dma2 semaphore(%arg11 : memref<!tpu.dma_semaphore, #tpu.memory_space<semaphore_mem>>) src(%dma_wait3A_846 : memref<512x64xf32, #tpu.memory_space<hbm>>) dst(%arg7 : memref<512x64xf32, #tpu.memory_space<vmem>>)
    %dma_start3A_847 = arith.constant 17 : i32
    %dma_start3A_848 = arith.constant 0 : i32
    %dma_start3A_849 = tpu.memref_slice %arg5[%dma_start3A_847, %mul3A_2, %dma_start3A_848] : memref<26x16384x64xf32, #tpu.memory_space<hbm>> -> memref<1x512x64xf32, #tpu.memory_space<hbm>>
    %dma_start3A_850 = tpu.memref_squeeze %dma_start3A_849 : memref<1x512x64xf32, #tpu.memory_space<hbm>> -> memref<512x64xf32, #tpu.memory_space<hbm>>
    %dma_start3A_851 = arith.constant 0 : i32
    %dma_start3A_852 = tpu.memref_slice %arg5[%dma_start3A_847, %mul3A_2, %dma_start3A_851] : memref<26x16384x64xf32, #tpu.memory_space<hbm>> -> memref<1x512x64xf32, #tpu.memory_space<hbm>>
    %dma_start3A_853 = tpu.memref_squeeze %dma_start3A_852 : memref<1x512x64xf32, #tpu.memory_space<hbm>> -> memref<512x64xf32, #tpu.memory_space<hbm>>
    tpu.enqueue_dma source(%arg9 : memref<512x64xf32, #tpu.memory_space<vmem>>) target(%dma_start3A_853 : memref<512x64xf32, #tpu.memory_space<hbm>>) target_semaphore(%arg12 : memref<!tpu.dma_semaphore, #tpu.memory_space<semaphore_mem>>)
    %dma_wait3A_854 = arith.constant 0 : i32
    %dma_wait3A_855 = arith.constant 0 : i32
    %dma_wait3A_856 = arith.constant 0 : i32
    %dma_wait3A_857 = tpu.memref_slice %arg2[%dma_wait3A_854, %dma_wait3A_855, %dma_wait3A_856] : memref<26x16384x64xf32, #tpu.memory_space<hbm>> -> memref<1x512x64xf32, #tpu.memory_space<hbm>>
    %dma_wait3A_858 = tpu.memref_squeeze %dma_wait3A_857 : memref<1x512x64xf32, #tpu.memory_space<hbm>> -> memref<512x64xf32, #tpu.memory_space<hbm>>
    %dma_wait3A_859 = arith.constant 0 : i32
    %dma_wait3A_860 = arith.constant 0 : i32
    %dma_wait3A_861 = tpu.memref_slice %arg2[%dma_wait3A_854, %dma_wait3A_859, %dma_wait3A_860] : memref<26x16384x64xf32, #tpu.memory_space<hbm>> -> memref<1x512x64xf32, #tpu.memory_space<hbm>>
    %dma_wait3A_862 = tpu.memref_squeeze %dma_wait3A_861 : memref<1x512x64xf32, #tpu.memory_space<hbm>> -> memref<512x64xf32, #tpu.memory_space<hbm>>
    tpu.wait_dma2 semaphore(%arg12 : memref<!tpu.dma_semaphore, #tpu.memory_space<semaphore_mem>>) src(%dma_wait3A_862 : memref<512x64xf32, #tpu.memory_space<hbm>>) dst(%arg7 : memref<512x64xf32, #tpu.memory_space<vmem>>)
    %dma_start3A_863 = arith.constant 19 : i32
    %dma_start3A_864 = arith.constant 0 : i32
    %dma_start3A_865 = tpu.memref_slice %arg2[%dma_start3A_863, %mul3A_2, %dma_start3A_864] : memref<26x16384x64xf32, #tpu.memory_space<hbm>> -> memref<1x512x64xf32, #tpu.memory_space<hbm>>
    %dma_start3A_866 = tpu.memref_squeeze %dma_start3A_865 : memref<1x512x64xf32, #tpu.memory_space<hbm>> -> memref<512x64xf32, #tpu.memory_space<hbm>>
    %dma_start3A_867 = arith.constant 0 : i32
    %dma_start3A_868 = tpu.memref_slice %arg2[%dma_start3A_863, %mul3A_2, %dma_start3A_867] : memref<26x16384x64xf32, #tpu.memory_space<hbm>> -> memref<1x512x64xf32, #tpu.memory_space<hbm>>
    %dma_start3A_869 = tpu.memref_squeeze %dma_start3A_868 : memref<1x512x64xf32, #tpu.memory_space<hbm>> -> memref<512x64xf32, #tpu.memory_space<hbm>>
    tpu.enqueue_dma source(%dma_start3A_869 : memref<512x64xf32, #tpu.memory_space<hbm>>) target(%arg8 : memref<512x64xf32, #tpu.memory_space<vmem>>) target_semaphore(%arg10 : memref<!tpu.dma_semaphore, #tpu.memory_space<semaphore_mem>>)
    %dma_wait3A_870 = arith.constant 0 : i32
    %dma_wait3A_871 = arith.constant 0 : i32
    %dma_wait3A_872 = arith.constant 0 : i32
    %dma_wait3A_873 = tpu.memref_slice %arg2[%dma_wait3A_870, %dma_wait3A_871, %dma_wait3A_872] : memref<26x16384x64xf32, #tpu.memory_space<hbm>> -> memref<1x512x64xf32, #tpu.memory_space<hbm>>
    %dma_wait3A_874 = tpu.memref_squeeze %dma_wait3A_873 : memref<1x512x64xf32, #tpu.memory_space<hbm>> -> memref<512x64xf32, #tpu.memory_space<hbm>>
    %dma_wait3A_875 = arith.constant 0 : i32
    %dma_wait3A_876 = arith.constant 0 : i32
    %dma_wait3A_877 = tpu.memref_slice %arg2[%dma_wait3A_870, %dma_wait3A_875, %dma_wait3A_876] : memref<26x16384x64xf32, #tpu.memory_space<hbm>> -> memref<1x512x64xf32, #tpu.memory_space<hbm>>
    %dma_wait3A_878 = tpu.memref_squeeze %dma_wait3A_877 : memref<1x512x64xf32, #tpu.memory_space<hbm>> -> memref<512x64xf32, #tpu.memory_space<hbm>>
    tpu.wait_dma2 semaphore(%arg10 : memref<!tpu.dma_semaphore, #tpu.memory_space<semaphore_mem>>) src(%dma_wait3A_878 : memref<512x64xf32, #tpu.memory_space<hbm>>) dst(%arg7 : memref<512x64xf32, #tpu.memory_space<vmem>>)
    %dma_start3A_879 = arith.constant 18 : i32
    %dma_start3A_880 = arith.constant 0 : i32
    %dma_start3A_881 = tpu.memref_slice %arg6[%dma_start3A_879, %dma_start3A_880] : memref<26x512xi32, #tpu.memory_space<vmem>> -> memref<1x512xi32, #tpu.memory_space<vmem>>
    %dma_start3A_882 = tpu.memref_squeeze %dma_start3A_881 : memref<1x512xi32, #tpu.memory_space<vmem>> -> memref<512xi32, #tpu.memory_space<vmem>>
    %dma_start3A_883 = arith.constant 0 : i32
    %dma_start3A_884 = arith.constant 0 : i32
    %dma_start3A_885 = tpu.memref_slice %arg4[%dma_start3A_883, %dma_start3A_884] : memref<1000000x64xf32, #tpu.memory_space<hbm>> -> memref<1000000x64xf32, #tpu.memory_space<hbm>>
    tpu.enqueue_indirect_dma source(%dma_start3A_885 : memref<1000000x64xf32, #tpu.memory_space<hbm>>) target(%arg7 : memref<512x64xf32, #tpu.memory_space<vmem>>) offsets(%dma_start3A_882 : memref<512xi32, #tpu.memory_space<vmem>>) semaphore(%arg11 : memref<!tpu.dma_semaphore, #tpu.memory_space<semaphore_mem>>) {add = true}
    %dma_wait3A_886 = arith.constant 0 : i32
    %dma_wait3A_887 = arith.constant 0 : i32
    %dma_wait3A_888 = arith.constant 0 : i32
    %dma_wait3A_889 = tpu.memref_slice %arg2[%dma_wait3A_886, %dma_wait3A_887, %dma_wait3A_888] : memref<26x16384x64xf32, #tpu.memory_space<hbm>> -> memref<1x512x64xf32, #tpu.memory_space<hbm>>
    %dma_wait3A_890 = tpu.memref_squeeze %dma_wait3A_889 : memref<1x512x64xf32, #tpu.memory_space<hbm>> -> memref<512x64xf32, #tpu.memory_space<hbm>>
    %dma_wait3A_891 = arith.constant 0 : i32
    %dma_wait3A_892 = arith.constant 0 : i32
    %dma_wait3A_893 = tpu.memref_slice %arg2[%dma_wait3A_886, %dma_wait3A_891, %dma_wait3A_892] : memref<26x16384x64xf32, #tpu.memory_space<hbm>> -> memref<1x512x64xf32, #tpu.memory_space<hbm>>
    %dma_wait3A_894 = tpu.memref_squeeze %dma_wait3A_893 : memref<1x512x64xf32, #tpu.memory_space<hbm>> -> memref<512x64xf32, #tpu.memory_space<hbm>>
    tpu.wait_dma2 semaphore(%arg11 : memref<!tpu.dma_semaphore, #tpu.memory_space<semaphore_mem>>) src(%dma_wait3A_894 : memref<512x64xf32, #tpu.memory_space<hbm>>) dst(%arg7 : memref<512x64xf32, #tpu.memory_space<vmem>>)
    %dma_start3A_895 = arith.constant 18 : i32
    %dma_start3A_896 = arith.constant 0 : i32
    %dma_start3A_897 = tpu.memref_slice %arg5[%dma_start3A_895, %mul3A_2, %dma_start3A_896] : memref<26x16384x64xf32, #tpu.memory_space<hbm>> -> memref<1x512x64xf32, #tpu.memory_space<hbm>>
    %dma_start3A_898 = tpu.memref_squeeze %dma_start3A_897 : memref<1x512x64xf32, #tpu.memory_space<hbm>> -> memref<512x64xf32, #tpu.memory_space<hbm>>
    %dma_start3A_899 = arith.constant 0 : i32
    %dma_start3A_900 = tpu.memref_slice %arg5[%dma_start3A_895, %mul3A_2, %dma_start3A_899] : memref<26x16384x64xf32, #tpu.memory_space<hbm>> -> memref<1x512x64xf32, #tpu.memory_space<hbm>>
    %dma_start3A_901 = tpu.memref_squeeze %dma_start3A_900 : memref<1x512x64xf32, #tpu.memory_space<hbm>> -> memref<512x64xf32, #tpu.memory_space<hbm>>
    tpu.enqueue_dma source(%arg7 : memref<512x64xf32, #tpu.memory_space<vmem>>) target(%dma_start3A_901 : memref<512x64xf32, #tpu.memory_space<hbm>>) target_semaphore(%arg12 : memref<!tpu.dma_semaphore, #tpu.memory_space<semaphore_mem>>)
    %dma_wait3A_902 = arith.constant 0 : i32
    %dma_wait3A_903 = arith.constant 0 : i32
    %dma_wait3A_904 = arith.constant 0 : i32
    %dma_wait3A_905 = tpu.memref_slice %arg2[%dma_wait3A_902, %dma_wait3A_903, %dma_wait3A_904] : memref<26x16384x64xf32, #tpu.memory_space<hbm>> -> memref<1x512x64xf32, #tpu.memory_space<hbm>>
    %dma_wait3A_906 = tpu.memref_squeeze %dma_wait3A_905 : memref<1x512x64xf32, #tpu.memory_space<hbm>> -> memref<512x64xf32, #tpu.memory_space<hbm>>
    %dma_wait3A_907 = arith.constant 0 : i32
    %dma_wait3A_908 = arith.constant 0 : i32
    %dma_wait3A_909 = tpu.memref_slice %arg2[%dma_wait3A_902, %dma_wait3A_907, %dma_wait3A_908] : memref<26x16384x64xf32, #tpu.memory_space<hbm>> -> memref<1x512x64xf32, #tpu.memory_space<hbm>>
    %dma_wait3A_910 = tpu.memref_squeeze %dma_wait3A_909 : memref<1x512x64xf32, #tpu.memory_space<hbm>> -> memref<512x64xf32, #tpu.memory_space<hbm>>
    tpu.wait_dma2 semaphore(%arg12 : memref<!tpu.dma_semaphore, #tpu.memory_space<semaphore_mem>>) src(%dma_wait3A_910 : memref<512x64xf32, #tpu.memory_space<hbm>>) dst(%arg7 : memref<512x64xf32, #tpu.memory_space<vmem>>)
    %dma_start3A_911 = arith.constant 20 : i32
    %dma_start3A_912 = arith.constant 0 : i32
    %dma_start3A_913 = tpu.memref_slice %arg2[%dma_start3A_911, %mul3A_2, %dma_start3A_912] : memref<26x16384x64xf32, #tpu.memory_space<hbm>> -> memref<1x512x64xf32, #tpu.memory_space<hbm>>
    %dma_start3A_914 = tpu.memref_squeeze %dma_start3A_913 : memref<1x512x64xf32, #tpu.memory_space<hbm>> -> memref<512x64xf32, #tpu.memory_space<hbm>>
    %dma_start3A_915 = arith.constant 0 : i32
    %dma_start3A_916 = tpu.memref_slice %arg2[%dma_start3A_911, %mul3A_2, %dma_start3A_915] : memref<26x16384x64xf32, #tpu.memory_space<hbm>> -> memref<1x512x64xf32, #tpu.memory_space<hbm>>
    %dma_start3A_917 = tpu.memref_squeeze %dma_start3A_916 : memref<1x512x64xf32, #tpu.memory_space<hbm>> -> memref<512x64xf32, #tpu.memory_space<hbm>>
    tpu.enqueue_dma source(%dma_start3A_917 : memref<512x64xf32, #tpu.memory_space<hbm>>) target(%arg9 : memref<512x64xf32, #tpu.memory_space<vmem>>) target_semaphore(%arg10 : memref<!tpu.dma_semaphore, #tpu.memory_space<semaphore_mem>>)
    %dma_wait3A_918 = arith.constant 0 : i32
    %dma_wait3A_919 = arith.constant 0 : i32
    %dma_wait3A_920 = arith.constant 0 : i32
    %dma_wait3A_921 = tpu.memref_slice %arg2[%dma_wait3A_918, %dma_wait3A_919, %dma_wait3A_920] : memref<26x16384x64xf32, #tpu.memory_space<hbm>> -> memref<1x512x64xf32, #tpu.memory_space<hbm>>
    %dma_wait3A_922 = tpu.memref_squeeze %dma_wait3A_921 : memref<1x512x64xf32, #tpu.memory_space<hbm>> -> memref<512x64xf32, #tpu.memory_space<hbm>>
    %dma_wait3A_923 = arith.constant 0 : i32
    %dma_wait3A_924 = arith.constant 0 : i32
    %dma_wait3A_925 = tpu.memref_slice %arg2[%dma_wait3A_918, %dma_wait3A_923, %dma_wait3A_924] : memref<26x16384x64xf32, #tpu.memory_space<hbm>> -> memref<1x512x64xf32, #tpu.memory_space<hbm>>
    %dma_wait3A_926 = tpu.memref_squeeze %dma_wait3A_925 : memref<1x512x64xf32, #tpu.memory_space<hbm>> -> memref<512x64xf32, #tpu.memory_space<hbm>>
    tpu.wait_dma2 semaphore(%arg10 : memref<!tpu.dma_semaphore, #tpu.memory_space<semaphore_mem>>) src(%dma_wait3A_926 : memref<512x64xf32, #tpu.memory_space<hbm>>) dst(%arg7 : memref<512x64xf32, #tpu.memory_space<vmem>>)
    %dma_start3A_927 = arith.constant 19 : i32
    %dma_start3A_928 = arith.constant 0 : i32
    %dma_start3A_929 = tpu.memref_slice %arg6[%dma_start3A_927, %dma_start3A_928] : memref<26x512xi32, #tpu.memory_space<vmem>> -> memref<1x512xi32, #tpu.memory_space<vmem>>
    %dma_start3A_930 = tpu.memref_squeeze %dma_start3A_929 : memref<1x512xi32, #tpu.memory_space<vmem>> -> memref<512xi32, #tpu.memory_space<vmem>>
    %dma_start3A_931 = arith.constant 0 : i32
    %dma_start3A_932 = arith.constant 0 : i32
    %dma_start3A_933 = tpu.memref_slice %arg4[%dma_start3A_931, %dma_start3A_932] : memref<1000000x64xf32, #tpu.memory_space<hbm>> -> memref<1000000x64xf32, #tpu.memory_space<hbm>>
    tpu.enqueue_indirect_dma source(%dma_start3A_933 : memref<1000000x64xf32, #tpu.memory_space<hbm>>) target(%arg8 : memref<512x64xf32, #tpu.memory_space<vmem>>) offsets(%dma_start3A_930 : memref<512xi32, #tpu.memory_space<vmem>>) semaphore(%arg11 : memref<!tpu.dma_semaphore, #tpu.memory_space<semaphore_mem>>) {add = true}
    %dma_wait3A_934 = arith.constant 0 : i32
    %dma_wait3A_935 = arith.constant 0 : i32
    %dma_wait3A_936 = arith.constant 0 : i32
    %dma_wait3A_937 = tpu.memref_slice %arg2[%dma_wait3A_934, %dma_wait3A_935, %dma_wait3A_936] : memref<26x16384x64xf32, #tpu.memory_space<hbm>> -> memref<1x512x64xf32, #tpu.memory_space<hbm>>
    %dma_wait3A_938 = tpu.memref_squeeze %dma_wait3A_937 : memref<1x512x64xf32, #tpu.memory_space<hbm>> -> memref<512x64xf32, #tpu.memory_space<hbm>>
    %dma_wait3A_939 = arith.constant 0 : i32
    %dma_wait3A_940 = arith.constant 0 : i32
    %dma_wait3A_941 = tpu.memref_slice %arg2[%dma_wait3A_934, %dma_wait3A_939, %dma_wait3A_940] : memref<26x16384x64xf32, #tpu.memory_space<hbm>> -> memref<1x512x64xf32, #tpu.memory_space<hbm>>
    %dma_wait3A_942 = tpu.memref_squeeze %dma_wait3A_941 : memref<1x512x64xf32, #tpu.memory_space<hbm>> -> memref<512x64xf32, #tpu.memory_space<hbm>>
    tpu.wait_dma2 semaphore(%arg11 : memref<!tpu.dma_semaphore, #tpu.memory_space<semaphore_mem>>) src(%dma_wait3A_942 : memref<512x64xf32, #tpu.memory_space<hbm>>) dst(%arg7 : memref<512x64xf32, #tpu.memory_space<vmem>>)
    %dma_start3A_943 = arith.constant 19 : i32
    %dma_start3A_944 = arith.constant 0 : i32
    %dma_start3A_945 = tpu.memref_slice %arg5[%dma_start3A_943, %mul3A_2, %dma_start3A_944] : memref<26x16384x64xf32, #tpu.memory_space<hbm>> -> memref<1x512x64xf32, #tpu.memory_space<hbm>>
    %dma_start3A_946 = tpu.memref_squeeze %dma_start3A_945 : memref<1x512x64xf32, #tpu.memory_space<hbm>> -> memref<512x64xf32, #tpu.memory_space<hbm>>
    %dma_start3A_947 = arith.constant 0 : i32
    %dma_start3A_948 = tpu.memref_slice %arg5[%dma_start3A_943, %mul3A_2, %dma_start3A_947] : memref<26x16384x64xf32, #tpu.memory_space<hbm>> -> memref<1x512x64xf32, #tpu.memory_space<hbm>>
    %dma_start3A_949 = tpu.memref_squeeze %dma_start3A_948 : memref<1x512x64xf32, #tpu.memory_space<hbm>> -> memref<512x64xf32, #tpu.memory_space<hbm>>
    tpu.enqueue_dma source(%arg8 : memref<512x64xf32, #tpu.memory_space<vmem>>) target(%dma_start3A_949 : memref<512x64xf32, #tpu.memory_space<hbm>>) target_semaphore(%arg12 : memref<!tpu.dma_semaphore, #tpu.memory_space<semaphore_mem>>)
    %dma_wait3A_950 = arith.constant 0 : i32
    %dma_wait3A_951 = arith.constant 0 : i32
    %dma_wait3A_952 = arith.constant 0 : i32
    %dma_wait3A_953 = tpu.memref_slice %arg2[%dma_wait3A_950, %dma_wait3A_951, %dma_wait3A_952] : memref<26x16384x64xf32, #tpu.memory_space<hbm>> -> memref<1x512x64xf32, #tpu.memory_space<hbm>>
    %dma_wait3A_954 = tpu.memref_squeeze %dma_wait3A_953 : memref<1x512x64xf32, #tpu.memory_space<hbm>> -> memref<512x64xf32, #tpu.memory_space<hbm>>
    %dma_wait3A_955 = arith.constant 0 : i32
    %dma_wait3A_956 = arith.constant 0 : i32
    %dma_wait3A_957 = tpu.memref_slice %arg2[%dma_wait3A_950, %dma_wait3A_955, %dma_wait3A_956] : memref<26x16384x64xf32, #tpu.memory_space<hbm>> -> memref<1x512x64xf32, #tpu.memory_space<hbm>>
    %dma_wait3A_958 = tpu.memref_squeeze %dma_wait3A_957 : memref<1x512x64xf32, #tpu.memory_space<hbm>> -> memref<512x64xf32, #tpu.memory_space<hbm>>
    tpu.wait_dma2 semaphore(%arg12 : memref<!tpu.dma_semaphore, #tpu.memory_space<semaphore_mem>>) src(%dma_wait3A_958 : memref<512x64xf32, #tpu.memory_space<hbm>>) dst(%arg7 : memref<512x64xf32, #tpu.memory_space<vmem>>)
    %dma_start3A_959 = arith.constant 21 : i32
    %dma_start3A_960 = arith.constant 0 : i32
    %dma_start3A_961 = tpu.memref_slice %arg2[%dma_start3A_959, %mul3A_2, %dma_start3A_960] : memref<26x16384x64xf32, #tpu.memory_space<hbm>> -> memref<1x512x64xf32, #tpu.memory_space<hbm>>
    %dma_start3A_962 = tpu.memref_squeeze %dma_start3A_961 : memref<1x512x64xf32, #tpu.memory_space<hbm>> -> memref<512x64xf32, #tpu.memory_space<hbm>>
    %dma_start3A_963 = arith.constant 0 : i32
    %dma_start3A_964 = tpu.memref_slice %arg2[%dma_start3A_959, %mul3A_2, %dma_start3A_963] : memref<26x16384x64xf32, #tpu.memory_space<hbm>> -> memref<1x512x64xf32, #tpu.memory_space<hbm>>
    %dma_start3A_965 = tpu.memref_squeeze %dma_start3A_964 : memref<1x512x64xf32, #tpu.memory_space<hbm>> -> memref<512x64xf32, #tpu.memory_space<hbm>>
    tpu.enqueue_dma source(%dma_start3A_965 : memref<512x64xf32, #tpu.memory_space<hbm>>) target(%arg7 : memref<512x64xf32, #tpu.memory_space<vmem>>) target_semaphore(%arg10 : memref<!tpu.dma_semaphore, #tpu.memory_space<semaphore_mem>>)
    %dma_wait3A_966 = arith.constant 0 : i32
    %dma_wait3A_967 = arith.constant 0 : i32
    %dma_wait3A_968 = arith.constant 0 : i32
    %dma_wait3A_969 = tpu.memref_slice %arg2[%dma_wait3A_966, %dma_wait3A_967, %dma_wait3A_968] : memref<26x16384x64xf32, #tpu.memory_space<hbm>> -> memref<1x512x64xf32, #tpu.memory_space<hbm>>
    %dma_wait3A_970 = tpu.memref_squeeze %dma_wait3A_969 : memref<1x512x64xf32, #tpu.memory_space<hbm>> -> memref<512x64xf32, #tpu.memory_space<hbm>>
    %dma_wait3A_971 = arith.constant 0 : i32
    %dma_wait3A_972 = arith.constant 0 : i32
    %dma_wait3A_973 = tpu.memref_slice %arg2[%dma_wait3A_966, %dma_wait3A_971, %dma_wait3A_972] : memref<26x16384x64xf32, #tpu.memory_space<hbm>> -> memref<1x512x64xf32, #tpu.memory_space<hbm>>
    %dma_wait3A_974 = tpu.memref_squeeze %dma_wait3A_973 : memref<1x512x64xf32, #tpu.memory_space<hbm>> -> memref<512x64xf32, #tpu.memory_space<hbm>>
    tpu.wait_dma2 semaphore(%arg10 : memref<!tpu.dma_semaphore, #tpu.memory_space<semaphore_mem>>) src(%dma_wait3A_974 : memref<512x64xf32, #tpu.memory_space<hbm>>) dst(%arg7 : memref<512x64xf32, #tpu.memory_space<vmem>>)
    %dma_start3A_975 = arith.constant 20 : i32
    %dma_start3A_976 = arith.constant 0 : i32
    %dma_start3A_977 = tpu.memref_slice %arg6[%dma_start3A_975, %dma_start3A_976] : memref<26x512xi32, #tpu.memory_space<vmem>> -> memref<1x512xi32, #tpu.memory_space<vmem>>
    %dma_start3A_978 = tpu.memref_squeeze %dma_start3A_977 : memref<1x512xi32, #tpu.memory_space<vmem>> -> memref<512xi32, #tpu.memory_space<vmem>>
    %dma_start3A_979 = arith.constant 0 : i32
    %dma_start3A_980 = arith.constant 0 : i32
    %dma_start3A_981 = tpu.memref_slice %arg4[%dma_start3A_979, %dma_start3A_980] : memref<1000000x64xf32, #tpu.memory_space<hbm>> -> memref<1000000x64xf32, #tpu.memory_space<hbm>>
    tpu.enqueue_indirect_dma source(%dma_start3A_981 : memref<1000000x64xf32, #tpu.memory_space<hbm>>) target(%arg9 : memref<512x64xf32, #tpu.memory_space<vmem>>) offsets(%dma_start3A_978 : memref<512xi32, #tpu.memory_space<vmem>>) semaphore(%arg11 : memref<!tpu.dma_semaphore, #tpu.memory_space<semaphore_mem>>) {add = true}
    %dma_wait3A_982 = arith.constant 0 : i32
    %dma_wait3A_983 = arith.constant 0 : i32
    %dma_wait3A_984 = arith.constant 0 : i32
    %dma_wait3A_985 = tpu.memref_slice %arg2[%dma_wait3A_982, %dma_wait3A_983, %dma_wait3A_984] : memref<26x16384x64xf32, #tpu.memory_space<hbm>> -> memref<1x512x64xf32, #tpu.memory_space<hbm>>
    %dma_wait3A_986 = tpu.memref_squeeze %dma_wait3A_985 : memref<1x512x64xf32, #tpu.memory_space<hbm>> -> memref<512x64xf32, #tpu.memory_space<hbm>>
    %dma_wait3A_987 = arith.constant 0 : i32
    %dma_wait3A_988 = arith.constant 0 : i32
    %dma_wait3A_989 = tpu.memref_slice %arg2[%dma_wait3A_982, %dma_wait3A_987, %dma_wait3A_988] : memref<26x16384x64xf32, #tpu.memory_space<hbm>> -> memref<1x512x64xf32, #tpu.memory_space<hbm>>
    %dma_wait3A_990 = tpu.memref_squeeze %dma_wait3A_989 : memref<1x512x64xf32, #tpu.memory_space<hbm>> -> memref<512x64xf32, #tpu.memory_space<hbm>>
    tpu.wait_dma2 semaphore(%arg11 : memref<!tpu.dma_semaphore, #tpu.memory_space<semaphore_mem>>) src(%dma_wait3A_990 : memref<512x64xf32, #tpu.memory_space<hbm>>) dst(%arg7 : memref<512x64xf32, #tpu.memory_space<vmem>>)
    %dma_start3A_991 = arith.constant 20 : i32
    %dma_start3A_992 = arith.constant 0 : i32
    %dma_start3A_993 = tpu.memref_slice %arg5[%dma_start3A_991, %mul3A_2, %dma_start3A_992] : memref<26x16384x64xf32, #tpu.memory_space<hbm>> -> memref<1x512x64xf32, #tpu.memory_space<hbm>>
    %dma_start3A_994 = tpu.memref_squeeze %dma_start3A_993 : memref<1x512x64xf32, #tpu.memory_space<hbm>> -> memref<512x64xf32, #tpu.memory_space<hbm>>
    %dma_start3A_995 = arith.constant 0 : i32
    %dma_start3A_996 = tpu.memref_slice %arg5[%dma_start3A_991, %mul3A_2, %dma_start3A_995] : memref<26x16384x64xf32, #tpu.memory_space<hbm>> -> memref<1x512x64xf32, #tpu.memory_space<hbm>>
    %dma_start3A_997 = tpu.memref_squeeze %dma_start3A_996 : memref<1x512x64xf32, #tpu.memory_space<hbm>> -> memref<512x64xf32, #tpu.memory_space<hbm>>
    tpu.enqueue_dma source(%arg9 : memref<512x64xf32, #tpu.memory_space<vmem>>) target(%dma_start3A_997 : memref<512x64xf32, #tpu.memory_space<hbm>>) target_semaphore(%arg12 : memref<!tpu.dma_semaphore, #tpu.memory_space<semaphore_mem>>)
    %dma_wait3A_998 = arith.constant 0 : i32
    %dma_wait3A_999 = arith.constant 0 : i32
    %dma_wait3A_1000 = arith.constant 0 : i32
    %dma_wait3A_1001 = tpu.memref_slice %arg2[%dma_wait3A_998, %dma_wait3A_999, %dma_wait3A_1000] : memref<26x16384x64xf32, #tpu.memory_space<hbm>> -> memref<1x512x64xf32, #tpu.memory_space<hbm>>
    %dma_wait3A_1002 = tpu.memref_squeeze %dma_wait3A_1001 : memref<1x512x64xf32, #tpu.memory_space<hbm>> -> memref<512x64xf32, #tpu.memory_space<hbm>>
    %dma_wait3A_1003 = arith.constant 0 : i32
    %dma_wait3A_1004 = arith.constant 0 : i32
    %dma_wait3A_1005 = tpu.memref_slice %arg2[%dma_wait3A_998, %dma_wait3A_1003, %dma_wait3A_1004] : memref<26x16384x64xf32, #tpu.memory_space<hbm>> -> memref<1x512x64xf32, #tpu.memory_space<hbm>>
    %dma_wait3A_1006 = tpu.memref_squeeze %dma_wait3A_1005 : memref<1x512x64xf32, #tpu.memory_space<hbm>> -> memref<512x64xf32, #tpu.memory_space<hbm>>
    tpu.wait_dma2 semaphore(%arg12 : memref<!tpu.dma_semaphore, #tpu.memory_space<semaphore_mem>>) src(%dma_wait3A_1006 : memref<512x64xf32, #tpu.memory_space<hbm>>) dst(%arg7 : memref<512x64xf32, #tpu.memory_space<vmem>>)
    %dma_start3A_1007 = arith.constant 22 : i32
    %dma_start3A_1008 = arith.constant 0 : i32
    %dma_start3A_1009 = tpu.memref_slice %arg2[%dma_start3A_1007, %mul3A_2, %dma_start3A_1008] : memref<26x16384x64xf32, #tpu.memory_space<hbm>> -> memref<1x512x64xf32, #tpu.memory_space<hbm>>
    %dma_start3A_1010 = tpu.memref_squeeze %dma_start3A_1009 : memref<1x512x64xf32, #tpu.memory_space<hbm>> -> memref<512x64xf32, #tpu.memory_space<hbm>>
    %dma_start3A_1011 = arith.constant 0 : i32
    %dma_start3A_1012 = tpu.memref_slice %arg2[%dma_start3A_1007, %mul3A_2, %dma_start3A_1011] : memref<26x16384x64xf32, #tpu.memory_space<hbm>> -> memref<1x512x64xf32, #tpu.memory_space<hbm>>
    %dma_start3A_1013 = tpu.memref_squeeze %dma_start3A_1012 : memref<1x512x64xf32, #tpu.memory_space<hbm>> -> memref<512x64xf32, #tpu.memory_space<hbm>>
    tpu.enqueue_dma source(%dma_start3A_1013 : memref<512x64xf32, #tpu.memory_space<hbm>>) target(%arg8 : memref<512x64xf32, #tpu.memory_space<vmem>>) target_semaphore(%arg10 : memref<!tpu.dma_semaphore, #tpu.memory_space<semaphore_mem>>)
    %dma_wait3A_1014 = arith.constant 0 : i32
    %dma_wait3A_1015 = arith.constant 0 : i32
    %dma_wait3A_1016 = arith.constant 0 : i32
    %dma_wait3A_1017 = tpu.memref_slice %arg2[%dma_wait3A_1014, %dma_wait3A_1015, %dma_wait3A_1016] : memref<26x16384x64xf32, #tpu.memory_space<hbm>> -> memref<1x512x64xf32, #tpu.memory_space<hbm>>
    %dma_wait3A_1018 = tpu.memref_squeeze %dma_wait3A_1017 : memref<1x512x64xf32, #tpu.memory_space<hbm>> -> memref<512x64xf32, #tpu.memory_space<hbm>>
    %dma_wait3A_1019 = arith.constant 0 : i32
    %dma_wait3A_1020 = arith.constant 0 : i32
    %dma_wait3A_1021 = tpu.memref_slice %arg2[%dma_wait3A_1014, %dma_wait3A_1019, %dma_wait3A_1020] : memref<26x16384x64xf32, #tpu.memory_space<hbm>> -> memref<1x512x64xf32, #tpu.memory_space<hbm>>
    %dma_wait3A_1022 = tpu.memref_squeeze %dma_wait3A_1021 : memref<1x512x64xf32, #tpu.memory_space<hbm>> -> memref<512x64xf32, #tpu.memory_space<hbm>>
    tpu.wait_dma2 semaphore(%arg10 : memref<!tpu.dma_semaphore, #tpu.memory_space<semaphore_mem>>) src(%dma_wait3A_1022 : memref<512x64xf32, #tpu.memory_space<hbm>>) dst(%arg7 : memref<512x64xf32, #tpu.memory_space<vmem>>)
    %dma_start3A_1023 = arith.constant 21 : i32
    %dma_start3A_1024 = arith.constant 0 : i32
    %dma_start3A_1025 = tpu.memref_slice %arg6[%dma_start3A_1023, %dma_start3A_1024] : memref<26x512xi32, #tpu.memory_space<vmem>> -> memref<1x512xi32, #tpu.memory_space<vmem>>
    %dma_start3A_1026 = tpu.memref_squeeze %dma_start3A_1025 : memref<1x512xi32, #tpu.memory_space<vmem>> -> memref<512xi32, #tpu.memory_space<vmem>>
    %dma_start3A_1027 = arith.constant 0 : i32
    %dma_start3A_1028 = arith.constant 0 : i32
    %dma_start3A_1029 = tpu.memref_slice %arg4[%dma_start3A_1027, %dma_start3A_1028] : memref<1000000x64xf32, #tpu.memory_space<hbm>> -> memref<1000000x64xf32, #tpu.memory_space<hbm>>
    tpu.enqueue_indirect_dma source(%dma_start3A_1029 : memref<1000000x64xf32, #tpu.memory_space<hbm>>) target(%arg7 : memref<512x64xf32, #tpu.memory_space<vmem>>) offsets(%dma_start3A_1026 : memref<512xi32, #tpu.memory_space<vmem>>) semaphore(%arg11 : memref<!tpu.dma_semaphore, #tpu.memory_space<semaphore_mem>>) {add = true}
    %dma_wait3A_1030 = arith.constant 0 : i32
    %dma_wait3A_1031 = arith.constant 0 : i32
    %dma_wait3A_1032 = arith.constant 0 : i32
    %dma_wait3A_1033 = tpu.memref_slice %arg2[%dma_wait3A_1030, %dma_wait3A_1031, %dma_wait3A_1032] : memref<26x16384x64xf32, #tpu.memory_space<hbm>> -> memref<1x512x64xf32, #tpu.memory_space<hbm>>
    %dma_wait3A_1034 = tpu.memref_squeeze %dma_wait3A_1033 : memref<1x512x64xf32, #tpu.memory_space<hbm>> -> memref<512x64xf32, #tpu.memory_space<hbm>>
    %dma_wait3A_1035 = arith.constant 0 : i32
    %dma_wait3A_1036 = arith.constant 0 : i32
    %dma_wait3A_1037 = tpu.memref_slice %arg2[%dma_wait3A_1030, %dma_wait3A_1035, %dma_wait3A_1036] : memref<26x16384x64xf32, #tpu.memory_space<hbm>> -> memref<1x512x64xf32, #tpu.memory_space<hbm>>
    %dma_wait3A_1038 = tpu.memref_squeeze %dma_wait3A_1037 : memref<1x512x64xf32, #tpu.memory_space<hbm>> -> memref<512x64xf32, #tpu.memory_space<hbm>>
    tpu.wait_dma2 semaphore(%arg11 : memref<!tpu.dma_semaphore, #tpu.memory_space<semaphore_mem>>) src(%dma_wait3A_1038 : memref<512x64xf32, #tpu.memory_space<hbm>>) dst(%arg7 : memref<512x64xf32, #tpu.memory_space<vmem>>)
    %dma_start3A_1039 = arith.constant 21 : i32
    %dma_start3A_1040 = arith.constant 0 : i32
    %dma_start3A_1041 = tpu.memref_slice %arg5[%dma_start3A_1039, %mul3A_2, %dma_start3A_1040] : memref<26x16384x64xf32, #tpu.memory_space<hbm>> -> memref<1x512x64xf32, #tpu.memory_space<hbm>>
    %dma_start3A_1042 = tpu.memref_squeeze %dma_start3A_1041 : memref<1x512x64xf32, #tpu.memory_space<hbm>> -> memref<512x64xf32, #tpu.memory_space<hbm>>
    %dma_start3A_1043 = arith.constant 0 : i32
    %dma_start3A_1044 = tpu.memref_slice %arg5[%dma_start3A_1039, %mul3A_2, %dma_start3A_1043] : memref<26x16384x64xf32, #tpu.memory_space<hbm>> -> memref<1x512x64xf32, #tpu.memory_space<hbm>>
    %dma_start3A_1045 = tpu.memref_squeeze %dma_start3A_1044 : memref<1x512x64xf32, #tpu.memory_space<hbm>> -> memref<512x64xf32, #tpu.memory_space<hbm>>
    tpu.enqueue_dma source(%arg7 : memref<512x64xf32, #tpu.memory_space<vmem>>) target(%dma_start3A_1045 : memref<512x64xf32, #tpu.memory_space<hbm>>) target_semaphore(%arg12 : memref<!tpu.dma_semaphore, #tpu.memory_space<semaphore_mem>>)
    %dma_wait3A_1046 = arith.constant 0 : i32
    %dma_wait3A_1047 = arith.constant 0 : i32
    %dma_wait3A_1048 = arith.constant 0 : i32
    %dma_wait3A_1049 = tpu.memref_slice %arg2[%dma_wait3A_1046, %dma_wait3A_1047, %dma_wait3A_1048] : memref<26x16384x64xf32, #tpu.memory_space<hbm>> -> memref<1x512x64xf32, #tpu.memory_space<hbm>>
    %dma_wait3A_1050 = tpu.memref_squeeze %dma_wait3A_1049 : memref<1x512x64xf32, #tpu.memory_space<hbm>> -> memref<512x64xf32, #tpu.memory_space<hbm>>
    %dma_wait3A_1051 = arith.constant 0 : i32
    %dma_wait3A_1052 = arith.constant 0 : i32
    %dma_wait3A_1053 = tpu.memref_slice %arg2[%dma_wait3A_1046, %dma_wait3A_1051, %dma_wait3A_1052] : memref<26x16384x64xf32, #tpu.memory_space<hbm>> -> memref<1x512x64xf32, #tpu.memory_space<hbm>>
    %dma_wait3A_1054 = tpu.memref_squeeze %dma_wait3A_1053 : memref<1x512x64xf32, #tpu.memory_space<hbm>> -> memref<512x64xf32, #tpu.memory_space<hbm>>
    tpu.wait_dma2 semaphore(%arg12 : memref<!tpu.dma_semaphore, #tpu.memory_space<semaphore_mem>>) src(%dma_wait3A_1054 : memref<512x64xf32, #tpu.memory_space<hbm>>) dst(%arg7 : memref<512x64xf32, #tpu.memory_space<vmem>>)
    %dma_start3A_1055 = arith.constant 23 : i32
    %dma_start3A_1056 = arith.constant 0 : i32
    %dma_start3A_1057 = tpu.memref_slice %arg2[%dma_start3A_1055, %mul3A_2, %dma_start3A_1056] : memref<26x16384x64xf32, #tpu.memory_space<hbm>> -> memref<1x512x64xf32, #tpu.memory_space<hbm>>
    %dma_start3A_1058 = tpu.memref_squeeze %dma_start3A_1057 : memref<1x512x64xf32, #tpu.memory_space<hbm>> -> memref<512x64xf32, #tpu.memory_space<hbm>>
    %dma_start3A_1059 = arith.constant 0 : i32
    %dma_start3A_1060 = tpu.memref_slice %arg2[%dma_start3A_1055, %mul3A_2, %dma_start3A_1059] : memref<26x16384x64xf32, #tpu.memory_space<hbm>> -> memref<1x512x64xf32, #tpu.memory_space<hbm>>
    %dma_start3A_1061 = tpu.memref_squeeze %dma_start3A_1060 : memref<1x512x64xf32, #tpu.memory_space<hbm>> -> memref<512x64xf32, #tpu.memory_space<hbm>>
    tpu.enqueue_dma source(%dma_start3A_1061 : memref<512x64xf32, #tpu.memory_space<hbm>>) target(%arg9 : memref<512x64xf32, #tpu.memory_space<vmem>>) target_semaphore(%arg10 : memref<!tpu.dma_semaphore, #tpu.memory_space<semaphore_mem>>)
    %dma_wait3A_1062 = arith.constant 0 : i32
    %dma_wait3A_1063 = arith.constant 0 : i32
    %dma_wait3A_1064 = arith.constant 0 : i32
    %dma_wait3A_1065 = tpu.memref_slice %arg2[%dma_wait3A_1062, %dma_wait3A_1063, %dma_wait3A_1064] : memref<26x16384x64xf32, #tpu.memory_space<hbm>> -> memref<1x512x64xf32, #tpu.memory_space<hbm>>
    %dma_wait3A_1066 = tpu.memref_squeeze %dma_wait3A_1065 : memref<1x512x64xf32, #tpu.memory_space<hbm>> -> memref<512x64xf32, #tpu.memory_space<hbm>>
    %dma_wait3A_1067 = arith.constant 0 : i32
    %dma_wait3A_1068 = arith.constant 0 : i32
    %dma_wait3A_1069 = tpu.memref_slice %arg2[%dma_wait3A_1062, %dma_wait3A_1067, %dma_wait3A_1068] : memref<26x16384x64xf32, #tpu.memory_space<hbm>> -> memref<1x512x64xf32, #tpu.memory_space<hbm>>
    %dma_wait3A_1070 = tpu.memref_squeeze %dma_wait3A_1069 : memref<1x512x64xf32, #tpu.memory_space<hbm>> -> memref<512x64xf32, #tpu.memory_space<hbm>>
    tpu.wait_dma2 semaphore(%arg10 : memref<!tpu.dma_semaphore, #tpu.memory_space<semaphore_mem>>) src(%dma_wait3A_1070 : memref<512x64xf32, #tpu.memory_space<hbm>>) dst(%arg7 : memref<512x64xf32, #tpu.memory_space<vmem>>)
    %dma_start3A_1071 = arith.constant 22 : i32
    %dma_start3A_1072 = arith.constant 0 : i32
    %dma_start3A_1073 = tpu.memref_slice %arg6[%dma_start3A_1071, %dma_start3A_1072] : memref<26x512xi32, #tpu.memory_space<vmem>> -> memref<1x512xi32, #tpu.memory_space<vmem>>
    %dma_start3A_1074 = tpu.memref_squeeze %dma_start3A_1073 : memref<1x512xi32, #tpu.memory_space<vmem>> -> memref<512xi32, #tpu.memory_space<vmem>>
    %dma_start3A_1075 = arith.constant 0 : i32
    %dma_start3A_1076 = arith.constant 0 : i32
    %dma_start3A_1077 = tpu.memref_slice %arg4[%dma_start3A_1075, %dma_start3A_1076] : memref<1000000x64xf32, #tpu.memory_space<hbm>> -> memref<1000000x64xf32, #tpu.memory_space<hbm>>
    tpu.enqueue_indirect_dma source(%dma_start3A_1077 : memref<1000000x64xf32, #tpu.memory_space<hbm>>) target(%arg8 : memref<512x64xf32, #tpu.memory_space<vmem>>) offsets(%dma_start3A_1074 : memref<512xi32, #tpu.memory_space<vmem>>) semaphore(%arg11 : memref<!tpu.dma_semaphore, #tpu.memory_space<semaphore_mem>>) {add = true}
    %dma_wait3A_1078 = arith.constant 0 : i32
    %dma_wait3A_1079 = arith.constant 0 : i32
    %dma_wait3A_1080 = arith.constant 0 : i32
    %dma_wait3A_1081 = tpu.memref_slice %arg2[%dma_wait3A_1078, %dma_wait3A_1079, %dma_wait3A_1080] : memref<26x16384x64xf32, #tpu.memory_space<hbm>> -> memref<1x512x64xf32, #tpu.memory_space<hbm>>
    %dma_wait3A_1082 = tpu.memref_squeeze %dma_wait3A_1081 : memref<1x512x64xf32, #tpu.memory_space<hbm>> -> memref<512x64xf32, #tpu.memory_space<hbm>>
    %dma_wait3A_1083 = arith.constant 0 : i32
    %dma_wait3A_1084 = arith.constant 0 : i32
    %dma_wait3A_1085 = tpu.memref_slice %arg2[%dma_wait3A_1078, %dma_wait3A_1083, %dma_wait3A_1084] : memref<26x16384x64xf32, #tpu.memory_space<hbm>> -> memref<1x512x64xf32, #tpu.memory_space<hbm>>
    %dma_wait3A_1086 = tpu.memref_squeeze %dma_wait3A_1085 : memref<1x512x64xf32, #tpu.memory_space<hbm>> -> memref<512x64xf32, #tpu.memory_space<hbm>>
    tpu.wait_dma2 semaphore(%arg11 : memref<!tpu.dma_semaphore, #tpu.memory_space<semaphore_mem>>) src(%dma_wait3A_1086 : memref<512x64xf32, #tpu.memory_space<hbm>>) dst(%arg7 : memref<512x64xf32, #tpu.memory_space<vmem>>)
    %dma_start3A_1087 = arith.constant 22 : i32
    %dma_start3A_1088 = arith.constant 0 : i32
    %dma_start3A_1089 = tpu.memref_slice %arg5[%dma_start3A_1087, %mul3A_2, %dma_start3A_1088] : memref<26x16384x64xf32, #tpu.memory_space<hbm>> -> memref<1x512x64xf32, #tpu.memory_space<hbm>>
    %dma_start3A_1090 = tpu.memref_squeeze %dma_start3A_1089 : memref<1x512x64xf32, #tpu.memory_space<hbm>> -> memref<512x64xf32, #tpu.memory_space<hbm>>
    %dma_start3A_1091 = arith.constant 0 : i32
    %dma_start3A_1092 = tpu.memref_slice %arg5[%dma_start3A_1087, %mul3A_2, %dma_start3A_1091] : memref<26x16384x64xf32, #tpu.memory_space<hbm>> -> memref<1x512x64xf32, #tpu.memory_space<hbm>>
    %dma_start3A_1093 = tpu.memref_squeeze %dma_start3A_1092 : memref<1x512x64xf32, #tpu.memory_space<hbm>> -> memref<512x64xf32, #tpu.memory_space<hbm>>
    tpu.enqueue_dma source(%arg8 : memref<512x64xf32, #tpu.memory_space<vmem>>) target(%dma_start3A_1093 : memref<512x64xf32, #tpu.memory_space<hbm>>) target_semaphore(%arg12 : memref<!tpu.dma_semaphore, #tpu.memory_space<semaphore_mem>>)
    %dma_wait3A_1094 = arith.constant 0 : i32
    %dma_wait3A_1095 = arith.constant 0 : i32
    %dma_wait3A_1096 = arith.constant 0 : i32
    %dma_wait3A_1097 = tpu.memref_slice %arg2[%dma_wait3A_1094, %dma_wait3A_1095, %dma_wait3A_1096] : memref<26x16384x64xf32, #tpu.memory_space<hbm>> -> memref<1x512x64xf32, #tpu.memory_space<hbm>>
    %dma_wait3A_1098 = tpu.memref_squeeze %dma_wait3A_1097 : memref<1x512x64xf32, #tpu.memory_space<hbm>> -> memref<512x64xf32, #tpu.memory_space<hbm>>
    %dma_wait3A_1099 = arith.constant 0 : i32
    %dma_wait3A_1100 = arith.constant 0 : i32
    %dma_wait3A_1101 = tpu.memref_slice %arg2[%dma_wait3A_1094, %dma_wait3A_1099, %dma_wait3A_1100] : memref<26x16384x64xf32, #tpu.memory_space<hbm>> -> memref<1x512x64xf32, #tpu.memory_space<hbm>>
    %dma_wait3A_1102 = tpu.memref_squeeze %dma_wait3A_1101 : memref<1x512x64xf32, #tpu.memory_space<hbm>> -> memref<512x64xf32, #tpu.memory_space<hbm>>
    tpu.wait_dma2 semaphore(%arg12 : memref<!tpu.dma_semaphore, #tpu.memory_space<semaphore_mem>>) src(%dma_wait3A_1102 : memref<512x64xf32, #tpu.memory_space<hbm>>) dst(%arg7 : memref<512x64xf32, #tpu.memory_space<vmem>>)
    %dma_start3A_1103 = arith.constant 24 : i32
    %dma_start3A_1104 = arith.constant 0 : i32
    %dma_start3A_1105 = tpu.memref_slice %arg2[%dma_start3A_1103, %mul3A_2, %dma_start3A_1104] : memref<26x16384x64xf32, #tpu.memory_space<hbm>> -> memref<1x512x64xf32, #tpu.memory_space<hbm>>
    %dma_start3A_1106 = tpu.memref_squeeze %dma_start3A_1105 : memref<1x512x64xf32, #tpu.memory_space<hbm>> -> memref<512x64xf32, #tpu.memory_space<hbm>>
    %dma_start3A_1107 = arith.constant 0 : i32
    %dma_start3A_1108 = tpu.memref_slice %arg2[%dma_start3A_1103, %mul3A_2, %dma_start3A_1107] : memref<26x16384x64xf32, #tpu.memory_space<hbm>> -> memref<1x512x64xf32, #tpu.memory_space<hbm>>
    %dma_start3A_1109 = tpu.memref_squeeze %dma_start3A_1108 : memref<1x512x64xf32, #tpu.memory_space<hbm>> -> memref<512x64xf32, #tpu.memory_space<hbm>>
    tpu.enqueue_dma source(%dma_start3A_1109 : memref<512x64xf32, #tpu.memory_space<hbm>>) target(%arg7 : memref<512x64xf32, #tpu.memory_space<vmem>>) target_semaphore(%arg10 : memref<!tpu.dma_semaphore, #tpu.memory_space<semaphore_mem>>)
    %dma_wait3A_1110 = arith.constant 0 : i32
    %dma_wait3A_1111 = arith.constant 0 : i32
    %dma_wait3A_1112 = arith.constant 0 : i32
    %dma_wait3A_1113 = tpu.memref_slice %arg2[%dma_wait3A_1110, %dma_wait3A_1111, %dma_wait3A_1112] : memref<26x16384x64xf32, #tpu.memory_space<hbm>> -> memref<1x512x64xf32, #tpu.memory_space<hbm>>
    %dma_wait3A_1114 = tpu.memref_squeeze %dma_wait3A_1113 : memref<1x512x64xf32, #tpu.memory_space<hbm>> -> memref<512x64xf32, #tpu.memory_space<hbm>>
    %dma_wait3A_1115 = arith.constant 0 : i32
    %dma_wait3A_1116 = arith.constant 0 : i32
    %dma_wait3A_1117 = tpu.memref_slice %arg2[%dma_wait3A_1110, %dma_wait3A_1115, %dma_wait3A_1116] : memref<26x16384x64xf32, #tpu.memory_space<hbm>> -> memref<1x512x64xf32, #tpu.memory_space<hbm>>
    %dma_wait3A_1118 = tpu.memref_squeeze %dma_wait3A_1117 : memref<1x512x64xf32, #tpu.memory_space<hbm>> -> memref<512x64xf32, #tpu.memory_space<hbm>>
    tpu.wait_dma2 semaphore(%arg10 : memref<!tpu.dma_semaphore, #tpu.memory_space<semaphore_mem>>) src(%dma_wait3A_1118 : memref<512x64xf32, #tpu.memory_space<hbm>>) dst(%arg7 : memref<512x64xf32, #tpu.memory_space<vmem>>)
    %dma_start3A_1119 = arith.constant 23 : i32
    %dma_start3A_1120 = arith.constant 0 : i32
    %dma_start3A_1121 = tpu.memref_slice %arg6[%dma_start3A_1119, %dma_start3A_1120] : memref<26x512xi32, #tpu.memory_space<vmem>> -> memref<1x512xi32, #tpu.memory_space<vmem>>
    %dma_start3A_1122 = tpu.memref_squeeze %dma_start3A_1121 : memref<1x512xi32, #tpu.memory_space<vmem>> -> memref<512xi32, #tpu.memory_space<vmem>>
    %dma_start3A_1123 = arith.constant 0 : i32
    %dma_start3A_1124 = arith.constant 0 : i32
    %dma_start3A_1125 = tpu.memref_slice %arg4[%dma_start3A_1123, %dma_start3A_1124] : memref<1000000x64xf32, #tpu.memory_space<hbm>> -> memref<1000000x64xf32, #tpu.memory_space<hbm>>
    tpu.enqueue_indirect_dma source(%dma_start3A_1125 : memref<1000000x64xf32, #tpu.memory_space<hbm>>) target(%arg9 : memref<512x64xf32, #tpu.memory_space<vmem>>) offsets(%dma_start3A_1122 : memref<512xi32, #tpu.memory_space<vmem>>) semaphore(%arg11 : memref<!tpu.dma_semaphore, #tpu.memory_space<semaphore_mem>>) {add = true}
    %dma_wait3A_1126 = arith.constant 0 : i32
    %dma_wait3A_1127 = arith.constant 0 : i32
    %dma_wait3A_1128 = arith.constant 0 : i32
    %dma_wait3A_1129 = tpu.memref_slice %arg2[%dma_wait3A_1126, %dma_wait3A_1127, %dma_wait3A_1128] : memref<26x16384x64xf32, #tpu.memory_space<hbm>> -> memref<1x512x64xf32, #tpu.memory_space<hbm>>
    %dma_wait3A_1130 = tpu.memref_squeeze %dma_wait3A_1129 : memref<1x512x64xf32, #tpu.memory_space<hbm>> -> memref<512x64xf32, #tpu.memory_space<hbm>>
    %dma_wait3A_1131 = arith.constant 0 : i32
    %dma_wait3A_1132 = arith.constant 0 : i32
    %dma_wait3A_1133 = tpu.memref_slice %arg2[%dma_wait3A_1126, %dma_wait3A_1131, %dma_wait3A_1132] : memref<26x16384x64xf32, #tpu.memory_space<hbm>> -> memref<1x512x64xf32, #tpu.memory_space<hbm>>
    %dma_wait3A_1134 = tpu.memref_squeeze %dma_wait3A_1133 : memref<1x512x64xf32, #tpu.memory_space<hbm>> -> memref<512x64xf32, #tpu.memory_space<hbm>>
    tpu.wait_dma2 semaphore(%arg11 : memref<!tpu.dma_semaphore, #tpu.memory_space<semaphore_mem>>) src(%dma_wait3A_1134 : memref<512x64xf32, #tpu.memory_space<hbm>>) dst(%arg7 : memref<512x64xf32, #tpu.memory_space<vmem>>)
    %dma_start3A_1135 = arith.constant 23 : i32
    %dma_start3A_1136 = arith.constant 0 : i32
    %dma_start3A_1137 = tpu.memref_slice %arg5[%dma_start3A_1135, %mul3A_2, %dma_start3A_1136] : memref<26x16384x64xf32, #tpu.memory_space<hbm>> -> memref<1x512x64xf32, #tpu.memory_space<hbm>>
    %dma_start3A_1138 = tpu.memref_squeeze %dma_start3A_1137 : memref<1x512x64xf32, #tpu.memory_space<hbm>> -> memref<512x64xf32, #tpu.memory_space<hbm>>
    %dma_start3A_1139 = arith.constant 0 : i32
    %dma_start3A_1140 = tpu.memref_slice %arg5[%dma_start3A_1135, %mul3A_2, %dma_start3A_1139] : memref<26x16384x64xf32, #tpu.memory_space<hbm>> -> memref<1x512x64xf32, #tpu.memory_space<hbm>>
    %dma_start3A_1141 = tpu.memref_squeeze %dma_start3A_1140 : memref<1x512x64xf32, #tpu.memory_space<hbm>> -> memref<512x64xf32, #tpu.memory_space<hbm>>
    tpu.enqueue_dma source(%arg9 : memref<512x64xf32, #tpu.memory_space<vmem>>) target(%dma_start3A_1141 : memref<512x64xf32, #tpu.memory_space<hbm>>) target_semaphore(%arg12 : memref<!tpu.dma_semaphore, #tpu.memory_space<semaphore_mem>>)
    %dma_wait3A_1142 = arith.constant 0 : i32
    %dma_wait3A_1143 = arith.constant 0 : i32
    %dma_wait3A_1144 = arith.constant 0 : i32
    %dma_wait3A_1145 = tpu.memref_slice %arg2[%dma_wait3A_1142, %dma_wait3A_1143, %dma_wait3A_1144] : memref<26x16384x64xf32, #tpu.memory_space<hbm>> -> memref<1x512x64xf32, #tpu.memory_space<hbm>>
    %dma_wait3A_1146 = tpu.memref_squeeze %dma_wait3A_1145 : memref<1x512x64xf32, #tpu.memory_space<hbm>> -> memref<512x64xf32, #tpu.memory_space<hbm>>
    %dma_wait3A_1147 = arith.constant 0 : i32
    %dma_wait3A_1148 = arith.constant 0 : i32
    %dma_wait3A_1149 = tpu.memref_slice %arg2[%dma_wait3A_1142, %dma_wait3A_1147, %dma_wait3A_1148] : memref<26x16384x64xf32, #tpu.memory_space<hbm>> -> memref<1x512x64xf32, #tpu.memory_space<hbm>>
    %dma_wait3A_1150 = tpu.memref_squeeze %dma_wait3A_1149 : memref<1x512x64xf32, #tpu.memory_space<hbm>> -> memref<512x64xf32, #tpu.memory_space<hbm>>
    tpu.wait_dma2 semaphore(%arg12 : memref<!tpu.dma_semaphore, #tpu.memory_space<semaphore_mem>>) src(%dma_wait3A_1150 : memref<512x64xf32, #tpu.memory_space<hbm>>) dst(%arg7 : memref<512x64xf32, #tpu.memory_space<vmem>>)
    %dma_start3A_1151 = arith.constant 25 : i32
    %dma_start3A_1152 = arith.constant 0 : i32
    %dma_start3A_1153 = tpu.memref_slice %arg2[%dma_start3A_1151, %mul3A_2, %dma_start3A_1152] : memref<26x16384x64xf32, #tpu.memory_space<hbm>> -> memref<1x512x64xf32, #tpu.memory_space<hbm>>
    %dma_start3A_1154 = tpu.memref_squeeze %dma_start3A_1153 : memref<1x512x64xf32, #tpu.memory_space<hbm>> -> memref<512x64xf32, #tpu.memory_space<hbm>>
    %dma_start3A_1155 = arith.constant 0 : i32
    %dma_start3A_1156 = tpu.memref_slice %arg2[%dma_start3A_1151, %mul3A_2, %dma_start3A_1155] : memref<26x16384x64xf32, #tpu.memory_space<hbm>> -> memref<1x512x64xf32, #tpu.memory_space<hbm>>
    %dma_start3A_1157 = tpu.memref_squeeze %dma_start3A_1156 : memref<1x512x64xf32, #tpu.memory_space<hbm>> -> memref<512x64xf32, #tpu.memory_space<hbm>>
    tpu.enqueue_dma source(%dma_start3A_1157 : memref<512x64xf32, #tpu.memory_space<hbm>>) target(%arg8 : memref<512x64xf32, #tpu.memory_space<vmem>>) target_semaphore(%arg10 : memref<!tpu.dma_semaphore, #tpu.memory_space<semaphore_mem>>)
    %dma_wait3A_1158 = arith.constant 0 : i32
    %dma_wait3A_1159 = arith.constant 0 : i32
    %dma_wait3A_1160 = arith.constant 0 : i32
    %dma_wait3A_1161 = tpu.memref_slice %arg2[%dma_wait3A_1158, %dma_wait3A_1159, %dma_wait3A_1160] : memref<26x16384x64xf32, #tpu.memory_space<hbm>> -> memref<1x512x64xf32, #tpu.memory_space<hbm>>
    %dma_wait3A_1162 = tpu.memref_squeeze %dma_wait3A_1161 : memref<1x512x64xf32, #tpu.memory_space<hbm>> -> memref<512x64xf32, #tpu.memory_space<hbm>>
    %dma_wait3A_1163 = arith.constant 0 : i32
    %dma_wait3A_1164 = arith.constant 0 : i32
    %dma_wait3A_1165 = tpu.memref_slice %arg2[%dma_wait3A_1158, %dma_wait3A_1163, %dma_wait3A_1164] : memref<26x16384x64xf32, #tpu.memory_space<hbm>> -> memref<1x512x64xf32, #tpu.memory_space<hbm>>
    %dma_wait3A_1166 = tpu.memref_squeeze %dma_wait3A_1165 : memref<1x512x64xf32, #tpu.memory_space<hbm>> -> memref<512x64xf32, #tpu.memory_space<hbm>>
    tpu.wait_dma2 semaphore(%arg10 : memref<!tpu.dma_semaphore, #tpu.memory_space<semaphore_mem>>) src(%dma_wait3A_1166 : memref<512x64xf32, #tpu.memory_space<hbm>>) dst(%arg7 : memref<512x64xf32, #tpu.memory_space<vmem>>)
    %dma_start3A_1167 = arith.constant 24 : i32
    %dma_start3A_1168 = arith.constant 0 : i32
    %dma_start3A_1169 = tpu.memref_slice %arg6[%dma_start3A_1167, %dma_start3A_1168] : memref<26x512xi32, #tpu.memory_space<vmem>> -> memref<1x512xi32, #tpu.memory_space<vmem>>
    %dma_start3A_1170 = tpu.memref_squeeze %dma_start3A_1169 : memref<1x512xi32, #tpu.memory_space<vmem>> -> memref<512xi32, #tpu.memory_space<vmem>>
    %dma_start3A_1171 = arith.constant 0 : i32
    %dma_start3A_1172 = arith.constant 0 : i32
    %dma_start3A_1173 = tpu.memref_slice %arg4[%dma_start3A_1171, %dma_start3A_1172] : memref<1000000x64xf32, #tpu.memory_space<hbm>> -> memref<1000000x64xf32, #tpu.memory_space<hbm>>
    tpu.enqueue_indirect_dma source(%dma_start3A_1173 : memref<1000000x64xf32, #tpu.memory_space<hbm>>) target(%arg7 : memref<512x64xf32, #tpu.memory_space<vmem>>) offsets(%dma_start3A_1170 : memref<512xi32, #tpu.memory_space<vmem>>) semaphore(%arg11 : memref<!tpu.dma_semaphore, #tpu.memory_space<semaphore_mem>>) {add = true}
    %dma_wait3A_1174 = arith.constant 0 : i32
    %dma_wait3A_1175 = arith.constant 0 : i32
    %dma_wait3A_1176 = arith.constant 0 : i32
    %dma_wait3A_1177 = tpu.memref_slice %arg2[%dma_wait3A_1174, %dma_wait3A_1175, %dma_wait3A_1176] : memref<26x16384x64xf32, #tpu.memory_space<hbm>> -> memref<1x512x64xf32, #tpu.memory_space<hbm>>
    %dma_wait3A_1178 = tpu.memref_squeeze %dma_wait3A_1177 : memref<1x512x64xf32, #tpu.memory_space<hbm>> -> memref<512x64xf32, #tpu.memory_space<hbm>>
    %dma_wait3A_1179 = arith.constant 0 : i32
    %dma_wait3A_1180 = arith.constant 0 : i32
    %dma_wait3A_1181 = tpu.memref_slice %arg2[%dma_wait3A_1174, %dma_wait3A_1179, %dma_wait3A_1180] : memref<26x16384x64xf32, #tpu.memory_space<hbm>> -> memref<1x512x64xf32, #tpu.memory_space<hbm>>
    %dma_wait3A_1182 = tpu.memref_squeeze %dma_wait3A_1181 : memref<1x512x64xf32, #tpu.memory_space<hbm>> -> memref<512x64xf32, #tpu.memory_space<hbm>>
    tpu.wait_dma2 semaphore(%arg11 : memref<!tpu.dma_semaphore, #tpu.memory_space<semaphore_mem>>) src(%dma_wait3A_1182 : memref<512x64xf32, #tpu.memory_space<hbm>>) dst(%arg7 : memref<512x64xf32, #tpu.memory_space<vmem>>)
    %dma_start3A_1183 = arith.constant 24 : i32
    %dma_start3A_1184 = arith.constant 0 : i32
    %dma_start3A_1185 = tpu.memref_slice %arg5[%dma_start3A_1183, %mul3A_2, %dma_start3A_1184] : memref<26x16384x64xf32, #tpu.memory_space<hbm>> -> memref<1x512x64xf32, #tpu.memory_space<hbm>>
    %dma_start3A_1186 = tpu.memref_squeeze %dma_start3A_1185 : memref<1x512x64xf32, #tpu.memory_space<hbm>> -> memref<512x64xf32, #tpu.memory_space<hbm>>
    %dma_start3A_1187 = arith.constant 0 : i32
    %dma_start3A_1188 = tpu.memref_slice %arg5[%dma_start3A_1183, %mul3A_2, %dma_start3A_1187] : memref<26x16384x64xf32, #tpu.memory_space<hbm>> -> memref<1x512x64xf32, #tpu.memory_space<hbm>>
    %dma_start3A_1189 = tpu.memref_squeeze %dma_start3A_1188 : memref<1x512x64xf32, #tpu.memory_space<hbm>> -> memref<512x64xf32, #tpu.memory_space<hbm>>
    tpu.enqueue_dma source(%arg7 : memref<512x64xf32, #tpu.memory_space<vmem>>) target(%dma_start3A_1189 : memref<512x64xf32, #tpu.memory_space<hbm>>) target_semaphore(%arg12 : memref<!tpu.dma_semaphore, #tpu.memory_space<semaphore_mem>>)
    %dma_wait3A_1190 = arith.constant 0 : i32
    %dma_wait3A_1191 = arith.constant 0 : i32
    %dma_wait3A_1192 = arith.constant 0 : i32
    %dma_wait3A_1193 = tpu.memref_slice %arg2[%dma_wait3A_1190, %dma_wait3A_1191, %dma_wait3A_1192] : memref<26x16384x64xf32, #tpu.memory_space<hbm>> -> memref<1x512x64xf32, #tpu.memory_space<hbm>>
    %dma_wait3A_1194 = tpu.memref_squeeze %dma_wait3A_1193 : memref<1x512x64xf32, #tpu.memory_space<hbm>> -> memref<512x64xf32, #tpu.memory_space<hbm>>
    %dma_wait3A_1195 = arith.constant 0 : i32
    %dma_wait3A_1196 = arith.constant 0 : i32
    %dma_wait3A_1197 = tpu.memref_slice %arg2[%dma_wait3A_1190, %dma_wait3A_1195, %dma_wait3A_1196] : memref<26x16384x64xf32, #tpu.memory_space<hbm>> -> memref<1x512x64xf32, #tpu.memory_space<hbm>>
    %dma_wait3A_1198 = tpu.memref_squeeze %dma_wait3A_1197 : memref<1x512x64xf32, #tpu.memory_space<hbm>> -> memref<512x64xf32, #tpu.memory_space<hbm>>
    tpu.wait_dma2 semaphore(%arg12 : memref<!tpu.dma_semaphore, #tpu.memory_space<semaphore_mem>>) src(%dma_wait3A_1198 : memref<512x64xf32, #tpu.memory_space<hbm>>) dst(%arg7 : memref<512x64xf32, #tpu.memory_space<vmem>>)
    %dma_wait3A_1199 = arith.constant 0 : i32
    %dma_wait3A_1200 = arith.constant 0 : i32
    %dma_wait3A_1201 = arith.constant 0 : i32
    %dma_wait3A_1202 = tpu.memref_slice %arg2[%dma_wait3A_1199, %dma_wait3A_1200, %dma_wait3A_1201] : memref<26x16384x64xf32, #tpu.memory_space<hbm>> -> memref<1x512x64xf32, #tpu.memory_space<hbm>>
    %dma_wait3A_1203 = tpu.memref_squeeze %dma_wait3A_1202 : memref<1x512x64xf32, #tpu.memory_space<hbm>> -> memref<512x64xf32, #tpu.memory_space<hbm>>
    %dma_wait3A_1204 = arith.constant 0 : i32
    %dma_wait3A_1205 = arith.constant 0 : i32
    %dma_wait3A_1206 = tpu.memref_slice %arg2[%dma_wait3A_1199, %dma_wait3A_1204, %dma_wait3A_1205] : memref<26x16384x64xf32, #tpu.memory_space<hbm>> -> memref<1x512x64xf32, #tpu.memory_space<hbm>>
    %dma_wait3A_1207 = tpu.memref_squeeze %dma_wait3A_1206 : memref<1x512x64xf32, #tpu.memory_space<hbm>> -> memref<512x64xf32, #tpu.memory_space<hbm>>
    tpu.wait_dma2 semaphore(%arg10 : memref<!tpu.dma_semaphore, #tpu.memory_space<semaphore_mem>>) src(%dma_wait3A_1207 : memref<512x64xf32, #tpu.memory_space<hbm>>) dst(%arg7 : memref<512x64xf32, #tpu.memory_space<vmem>>)
    %dma_start3A_1208 = arith.constant 25 : i32
    %dma_start3A_1209 = arith.constant 0 : i32
    %dma_start3A_1210 = tpu.memref_slice %arg6[%dma_start3A_1208, %dma_start3A_1209] : memref<26x512xi32, #tpu.memory_space<vmem>> -> memref<1x512xi32, #tpu.memory_space<vmem>>
    %dma_start3A_1211 = tpu.memref_squeeze %dma_start3A_1210 : memref<1x512xi32, #tpu.memory_space<vmem>> -> memref<512xi32, #tpu.memory_space<vmem>>
    %dma_start3A_1212 = arith.constant 0 : i32
    %dma_start3A_1213 = arith.constant 0 : i32
    %dma_start3A_1214 = tpu.memref_slice %arg4[%dma_start3A_1212, %dma_start3A_1213] : memref<1000000x64xf32, #tpu.memory_space<hbm>> -> memref<1000000x64xf32, #tpu.memory_space<hbm>>
    tpu.enqueue_indirect_dma source(%dma_start3A_1214 : memref<1000000x64xf32, #tpu.memory_space<hbm>>) target(%arg8 : memref<512x64xf32, #tpu.memory_space<vmem>>) offsets(%dma_start3A_1211 : memref<512xi32, #tpu.memory_space<vmem>>) semaphore(%arg11 : memref<!tpu.dma_semaphore, #tpu.memory_space<semaphore_mem>>) {add = true}
    %dma_wait3A_1215 = arith.constant 0 : i32
    %dma_wait3A_1216 = arith.constant 0 : i32
    %dma_wait3A_1217 = arith.constant 0 : i32
    %dma_wait3A_1218 = tpu.memref_slice %arg2[%dma_wait3A_1215, %dma_wait3A_1216, %dma_wait3A_1217] : memref<26x16384x64xf32, #tpu.memory_space<hbm>> -> memref<1x512x64xf32, #tpu.memory_space<hbm>>
    %dma_wait3A_1219 = tpu.memref_squeeze %dma_wait3A_1218 : memref<1x512x64xf32, #tpu.memory_space<hbm>> -> memref<512x64xf32, #tpu.memory_space<hbm>>
    %dma_wait3A_1220 = arith.constant 0 : i32
    %dma_wait3A_1221 = arith.constant 0 : i32
    %dma_wait3A_1222 = tpu.memref_slice %arg2[%dma_wait3A_1215, %dma_wait3A_1220, %dma_wait3A_1221] : memref<26x16384x64xf32, #tpu.memory_space<hbm>> -> memref<1x512x64xf32, #tpu.memory_space<hbm>>
    %dma_wait3A_1223 = tpu.memref_squeeze %dma_wait3A_1222 : memref<1x512x64xf32, #tpu.memory_space<hbm>> -> memref<512x64xf32, #tpu.memory_space<hbm>>
    tpu.wait_dma2 semaphore(%arg11 : memref<!tpu.dma_semaphore, #tpu.memory_space<semaphore_mem>>) src(%dma_wait3A_1223 : memref<512x64xf32, #tpu.memory_space<hbm>>) dst(%arg7 : memref<512x64xf32, #tpu.memory_space<vmem>>)
    %dma_start3A_1224 = arith.constant 25 : i32
    %dma_start3A_1225 = arith.constant 0 : i32
    %dma_start3A_1226 = tpu.memref_slice %arg5[%dma_start3A_1224, %mul3A_2, %dma_start3A_1225] : memref<26x16384x64xf32, #tpu.memory_space<hbm>> -> memref<1x512x64xf32, #tpu.memory_space<hbm>>
    %dma_start3A_1227 = tpu.memref_squeeze %dma_start3A_1226 : memref<1x512x64xf32, #tpu.memory_space<hbm>> -> memref<512x64xf32, #tpu.memory_space<hbm>>
    %dma_start3A_1228 = arith.constant 0 : i32
    %dma_start3A_1229 = tpu.memref_slice %arg5[%dma_start3A_1224, %mul3A_2, %dma_start3A_1228] : memref<26x16384x64xf32, #tpu.memory_space<hbm>> -> memref<1x512x64xf32, #tpu.memory_space<hbm>>
    %dma_start3A_1230 = tpu.memref_squeeze %dma_start3A_1229 : memref<1x512x64xf32, #tpu.memory_space<hbm>> -> memref<512x64xf32, #tpu.memory_space<hbm>>
    tpu.enqueue_dma source(%arg8 : memref<512x64xf32, #tpu.memory_space<vmem>>) target(%dma_start3A_1230 : memref<512x64xf32, #tpu.memory_space<hbm>>) target_semaphore(%arg12 : memref<!tpu.dma_semaphore, #tpu.memory_space<semaphore_mem>>)
    %dma_wait3A_1231 = arith.constant 0 : i32
    %dma_wait3A_1232 = arith.constant 0 : i32
    %dma_wait3A_1233 = arith.constant 0 : i32
    %dma_wait3A_1234 = tpu.memref_slice %arg2[%dma_wait3A_1231, %dma_wait3A_1232, %dma_wait3A_1233] : memref<26x16384x64xf32, #tpu.memory_space<hbm>> -> memref<1x512x64xf32, #tpu.memory_space<hbm>>
    %dma_wait3A_1235 = tpu.memref_squeeze %dma_wait3A_1234 : memref<1x512x64xf32, #tpu.memory_space<hbm>> -> memref<512x64xf32, #tpu.memory_space<hbm>>
    %dma_wait3A_1236 = arith.constant 0 : i32
    %dma_wait3A_1237 = arith.constant 0 : i32
    %dma_wait3A_1238 = tpu.memref_slice %arg2[%dma_wait3A_1231, %dma_wait3A_1236, %dma_wait3A_1237] : memref<26x16384x64xf32, #tpu.memory_space<hbm>> -> memref<1x512x64xf32, #tpu.memory_space<hbm>>
    %dma_wait3A_1239 = tpu.memref_squeeze %dma_wait3A_1238 : memref<1x512x64xf32, #tpu.memory_space<hbm>> -> memref<512x64xf32, #tpu.memory_space<hbm>>
    tpu.wait_dma2 semaphore(%arg12 : memref<!tpu.dma_semaphore, #tpu.memory_space<semaphore_mem>>) src(%dma_wait3A_1239 : memref<512x64xf32, #tpu.memory_space<hbm>>) dst(%arg7 : memref<512x64xf32, #tpu.memory_space<vmem>>)
    %dma_wait3A_1240 = arith.constant 0 : i32
    %dma_wait3A_1241 = arith.constant 0 : i32
    %dma_wait3A_1242 = arith.constant 0 : i32
    %dma_wait3A_1243 = tpu.memref_slice %arg2[%dma_wait3A_1240, %dma_wait3A_1241, %dma_wait3A_1242] : memref<26x16384x64xf32, #tpu.memory_space<hbm>> -> memref<1x512x64xf32, #tpu.memory_space<hbm>>
    %dma_wait3A_1244 = tpu.memref_squeeze %dma_wait3A_1243 : memref<1x512x64xf32, #tpu.memory_space<hbm>> -> memref<512x64xf32, #tpu.memory_space<hbm>>
    %dma_wait3A_1245 = arith.constant 0 : i32
    %dma_wait3A_1246 = arith.constant 0 : i32
    %dma_wait3A_1247 = tpu.memref_slice %arg2[%dma_wait3A_1240, %dma_wait3A_1245, %dma_wait3A_1246] : memref<26x16384x64xf32, #tpu.memory_space<hbm>> -> memref<1x512x64xf32, #tpu.memory_space<hbm>>
    %dma_wait3A_1248 = tpu.memref_squeeze %dma_wait3A_1247 : memref<1x512x64xf32, #tpu.memory_space<hbm>> -> memref<512x64xf32, #tpu.memory_space<hbm>>
    tpu.wait_dma2 semaphore(%arg12 : memref<!tpu.dma_semaphore, #tpu.memory_space<semaphore_mem>>) src(%dma_wait3A_1248 : memref<512x64xf32, #tpu.memory_space<hbm>>) dst(%arg7 : memref<512x64xf32, #tpu.memory_space<vmem>>)
    return
  }
}

</mosaic_0001>

<sc_bundles>
// kernel: kernel.3.cloned.1.call-start
scs
__scs_entry_jumppad:
0x0: {  	(pc) =	sbr.rel $0x88, $3  }
0x1: {  	(tag) =	ssettag $0x0;
	lr =	simm.s32 $0x1  }
0x2: {  	[smem:$0x3F9E] =	sst lr;
	_ =	strace $0xD0000000  }
0x3: {  	_ = 	snop  }
0x4: {  	_ = 	snop  }
0x5: {  	_ = 	snop  }
0x6: {  	_ = 	snop  }
0x7: {  	_ = 	snop  }
__scs_overlays_trampoline_lowered:
0x8: {  	[smem:$0x3FAD] =	sst s0  }
0x9: {  	[smem:$0x3FAE] =	sst s1  }
0xa: {  	[smem:$0x3FAF] =	sst s2  }
0xb: {  	[smem:$0x3FB0] =	sst s3  }
0xc: {  	[smem:$0x3FB1] =	sst s4  }
0xd: {  	[smem:$0x3FB2] =	sst s5  }
0xe: {  	[smem:$0x3FB3] =	sst s6  }
0xf: {  	[smem:$0x3FB4] =	sst s7  }
0x10: {  	[smem:$0x3FB5] =	sst s8  }
0x11: {  	[smem:$0x3FB6] =	sst s9;
	s0 =	simm.s32 @!p0 $0x0  }
0x12: {  	s1 =	sld [smem:$0x3F9C];
	s0 =	simm.s32 @p0 $0x1  }
0x13: {  	[smem:$0x3FB7] =	sst s0;
	s0 =	simm.s32 @!p1 $0x0  }
0x14: {  	s2 =	sld [smem:$0x3F9B];
	s0 =	simm.s32 @p1 $0x1  }
0x15: {  	[smem:$0x3FB8] =	sst s0;
	s0 =	simm.s32 @!p2 $0x0  }
0x16: {  	s3 =	sld [smem:$0x3FDB];
	s0 =	simm.s32 @p2 $0x1  }
0x17: {  	s4 =	simm.s32 $0x1BF5;
	[smem:$0x3FBA] =	sst s0  }
0x18: {  	s0 =	sld [smem:$0x3F9D];
	_ =	swait.ge [sflag:s4], $0x0  }
0x19: {  	s7 =	sld [smem:$0x3F9E]  }
0x1a: {  	s8 =	sadd.s32 $0xFFFFE003, lr  }
0x1b: {  	s9 =	sadd.s32 $0xFFFFFEF7, lr;
	s5 =	simm.s32 $0xFFFFFFFF;
	p2 =	slt.u32 s8, $0xFFFFF086  }
0x1c: {  	p1 =	slt.u32 s9, $0xF7A;
	s5 =	simm.s32 @!p2 $0x0  }
0x1d: {  	s5 =	simm.s32 @p1 $0x1;
	p0 =	seq.s32 s7, s2  }
0x1e: {  	s7 =	smul.u32 @!p0 $0xF7A, s2;
	p2 =	seq.s32 @!p0 s5, $0x0  }
0x1f: {  	s9 =	smul.u32 $0xF7A, s1;
	s8 =	simm.s32 @!p0 $0x1BF5;
	p2 =	por !p2, p0  }
0x20: {  	[sflag:s8] =	ssyncset.s32 @!p0 $0xFFFFF086;
	s6 =	sadd.s32 @!p0 s3, s7;
	s7 =	simm.s32 @!p0 $0x108  }
0x21: {  	s3 =	sadd.s32 s3, s9;
	s6 =	sadd.s32 @!p0 $0x88, s6;
	s7 =	simm.s32 @p2 $0x1082  }
0x22: {  	[simem:s7], [sflag:s8] =	dma.local @!p0 [hbm:s6], $0xF7A  }
0x23: {  	s9 =	sor.u32 $0xD0000000, s2;
	s6 =	simm.s32 $0x108;
	_ =	swait.ge @!p0 [sflag:s8], $0x0  }
0x24: {  	s3 =	sadd.s32 $0x88, s3;
	s6 =	simm.s32 @!p1 $0x1082;
	[sflag:s4] =	ssyncset.s32 $0xFFFFF086  }
0x25: {  	[simem:s6], [sflag:s4] =	dma.local [hbm:s3], $0xF7A  }
0x26: {  	[smem:$0x3F9E] =	sst s1;
	(tag) =	ssettag s2;
	_ =	strace s9  }
0x27: {  	s1 =	sld [smem:$0x3FAE]  }
0x28: {  	s2 =	sld [smem:$0x3FAF]  }
0x29: {  	s4 =	sld [smem:$0x3FB1]  }
0x2a: {  	p0 =	seq.s32 s5, $0x0;
	s5 =	sld [smem:$0x3FB2]  }
0x2b: {  	s6 =	sld [smem:$0x3FB3]  }
0x2c: {  	s7 =	sld [smem:$0x3FB4]  }
0x2d: {  	s3 =	simm.s32 $0x108;
	s8 =	sld [smem:$0x3FB5]  }
0x2e: {  	s3 =	simm.s32 @!p0 $0x1082;
	s9 =	sld [smem:$0x3FB6]  }
0x2f: {  	lr =	sadd.s32 s0, s3;
	s0 =	sld [smem:$0x3FAD]  }
0x30: {  	s3 =	sld [smem:$0x3FB0]  }
0x31: {  	[smem:$0x3FB9] =	sst s10  }
0x32: {  	s10 =	sld [smem:$0x3FB7];
	_ =	sdelay $0x3  }
0x33: {  	p0 =	seq.s32 s10, $0x1;
	s10 =	sld [smem:$0x3FB9];
	_ =	sdelay $0x3  }
0x34: {  	[smem:$0x3FB9] =	sst s10  }
0x35: {  	s10 =	sld [smem:$0x3FB8];
	_ =	sdelay $0x3  }
0x36: {  	p1 =	seq.s32 s10, $0x1;
	s10 =	sld [smem:$0x3FB9];
	_ =	sdelay $0x3  }
0x37: {  	[smem:$0x3FB9] =	sst s10  }
0x38: {  	s10 =	sld [smem:$0x3FBA]  }
0x39: {  	_ = 	snop;
	(pc) =	sbr.ind lr, $3  }
0x3a: {  	_ = 	snop  }
0x3b: {  	_ = 	snop  }
0x3c: {  	p2 =	seq.s32 s10, $0x1;
	s10 =	sld [smem:$0x3FB9]  }
0x3d: {  	_ =	shalt  }
0x3e: {  	_ =	shalt  }
0x3f: {  	_ =	shalt  }
0x40: {  	_ =	shalt  }
0x41: {  	_ =	shalt  }
0x42: {  	_ =	shalt  }
0x43: {  	_ =	shalt  }
0x44: {  	_ =	shalt  }
0x45: {  	_ =	shalt  }
0x46: {  	_ =	shalt  }
0x47: {  	_ =	shalt  }
0x48: {  	_ =	shalt  }
0x49: {  	_ =	shalt  }
0x4a: {  	_ =	shalt  }
0x4b: {  	_ =	shalt  }
0x4c: {  	_ =	shalt  }
0x4d: {  	_ =	shalt  }
0x4e: {  	_ =	shalt  }
0x4f: {  	_ =	shalt  }
0x50: {  	_ =	shalt  }
0x51: {  	_ =	shalt  }
0x52: {  	_ =	shalt  }
0x53: {  	_ =	shalt  }
0x54: {  	_ =	shalt  }
0x55: {  	_ =	shalt  }
0x56: {  	_ =	shalt  }
0x57: {  	_ =	shalt  }
0x58: {  	_ =	shalt  }
0x59: {  	_ =	shalt  }
0x5a: {  	_ =	shalt  }
0x5b: {  	_ =	shalt  }
0x5c: {  	_ =	shalt  }
0x5d: {  	_ =	shalt  }
0x5e: {  	_ =	shalt  }
0x5f: {  	_ =	shalt  }
0x60: {  	_ =	shalt  }
0x61: {  	_ =	shalt  }
0x62: {  	_ =	shalt  }
0x63: {  	_ =	shalt  }
0x64: {  	_ =	shalt  }
0x65: {  	_ =	shalt  }
0x66: {  	_ =	shalt  }
0x67: {  	_ =	shalt  }
0x68: {  	_ =	shalt  }
0x69: {  	_ =	shalt  }
0x6a: {  	_ =	shalt  }
0x6b: {  	_ =	shalt  }
0x6c: {  	_ =	shalt  }
0x6d: {  	_ =	shalt  }
0x6e: {  	_ =	shalt  }
0x6f: {  	_ =	shalt  }
0x70: {  	_ =	shalt  }
0x71: {  	_ =	shalt  }
0x72: {  	_ =	shalt  }
0x73: {  	_ =	shalt  }
0x74: {  	_ =	shalt  }
0x75: {  	_ =	shalt  }
0x76: {  	_ =	shalt  }
0x77: {  	_ =	shalt  }
0x78: {  	_ =	shalt  }
0x79: {  	_ =	shalt  }
0x7a: {  	_ =	shalt  }
0x7b: {  	_ =	shalt  }
0x7c: {  	_ =	shalt  }
0x7d: {  	_ =	shalt  }
0x7e: {  	_ =	shalt  }
0x7f: {  	_ =	shalt  }
0x80: {  	_ =	shalt  }
0x81: {  	_ =	shalt  }
0x82: {  	_ =	shalt  }
0x83: {  	_ =	shalt  }
0x84: {  	_ =	shalt  }
0x85: {  	_ =	shalt  }
0x86: {  	_ =	shalt  }
0x87: {  	_ =	shalt  }
.Lfunc_end0:
.L_simem_size_0:
called_computation.1_lowered:
.L_overlay_start_0:
0x88: {  	s2 =	sld [smem:$0x3FD9]  }
0x89: {  	s3 =	sld [smem:$0x3FFE];
	_ =	sdelay $0x1  }
0x8a: {  	s1 =	srdreg.scid  }
0x8b: {  	s0 =	sand.u32 $0x1, s1  }
0x8c: {  	s17 =	sshll.u32 s0, $0xA;
	s2 =	sadd.s32 s3, s2  }
0x8d: {  	s2 =	sadd.s32 s2, s17  }
0x8e: {  	[smem:$0x3FC5] =	sst s2  }
0x8f: {  	_ = 	snop  }
0x90: {  	s2 =	sld [smem:$0x3FD0];
	(tm) =	ssettm $0x1  }
0x91: {  	s18 =	sld [smem:$0x3FFB];
	_ =	sdelay $0x3  }
0x92: {  	_ =	strace s18  }
0x93: {  	s3 =	sld [smem:$0x3FFC];
	_ =	sdelay $0x3  }
0x94: {  	_ =	strace s3  }
0x95: {  	s3 =	sld [smem:$0x3FFD];
	_ =	sdelay $0x3  }
0x96: {  	_ =	strace s3  }
0x97: {  	_ =	strace $0x8FFFFFFF  }
0x98: {  	s19 =	sld [smem:$0x3FDB];
	_ =	sdelay $0x1  }
0x99: {  	s4 =	simm.s32 $_scs_section_size  }
0x9a: {  	s5 =	simm.s32 $_size__tile_overlayer_lowered;
	s6 =	simm.s32 $_tile_overlayer_lowered  }
0x9b: {  	s22 =	simm.s32 $0x1BFF;
	s21 =	sshll.u32 s6, $0x1;
	s3 =	sadd.s32 s4, s19  }
0x9c: {  	s7 =	simm.s32 $0x0;
	s20 =	sshll.u32 s5, $0x1;
	s5 =	sadd.s32 s21, s3  }
0x9d: {  	[timem:s7], [sflag:s22] =	dma.local [hbm:s5], s20  }
0x9e: {  	_ =	swait.ge [sflag:s22], s20  }
0x9f: {  	s4 =	ssub.s32 $0x0, s20;
	[sflag:s22] =	ssyncset.done $0x0  }
0xa0: {  	[sflag:s22] =	ssyncadd.s32 s4;
	_ =	sdelay $0x1  }
0xa1: {  	s23 =	simm.s32 $0x1B8B  }
0xa2: {  	_ =	swait.ge [sflag:s23], $0x1  }
0xa3: {  	[sflag:s23] =	ssyncset.done $0x0  }
0xa4: {  	s25 =	simm.s32 $0x1B8E;
	s24 =	sld [smem:$0x3FFE];
	[sflag:s23] =	ssyncadd.s32 $0xFFFFFFFF  }
0xa5: {  	s26 =	simm.s32 $execute0_lowered;
	[smem:$0x3FD2] =	sst s25  }
0xa6: {  	s5 =	sshll.u32 s26, $0x1;
	_ =	strace $0x80000046;
	[dreg:$0x1] =	wrdreg $0xFFFFFFFF  }
0xa7: {  	s28 =	simm.s32 $_size_execute0_lowered;
	s3 =	sadd.s32 s3, s5;
	[dreg:$0x0] =	wrdreg $0x0  }
0xa8: {  	s5 =	sshll.u32 s28, $0x1;
	[dreg:$0x2] =	wrdreg s3  }
0xa9: {  	[dreg:$0x3] =	wrdreg s5  }
0xaa: {  	[dreg:$0x4] =	wrdreg $0xC0  }
0xab: {  	_ =	task [dreg:s7], $0x5FFFF  }
0xac: {  	[dreg:$0x1] =	wrdreg $0xFFFFFFFF  }
0xad: {  	[dreg:$0x0] =	wrdreg $0x60  }
0xae: {  	[dreg:$0x2] =	wrdreg s2  }
0xaf: {  	[dreg:$0x3] =	wrdreg s24  }
0xb0: {  	[dreg:$0x4] =	wrdreg $0x9  }
0xb1: {  	_ =	task.clear_ibuf [dreg:s7], $0x5FFFF;
	_ =	strace $0x90000046  }
0xb2: {  	s29 =	simm.s32 $0x9;
	_ =	strace $0x80000048  }
0xb3: {  	_ =	swait.ge [sflag:s29], $0x1  }
0xb4: {  	[sflag:s29] =	ssyncadd.s32 $0xFFFFFFFF  }
0xb5: {  	_ =	strace $0x90000048  }
0xb6: {  	_ =	sfence  }
0xb7: {  	s30 =	sld [smem:$0x0];
	_ =	sdelay $0x2  }
0xb8: {  	s31 =	sshll.u32 s1, $0xD;
	s1 =	sshrl.u32 s1, $0x2  }
0xb9: {  	s3 =	sand.u32 $0x4000, s31;
	s1 =	sadd.s32 s1, s30  }
0xba: {  	s0 =	sor.u32 s3, s0;
	s1 =	sshll.u32 s1, $0x11  }
0xbb: {  	s0 =	sor.u32 s1, s0  }
0xbc: {  	s0 =	sadd.s32 $0x8F2B, s0  }
0xbd: {  	[sflag:s0] =	ssyncadd.remote.s32 $0x1  }
0xbe: {  	_ =	sfence.sel $0xFFFF  }
0xbf: {  	[dreg:$0x0] =	wrdreg $0xFFFFFFFF;
	(pc) =	sbr.abs _section_cstart, $3  }
0xc0: {  	[dreg:$0x1] =	wrdreg $0xFFFFFFFF  }
0xc1: {  	_ =	task.clear_ibuf [dreg:s7], $0x2FFFF;
	_ =	strace $0x9FFFFFFF  }
0xc2: {  	(tm) =	ssettm $0x7FFFFFFF  }
0xc3: {  	_ =	shalt  }
tec
execute0_lowered:
.L_overlay_start_1:
0x0: {  	(tag) =	ssettag $0x1  }
0x1: {  	s0 =	srdreg.scid  }
0x2: {  	s11 =	stileid.u32;
	s4 =	sand.u32 $0x1, s0  }
0x3: {  	s1 =	rddreg [dreg:$0x0];
	s14 =	sshll.u32 s11, $0xA;
	s2 =	sshll.u32 s4, $0x9  }
0x4: {  	s3 =	rddreg [dreg:$0x1];
	s0 =	sor.u32 s2, s14;
	s2 =	simm.s32 $0x0  }
0x5: {  	s5 =	sshrl.u32 s0, $0x3;
	[smem:$0x7FF] =	sst s2;
	s6 =	sshll.u32 s0, $0x3  }
0x6: {  	s5 =	sadd.s32 s5, s3;
	_ =	strace $0x80000047;
	s0 =	sadd.s32 s1, s6  }
0x7: {  	s7 =	sor.u32 $0x20000, s6;
	s5 =	sadd.s32 $0xA00, s5;
	[dreg:$0x4] =	wrdreg s0  }
0x8: {  	s8 =	sor.u32 $0x40000, s6;
	s15 =	sadd.s32 s1, s7;
	[dreg:$0x3] =	wrdreg s5  }
0x9: {  	s19 =	sor.u32 $0x60000, s6;
	s17 =	sadd.s32 s1, s8;
	[dreg:$0x5] =	wrdreg s15  }
0xa: {  	s22 =	sor.u32 $0x80000, s6;
	s20 =	sadd.s32 s1, s19;
	[dreg:$0x7] =	wrdreg s17  }
0xb: {  	s25 =	sor.u32 $0xA0000, s6;
	s23 =	sadd.s32 s1, s22;
	[dreg:$0x9] =	wrdreg s20  }
0xc: {  	s9 =	sor.u32 $0xC0000, s6;
	s26 =	sadd.s32 s1, s25;
	[dreg:$0xb] =	wrdreg s23  }
0xd: {  	s13 =	sor.u32 $0xE0000, s6;
	s10 =	sadd.s32 s1, s9;
	[dreg:$0xd] =	wrdreg s26  }
0xe: {  	s14 =	sadd.s32 s1, s13;
	[dreg:$0xf] =	wrdreg s10  }
0xf: {  	s5 =	sadd.s32 $0xDA00, s3;
	[dreg:$0x11] =	wrdreg s14  }
0x10: {  	s16 =	sadd.s32 s5, s6;
	s0 =	rddreg [dreg:$0x3]  }
0x11: {  	s18 =	sadd.s32 s5, s7;
	[dreg:$0x6] =	wrdreg s16  }
0x12: {  	s21 =	sadd.s32 s5, s8;
	[dreg:$0x8] =	wrdreg s18  }
0x13: {  	s24 =	sadd.s32 s5, s19;
	[dreg:$0xa] =	wrdreg s21  }
0x14: {  	s8 =	sadd.s32 s5, s22;
	[dreg:$0xc] =	wrdreg s24  }
0x15: {  	s12 =	sadd.s32 s5, s25;
	[dreg:$0xe] =	wrdreg s8  }
0x16: {  	s15 =	sadd.s32 s5, s9;
	[dreg:$0x10] =	wrdreg s12  }
0x17: {  	s19 =	sor.u32 $0x120000, s6;
	[dreg:$0x12] =	wrdreg s15;
	s18 =	sadd.s32 s5, s13  }
0x18: {  	s22 =	sor.u32 $0x140000, s6;
	s20 =	sadd.s32 s1, s19;
	[dreg:$0x14] =	wrdreg s18  }
0x19: {  	s23 =	sadd.s32 s1, s22;
	[dreg:$0x15] =	wrdreg s20  }
0x1a: {  	s25 =	sor.u32 $0x160000, s6;
	s24 =	sadd.s32 s5, s19;
	[dreg:$0x17] =	wrdreg s23  }
0x1b: {  	s31 =	simm.s32 $0x4;
	s26 =	sadd.s32 s1, s25;
	[dreg:$0x18] =	wrdreg s24  }
0x1c: {  	s9 =	sor.u32 $0x180000, s6;
	s8 =	sadd.s32 s5, s22;
	[dreg:$0x19] =	wrdreg s26  }
0x1d: {  	s30 =	simm.s32 $0x1000;
	s10 =	sadd.s32 s1, s9;
	[dreg:$0x1a] =	wrdreg s8  }
0x1e: {  	s29 =	simm.s32 $0x1200;
	s12 =	sadd.s32 s5, s25;
	[dreg:$0x1b] =	wrdreg s10  }
0x1f: {  	s16 =	sor.u32 $0x100000, s6;
	s15 =	sadd.s32 s5, s9;
	[dreg:$0x1c] =	wrdreg s12  }
0x20: {  	s28 =	simm.s32 $0x1400;
	s17 =	sadd.s32 s1, s16;
	[dreg:$0x1e] =	wrdreg s15  }
0x21: {  	s13 =	sor.u32 $0x1A0000, s6;
	s21 =	sadd.s32 s5, s16;
	[dreg:$0x13] =	wrdreg s17  }
0x22: {  	p0 =	por $0x0, $0x0;
	s14 =	sadd.s32 s1, s13;
	[dreg:$0x16] =	wrdreg s21  }
0x23: {  	s19 =	sor.u32 $0x1E0000, s6;
	s18 =	sadd.s32 s5, s13;
	[dreg:$0x1d] =	wrdreg s14  }
0x24: {  	s22 =	sor.u32 $0x200000, s6;
	s20 =	sadd.s32 s1, s19;
	[smem:$0x7E0] =	sst s18  }
0x25: {  	s4 =	ssub.s32 $0x2, s4;
	s23 =	sadd.s32 s1, s22;
	[smem:$0x7E1] =	sst s20  }
0x26: {  	s25 =	sor.u32 $0x220000, s6;
	s24 =	sadd.s32 s5, s19;
	[smem:$0x7E3] =	sst s23  }
0x27: {  	s3 =	sadd.s32 $0xF42E00, s3;
	s26 =	sadd.s32 s1, s25;
	[smem:$0x7E4] =	sst s24  }
0x28: {  	s9 =	sor.u32 $0x240000, s6;
	s8 =	sadd.s32 s5, s22;
	[smem:$0x7E5] =	sst s26  }
0x29: {  	s7 =	simm.s32 $0x2;
	s10 =	sadd.s32 s1, s9;
	[smem:$0x7E6] =	sst s8  }
0x2a: {  	s16 =	sor.u32 $0x1C0000, s6;
	s12 =	sadd.s32 s5, s25;
	[smem:$0x7E7] =	sst s10  }
0x2b: {  	s13 =	sor.u32 $0x260000, s6;
	s15 =	sadd.s32 s5, s9;
	[smem:$0x7E8] =	sst s12  }
0x2c: {  	s19 =	sor.u32 $0x2A0000, s6;
	s17 =	sadd.s32 s1, s16;
	[smem:$0x7EA] =	sst s15  }
0x2d: {  	s22 =	sor.u32 $0x2C0000, s6;
	s21 =	sadd.s32 s5, s16;
	[dreg:$0x1f] =	wrdreg s17  }
0x2e: {  	s25 =	sor.u32 $0x2E0000, s6;
	s14 =	sadd.s32 s1, s13;
	[smem:$0x7E2] =	sst s21  }
0x2f: {  	s9 =	sor.u32 $0x300000, s6;
	s18 =	sadd.s32 s5, s13;
	[smem:$0x7E9] =	sst s14  }
0x30: {  	s16 =	sor.u32 $0x280000, s6;
	s20 =	sadd.s32 s1, s19;
	[smem:$0x7EC] =	sst s18  }
0x31: {  	s23 =	sadd.s32 s1, s22;
	s24 =	sadd.s32 s5, s19;
	[smem:$0x7ED] =	sst s20  }
0x32: {  	s26 =	sadd.s32 s1, s25;
	s8 =	sadd.s32 s5, s22;
	[smem:$0x7EF] =	sst s23  }
0x33: {  	s10 =	sadd.s32 s1, s9;
	s12 =	sadd.s32 s5, s25;
	[smem:$0x7F0] =	sst s24  }
0x34: {  	s6 =	sor.u32 $0x320000, s6;
	s15 =	sadd.s32 s5, s9;
	[smem:$0x7F1] =	sst s26  }
0x35: {  	s9 =	simm.s32 $0x3400;
	s22 =	simm.s32 $0x400;
	[smem:$0x7F2] =	sst s8  }
0x36: {  	s25 =	simm.s32 $0xA00;
	s19 =	simm.s32 $0x2400;
	[smem:$0x7F3] =	sst s10  }
0x37: {  	s17 =	sadd.s32 s1, s16;
	s21 =	sadd.s32 s5, s16;
	[smem:$0x7F4] =	sst s12  }
0x38: {  	s13 =	sadd.s32 s1, s6;
	s14 =	sshrl.u32 s4, $0x1;
	[smem:$0x7F6] =	sst s15  }
0x39: {  	s16 =	sadd.s32 s5, s6;
	s5 =	simm.s32 $0x200;
	s8 =	simm.s32 $0x1  }
0x3a: {  	[smem:$0x7F9] =	sst s22;
	s23 =	simm.s32 $0x600;
	s24 =	simm.s32 $0x800  }
0x3b: {  	s10 =	simm.s32 $0x13400;
	s6 =	simm.s32 $0x3;
	[smem:$0x7FC] =	sst s25  }
0x3c: {  	s26 =	simm.s32 $0xC00;
	s25 =	simm.s32 $0x1800;
	[smem:$0x7EB] =	sst s17  }
0x3d: {  	s22 =	simm.s32 $0x1E00;
	s20 =	simm.s32 $0x2200;
	[smem:$0x7EE] =	sst s21  }
0x3e: {  	s18 =	simm.s32 $0x2600;
	[smem:$0x7F5] =	sst s13;
	s1 =	ssub.s32 s4, s14  }
0x3f: {  	s15 =	simm.s32 $0x2C00;
	[smem:$0x7F7] =	sst s16;
	s17 =	smax.u32 s1, $0x1  }
0x40: {  	s12 =	simm.s32 $0x3200;
	[smem:$0x7FA] =	sst s23;
	p1 =	sne.s32 s17, $0x1  }
.Ltmp0:
0x41: {  	s21 =	simm.s32 $0x4000;
	[smem:$0x7FB] =	sst s24;
	(pc) =	sbr.rel @!p1 .LBB2_1-.Ltmp0, $4  }
0x42: {  	s4 =	simm.s32 $0xB400;
	[smem:$0x7FD] =	sst s26;
	s26 =	simm.s32 $0x1600  }
0x43: {  	s24 =	simm.s32 $0x1A00;
	s23 =	simm.s32 $0x1C00;
	s16 =	simm.s32 $0x2A00  }
0x44: {  	s14 =	simm.s32 $0x2E00;
	s13 =	simm.s32 $0x3000;
	[smem:$0x7F8] =	sst s21  }
0x45: {  	s21 =	simm.s32 $0x2000;
	s1 =	sadd.s32 $0xFFFFFFFF, s17;
	s17 =	simm.s32 $0x2800  }
0x46: {  	s11 =	smov.u32 s1;
	s1 =	sld [smem:$0x7F8];
	_ =	sdelay $0x2  }
0x47: {  	[tilespmem:s2], [sflag:$0x4] =	stream.strided.gather [hbm4b:s0+s5], $0x3400, s1, s5, $0x38;
	[tilespmem:$0x1B400] =	vst v63  }
0x48: {  	_ =	swait.ge [sflag:s31], $0x3400  }
0x49: {  	[sflag:s31] =	ssyncset.done $0x0  }
0x4a: {  	s0 =	rddreg [dreg:$0x4];
	[sflag:s31] =	ssyncadd.s32 $0xFFFFCC00  }
0x4b: {  	[tilespmem:s9], [sflag:$0x1] =	stream.linear.gather [hbm4b:s0+s2], $0x8000, $0x38;
	[tilespmem:$0x1B400] =	vst v63  }
0x4c: {  	s1 =	rddreg [dreg:$0x5]  }
0x4d: {  	[tilespmem:s4], [sflag:$0x1] =	stream.linear.gather [hbm4b:s1+s2], $0x8000, $0x38;
	[tilespmem:$0x1B400] =	vst v63  }
0x4e: {  	_ =	swait.ge [sflag:s8], $0x8000  }
0x4f: {  	[sflag:s8] =	ssyncset.done $0x0  }
0x50: {  	[sflag:s8] =	ssyncadd.s32 $0xFFFF8000  }
0x51: {  	[tilespmem:s9], [sflag:$0x2] =	stream.indirect.gather.add.f32 [hbm:s3], $0x40, s2, s5, $0xb8;
	[tilespmem:$0x1B400] =	vst v63  }
0x52: {  	_ =	swait.ge [sflag:s7], $0x8000  }
0x53: {  	[sflag:s7] =	ssyncset.done $0x0  }
0x54: {  	s0 =	rddreg [dreg:$0x6];
	[sflag:s7] =	ssyncadd.s32 $0xFFFF8000  }
0x55: {  	[hbm4b:s0+s2] =	stream.linear.scatter [tilespmem:s9], [sflag:$0x3], $0x8000, $0x38;
	[tilespmem:$0x1B400] =	vst v63  }
0x56: {  	s1 =	rddreg [dreg:$0x7]  }
0x57: {  	[tilespmem:s10], [sflag:$0x1] =	stream.linear.gather [hbm4b:s1+s2], $0x8000, $0x38;
	[tilespmem:$0x1B400] =	vst v63  }
0x58: {  	_ =	swait.ge [sflag:s8], $0x8000  }
0x59: {  	[sflag:s8] =	ssyncset.done $0x0  }
0x5a: {  	[sflag:s8] =	ssyncadd.s32 $0xFFFF8000  }
0x5b: {  	[tilespmem:s4], [sflag:$0x2] =	stream.indirect.gather.add.f32 [hbm:s3], $0x40, s5, s5, $0xb8;
	[tilespmem:$0x1B400] =	vst v63  }
0x5c: {  	_ =	swait.ge [sflag:s7], $0x8000  }
0x5d: {  	[sflag:s7] =	ssyncset.done $0x0  }
0x5e: {  	s1 =	rddreg [dreg:$0x8];
	[sflag:s7] =	ssyncadd.s32 $0xFFFF8000  }
0x5f: {  	[hbm4b:s1+s2] =	stream.linear.scatter [tilespmem:s4], [sflag:$0x3], $0x8000, $0x38;
	[tilespmem:$0x1B400] =	vst v63  }
0x60: {  	_ =	swait.ge [sflag:s6], $0x8000  }
0x61: {  	[sflag:s6] =	ssyncset.done $0x0  }
0x62: {  	s1 =	rddreg [dreg:$0x9];
	[sflag:s6] =	ssyncadd.s32 $0xFFFF8000  }
0x63: {  	[tilespmem:s9], [sflag:$0x1] =	stream.linear.gather [hbm4b:s1+s2], $0x8000, $0x38;
	[tilespmem:$0x1B400] =	vst v63  }
0x64: {  	_ =	swait.ge [sflag:s8], $0x8000  }
0x65: {  	s1 =	sld [smem:$0x7F9]  }
0x66: {  	[sflag:s8] =	ssyncset.done $0x0  }
0x67: {  	[sflag:s8] =	ssyncadd.s32 $0xFFFF8000  }
0x68: {  	[tilespmem:s10], [sflag:$0x2] =	stream.indirect.gather.add.f32 [hbm:s3], $0x40, s1, s5, $0xb8;
	[tilespmem:$0x1B400] =	vst v63  }
0x69: {  	_ =	swait.ge [sflag:s7], $0x8000  }
0x6a: {  	[sflag:s7] =	ssyncset.done $0x0  }
0x6b: {  	s1 =	rddreg [dreg:$0xa];
	[sflag:s7] =	ssyncadd.s32 $0xFFFF8000  }
0x6c: {  	[hbm4b:s1+s2] =	stream.linear.scatter [tilespmem:s10], [sflag:$0x3], $0x8000, $0x38;
	[tilespmem:$0x1B400] =	vst v63  }
0x6d: {  	_ =	swait.ge [sflag:s6], $0x8000  }
0x6e: {  	[sflag:s6] =	ssyncset.done $0x0  }
0x6f: {  	s1 =	rddreg [dreg:$0xb];
	[sflag:s6] =	ssyncadd.s32 $0xFFFF8000  }
0x70: {  	[tilespmem:s4], [sflag:$0x1] =	stream.linear.gather [hbm4b:s1+s2], $0x8000, $0x38;
	[tilespmem:$0x1B400] =	vst v63  }
0x71: {  	_ =	swait.ge [sflag:s8], $0x8000  }
0x72: {  	s1 =	sld [smem:$0x7FA]  }
0x73: {  	[sflag:s8] =	ssyncset.done $0x0  }
0x74: {  	[sflag:s8] =	ssyncadd.s32 $0xFFFF8000  }
0x75: {  	[tilespmem:s9], [sflag:$0x2] =	stream.indirect.gather.add.f32 [hbm:s3], $0x40, s1, s5, $0xb8;
	[tilespmem:$0x1B400] =	vst v63  }
0x76: {  	_ =	swait.ge [sflag:s7], $0x8000  }
0x77: {  	[sflag:s7] =	ssyncset.done $0x0  }
0x78: {  	s1 =	rddreg [dreg:$0xc];
	[sflag:s7] =	ssyncadd.s32 $0xFFFF8000  }
0x79: {  	[hbm4b:s1+s2] =	stream.linear.scatter [tilespmem:s9], [sflag:$0x3], $0x8000, $0x38;
	[tilespmem:$0x1B400] =	vst v63  }
0x7a: {  	_ =	swait.ge [sflag:s6], $0x8000  }
0x7b: {  	[sflag:s6] =	ssyncset.done $0x0  }
0x7c: {  	s1 =	rddreg [dreg:$0xd];
	[sflag:s6] =	ssyncadd.s32 $0xFFFF8000  }
0x7d: {  	[tilespmem:s10], [sflag:$0x1] =	stream.linear.gather [hbm4b:s1+s2], $0x8000, $0x38;
	[tilespmem:$0x1B400] =	vst v63  }
0x7e: {  	_ =	swait.ge [sflag:s8], $0x8000  }
0x7f: {  	s1 =	sld [smem:$0x7FB]  }
0x80: {  	[sflag:s8] =	ssyncset.done $0x0  }
0x81: {  	[sflag:s8] =	ssyncadd.s32 $0xFFFF8000  }
0x82: {  	[tilespmem:s4], [sflag:$0x2] =	stream.indirect.gather.add.f32 [hbm:s3], $0x40, s1, s5, $0xb8;
	[tilespmem:$0x1B400] =	vst v63  }
0x83: {  	_ =	swait.ge [sflag:s7], $0x8000  }
0x84: {  	[sflag:s7] =	ssyncset.done $0x0  }
0x85: {  	s1 =	rddreg [dreg:$0xe];
	[sflag:s7] =	ssyncadd.s32 $0xFFFF8000  }
0x86: {  	[hbm4b:s1+s2] =	stream.linear.scatter [tilespmem:s4], [sflag:$0x3], $0x8000, $0x38;
	[tilespmem:$0x1B400] =	vst v63  }
0x87: {  	_ =	swait.ge [sflag:s6], $0x8000  }
0x88: {  	[sflag:s6] =	ssyncset.done $0x0  }
0x89: {  	s1 =	rddreg [dreg:$0xf];
	[sflag:s6] =	ssyncadd.s32 $0xFFFF8000  }
0x8a: {  	[tilespmem:s9], [sflag:$0x1] =	stream.linear.gather [hbm4b:s1+s2], $0x8000, $0x38;
	[tilespmem:$0x1B400] =	vst v63  }
0x8b: {  	_ =	swait.ge [sflag:s8], $0x8000  }
0x8c: {  	s1 =	sld [smem:$0x7FC]  }
0x8d: {  	[sflag:s8] =	ssyncset.done $0x0  }
0x8e: {  	[sflag:s8] =	ssyncadd.s32 $0xFFFF8000  }
0x8f: {  	[tilespmem:s10], [sflag:$0x2] =	stream.indirect.gather.add.f32 [hbm:s3], $0x40, s1, s5, $0xb8;
	[tilespmem:$0x1B400] =	vst v63  }
0x90: {  	_ =	swait.ge [sflag:s7], $0x8000  }
0x91: {  	[sflag:s7] =	ssyncset.done $0x0  }
0x92: {  	s1 =	rddreg [dreg:$0x10];
	[sflag:s7] =	ssyncadd.s32 $0xFFFF8000  }
0x93: {  	[hbm4b:s1+s2] =	stream.linear.scatter [tilespmem:s10], [sflag:$0x3], $0x8000, $0x38;
	[tilespmem:$0x1B400] =	vst v63  }
0x94: {  	_ =	swait.ge [sflag:s6], $0x8000  }
0x95: {  	[sflag:s6] =	ssyncset.done $0x0  }
0x96: {  	s1 =	rddreg [dreg:$0x11];
	[sflag:s6] =	ssyncadd.s32 $0xFFFF8000  }
0x97: {  	[tilespmem:s4], [sflag:$0x1] =	stream.linear.gather [hbm4b:s1+s2], $0x8000, $0x38;
	[tilespmem:$0x1B400] =	vst v63  }
0x98: {  	_ =	swait.ge [sflag:s8], $0x8000  }
0x99: {  	s1 =	sld [smem:$0x7FD]  }
0x9a: {  	[sflag:s8] =	ssyncset.done $0x0  }
0x9b: {  	[sflag:s8] =	ssyncadd.s32 $0xFFFF8000  }
0x9c: {  	[tilespmem:s9], [sflag:$0x2] =	stream.indirect.gather.add.f32 [hbm:s3], $0x40, s1, s5, $0xb8;
	[tilespmem:$0x1B400] =	vst v63  }
0x9d: {  	_ =	swait.ge [sflag:s7], $0x8000  }
0x9e: {  	[sflag:s7] =	ssyncset.done $0x0  }
0x9f: {  	s1 =	rddreg [dreg:$0x12];
	[sflag:s7] =	ssyncadd.s32 $0xFFFF8000  }
0xa0: {  	[hbm4b:s1+s2] =	stream.linear.scatter [tilespmem:s9], [sflag:$0x3], $0x8000, $0x38;
	[tilespmem:$0x1B400] =	vst v63  }
0xa1: {  	_ =	swait.ge [sflag:s6], $0x8000  }
0xa2: {  	[sflag:s6] =	ssyncset.done $0x0  }
0xa3: {  	s1 =	rddreg [dreg:$0x13];
	[sflag:s6] =	ssyncadd.s32 $0xFFFF8000  }
0xa4: {  	[tilespmem:s10], [sflag:$0x1] =	stream.linear.gather [hbm4b:s1+s2], $0x8000, $0x38;
	[tilespmem:$0x1B400] =	vst v63  }
0xa5: {  	_ =	swait.ge [sflag:s8], $0x8000  }
0xa6: {  	[sflag:s8] =	ssyncset.done $0x0  }
0xa7: {  	s1 =	simm.s32 $0xE00;
	[sflag:s8] =	ssyncadd.s32 $0xFFFF8000  }
0xa8: {  	[tilespmem:s4], [sflag:$0x2] =	stream.indirect.gather.add.f32 [hbm:s3], $0x40, s1, s5, $0xb8;
	[tilespmem:$0x1B400] =	vst v63  }
0xa9: {  	_ =	swait.ge [sflag:s7], $0x8000  }
0xaa: {  	[sflag:s7] =	ssyncset.done $0x0  }
0xab: {  	s1 =	rddreg [dreg:$0x14];
	[sflag:s7] =	ssyncadd.s32 $0xFFFF8000  }
0xac: {  	[hbm4b:s1+s2] =	stream.linear.scatter [tilespmem:s4], [sflag:$0x3], $0x8000, $0x38;
	[tilespmem:$0x1B400] =	vst v63  }
0xad: {  	_ =	swait.ge [sflag:s6], $0x8000  }
0xae: {  	[sflag:s6] =	ssyncset.done $0x0  }
0xaf: {  	s1 =	rddreg [dreg:$0x15];
	[sflag:s6] =	ssyncadd.s32 $0xFFFF8000  }
0xb0: {  	[tilespmem:s9], [sflag:$0x1] =	stream.linear.gather [hbm4b:s1+s2], $0x8000, $0x38;
	[tilespmem:$0x1B400] =	vst v63  }
0xb1: {  	_ =	swait.ge [sflag:s8], $0x8000  }
0xb2: {  	[sflag:s8] =	ssyncset.done $0x0  }
0xb3: {  	[sflag:s8] =	ssyncadd.s32 $0xFFFF8000  }
0xb4: {  	[tilespmem:s10], [sflag:$0x2] =	stream.indirect.gather.add.f32 [hbm:s3], $0x40, s30, s5, $0xb8;
	[tilespmem:$0x1B400] =	vst v63  }
0xb5: {  	_ =	swait.ge [sflag:s7], $0x8000  }
0xb6: {  	[sflag:s7] =	ssyncset.done $0x0  }
0xb7: {  	s1 =	rddreg [dreg:$0x16];
	[sflag:s7] =	ssyncadd.s32 $0xFFFF8000  }
0xb8: {  	[hbm4b:s1+s2] =	stream.linear.scatter [tilespmem:s10], [sflag:$0x3], $0x8000, $0x38;
	[tilespmem:$0x1B400] =	vst v63  }
0xb9: {  	_ =	swait.ge [sflag:s6], $0x8000  }
0xba: {  	[sflag:s6] =	ssyncset.done $0x0  }
0xbb: {  	s1 =	rddreg [dreg:$0x17];
	[sflag:s6] =	ssyncadd.s32 $0xFFFF8000  }
0xbc: {  	[tilespmem:s4], [sflag:$0x1] =	stream.linear.gather [hbm4b:s1+s2], $0x8000, $0x38;
	[tilespmem:$0x1B400] =	vst v63  }
0xbd: {  	_ =	swait.ge [sflag:s8], $0x8000  }
0xbe: {  	[sflag:s8] =	ssyncset.done $0x0  }
0xbf: {  	[sflag:s8] =	ssyncadd.s32 $0xFFFF8000  }
0xc0: {  	[tilespmem:s9], [sflag:$0x2] =	stream.indirect.gather.add.f32 [hbm:s3], $0x40, s29, s5, $0xb8;
	[tilespmem:$0x1B400] =	vst v63  }
0xc1: {  	_ =	swait.ge [sflag:s7], $0x8000  }
0xc2: {  	[sflag:s7] =	ssyncset.done $0x0  }
0xc3: {  	s1 =	rddreg [dreg:$0x18];
	[sflag:s7] =	ssyncadd.s32 $0xFFFF8000  }
0xc4: {  	[hbm4b:s1+s2] =	stream.linear.scatter [tilespmem:s9], [sflag:$0x3], $0x8000, $0x38;
	[tilespmem:$0x1B400] =	vst v63  }
0xc5: {  	_ =	swait.ge [sflag:s6], $0x8000  }
0xc6: {  	[sflag:s6] =	ssyncset.done $0x0  }
0xc7: {  	s1 =	rddreg [dreg:$0x19];
	[sflag:s6] =	ssyncadd.s32 $0xFFFF8000  }
0xc8: {  	[tilespmem:s10], [sflag:$0x1] =	stream.linear.gather [hbm4b:s1+s2], $0x8000, $0x38;
	[tilespmem:$0x1B400] =	vst v63  }
0xc9: {  	_ =	swait.ge [sflag:s8], $0x8000  }
0xca: {  	[sflag:s8] =	ssyncset.done $0x0  }
0xcb: {  	[sflag:s8] =	ssyncadd.s32 $0xFFFF8000  }
0xcc: {  	[tilespmem:s4], [sflag:$0x2] =	stream.indirect.gather.add.f32 [hbm:s3], $0x40, s28, s5, $0xb8;
	[tilespmem:$0x1B400] =	vst v63  }
0xcd: {  	_ =	swait.ge [sflag:s7], $0x8000  }
0xce: {  	[sflag:s7] =	ssyncset.done $0x0  }
0xcf: {  	s1 =	rddreg [dreg:$0x1a];
	[sflag:s7] =	ssyncadd.s32 $0xFFFF8000  }
0xd0: {  	[hbm4b:s1+s2] =	stream.linear.scatter [tilespmem:s4], [sflag:$0x3], $0x8000, $0x38;
	[tilespmem:$0x1B400] =	vst v63  }
0xd1: {  	_ =	swait.ge [sflag:s6], $0x8000  }
0xd2: {  	[sflag:s6] =	ssyncset.done $0x0  }
0xd3: {  	s1 =	rddreg [dreg:$0x1b];
	[sflag:s6] =	ssyncadd.s32 $0xFFFF8000  }
0xd4: {  	[tilespmem:s9], [sflag:$0x1] =	stream.linear.gather [hbm4b:s1+s2], $0x8000, $0x38;
	[tilespmem:$0x1B400] =	vst v63  }
0xd5: {  	_ =	swait.ge [sflag:s8], $0x8000  }
0xd6: {  	[sflag:s8] =	ssyncset.done $0x0  }
0xd7: {  	[sflag:s8] =	ssyncadd.s32 $0xFFFF8000  }
0xd8: {  	[tilespmem:s10], [sflag:$0x2] =	stream.indirect.gather.add.f32 [hbm:s3], $0x40, s26, s5, $0xb8;
	[tilespmem:$0x1B400] =	vst v63  }
0xd9: {  	_ =	swait.ge [sflag:s7], $0x8000  }
0xda: {  	[sflag:s7] =	ssyncset.done $0x0  }
0xdb: {  	s1 =	rddreg [dreg:$0x1c];
	[sflag:s7] =	ssyncadd.s32 $0xFFFF8000  }
0xdc: {  	[hbm4b:s1+s2] =	stream.linear.scatter [tilespmem:s10], [sflag:$0x3], $0x8000, $0x38;
	[tilespmem:$0x1B400] =	vst v63  }
0xdd: {  	_ =	swait.ge [sflag:s6], $0x8000  }
0xde: {  	[sflag:s6] =	ssyncset.done $0x0  }
0xdf: {  	s1 =	rddreg [dreg:$0x1d];
	[sflag:s6] =	ssyncadd.s32 $0xFFFF8000  }
0xe0: {  	[tilespmem:s4], [sflag:$0x1] =	stream.linear.gather [hbm4b:s1+s2], $0x8000, $0x38;
	[tilespmem:$0x1B400] =	vst v63  }
0xe1: {  	_ =	swait.ge [sflag:s8], $0x8000  }
0xe2: {  	[sflag:s8] =	ssyncset.done $0x0  }
0xe3: {  	[sflag:s8] =	ssyncadd.s32 $0xFFFF8000  }
0xe4: {  	[tilespmem:s9], [sflag:$0x2] =	stream.indirect.gather.add.f32 [hbm:s3], $0x40, s25, s5, $0xb8;
	[tilespmem:$0x1B400] =	vst v63  }
0xe5: {  	_ =	swait.ge [sflag:s7], $0x8000  }
0xe6: {  	[sflag:s7] =	ssyncset.done $0x0  }
0xe7: {  	s1 =	rddreg [dreg:$0x1e];
	[sflag:s7] =	ssyncadd.s32 $0xFFFF8000  }
0xe8: {  	[hbm4b:s1+s2] =	stream.linear.scatter [tilespmem:s9], [sflag:$0x3], $0x8000, $0x38;
	[tilespmem:$0x1B400] =	vst v63  }
0xe9: {  	_ =	swait.ge [sflag:s6], $0x8000  }
0xea: {  	[sflag:s6] =	ssyncset.done $0x0  }
0xeb: {  	s1 =	rddreg [dreg:$0x1f];
	[sflag:s6] =	ssyncadd.s32 $0xFFFF8000  }
0xec: {  	[tilespmem:s10], [sflag:$0x1] =	stream.linear.gather [hbm4b:s1+s2], $0x8000, $0x38;
	[tilespmem:$0x1B400] =	vst v63  }
0xed: {  	_ =	swait.ge [sflag:s8], $0x8000  }
0xee: {  	[sflag:s8] =	ssyncset.done $0x0  }
0xef: {  	[sflag:s8] =	ssyncadd.s32 $0xFFFF8000  }
0xf0: {  	[tilespmem:s4], [sflag:$0x2] =	stream.indirect.gather.add.f32 [hbm:s3], $0x40, s24, s5, $0xb8;
	[tilespmem:$0x1B400] =	vst v63  }
0xf1: {  	_ =	swait.ge [sflag:s7], $0x8000  }
0xf2: {  	s1 =	sld [smem:$0x7E0]  }
0xf3: {  	[sflag:s7] =	ssyncset.done $0x0  }
0xf4: {  	[sflag:s7] =	ssyncadd.s32 $0xFFFF8000  }
0xf5: {  	[hbm4b:s1+s2] =	stream.linear.scatter [tilespmem:s4], [sflag:$0x3], $0x8000, $0x38;
	[tilespmem:$0x1B400] =	vst v63  }
0xf6: {  	_ =	swait.ge [sflag:s6], $0x8000  }
0xf7: {  	s1 =	sld [smem:$0x7E1]  }
0xf8: {  	[sflag:s6] =	ssyncset.done $0x0  }
0xf9: {  	[sflag:s6] =	ssyncadd.s32 $0xFFFF8000  }
0xfa: {  	[tilespmem:s9], [sflag:$0x1] =	stream.linear.gather [hbm4b:s1+s2], $0x8000, $0x38;
	[tilespmem:$0x1B400] =	vst v63  }
0xfb: {  	_ =	swait.ge [sflag:s8], $0x8000  }
0xfc: {  	[sflag:s8] =	ssyncset.done $0x0  }
0xfd: {  	[sflag:s8] =	ssyncadd.s32 $0xFFFF8000  }
0xfe: {  	[tilespmem:s10], [sflag:$0x2] =	stream.indirect.gather.add.f32 [hbm:s3], $0x40, s23, s5, $0xb8;
	[tilespmem:$0x1B400] =	vst v63  }
0xff: {  	_ =	swait.ge [sflag:s7], $0x8000  }
0x100: {  	s1 =	sld [smem:$0x7E2]  }
0x101: {  	[sflag:s7] =	ssyncset.done $0x0  }
0x102: {  	[sflag:s7] =	ssyncadd.s32 $0xFFFF8000  }
0x103: {  	[hbm4b:s1+s2] =	stream.linear.scatter [tilespmem:s10], [sflag:$0x3], $0x8000, $0x38;
	[tilespmem:$0x1B400] =	vst v63  }
0x104: {  	_ =	swait.ge [sflag:s6], $0x8000  }
0x105: {  	s1 =	sld [smem:$0x7E3]  }
0x106: {  	[sflag:s6] =	ssyncset.done $0x0  }
0x107: {  	[sflag:s6] =	ssyncadd.s32 $0xFFFF8000  }
0x108: {  	[tilespmem:s4], [sflag:$0x1] =	stream.linear.gather [hbm4b:s1+s2], $0x8000, $0x38;
	[tilespmem:$0x1B400] =	vst v63  }
0x109: {  	_ =	swait.ge [sflag:s8], $0x8000  }
0x10a: {  	[sflag:s8] =	ssyncset.done $0x0  }
0x10b: {  	[sflag:s8] =	ssyncadd.s32 $0xFFFF8000  }
0x10c: {  	[tilespmem:s9], [sflag:$0x2] =	stream.indirect.gather.add.f32 [hbm:s3], $0x40, s22, s5, $0xb8;
	[tilespmem:$0x1B400] =	vst v63  }
0x10d: {  	_ =	swait.ge [sflag:s7], $0x8000  }
0x10e: {  	s1 =	sld [smem:$0x7E4]  }
0x10f: {  	[sflag:s7] =	ssyncset.done $0x0  }
0x110: {  	[sflag:s7] =	ssyncadd.s32 $0xFFFF8000  }
0x111: {  	[hbm4b:s1+s2] =	stream.linear.scatter [tilespmem:s9], [sflag:$0x3], $0x8000, $0x38;
	[tilespmem:$0x1B400] =	vst v63  }
0x112: {  	_ =	swait.ge [sflag:s6], $0x8000  }
0x113: {  	s1 =	sld [smem:$0x7E5]  }
0x114: {  	[sflag:s6] =	ssyncset.done $0x0  }
0x115: {  	[sflag:s6] =	ssyncadd.s32 $0xFFFF8000  }
0x116: {  	[tilespmem:s10], [sflag:$0x1] =	stream.linear.gather [hbm4b:s1+s2], $0x8000, $0x38;
	[tilespmem:$0x1B400] =	vst v63  }
0x117: {  	_ =	swait.ge [sflag:s8], $0x8000  }
0x118: {  	[sflag:s8] =	ssyncset.done $0x0  }
0x119: {  	[sflag:s8] =	ssyncadd.s32 $0xFFFF8000  }
0x11a: {  	[tilespmem:s4], [sflag:$0x2] =	stream.indirect.gather.add.f32 [hbm:s3], $0x40, s21, s5, $0xb8;
	[tilespmem:$0x1B400] =	vst v63  }
0x11b: {  	_ =	swait.ge [sflag:s7], $0x8000  }
0x11c: {  	s1 =	sld [smem:$0x7E6]  }
0x11d: {  	[sflag:s7] =	ssyncset.done $0x0  }
0x11e: {  	[sflag:s7] =	ssyncadd.s32 $0xFFFF8000  }
0x11f: {  	[hbm4b:s1+s2] =	stream.linear.scatter [tilespmem:s4], [sflag:$0x3], $0x8000, $0x38;
	[tilespmem:$0x1B400] =	vst v63  }
0x120: {  	_ =	swait.ge [sflag:s6], $0x8000  }
0x121: {  	s1 =	sld [smem:$0x7E7]  }
0x122: {  	[sflag:s6] =	ssyncset.done $0x0  }
0x123: {  	[sflag:s6] =	ssyncadd.s32 $0xFFFF8000  }
0x124: {  	[tilespmem:s9], [sflag:$0x1] =	stream.linear.gather [hbm4b:s1+s2], $0x8000, $0x38;
	[tilespmem:$0x1B400] =	vst v63  }
0x125: {  	_ =	swait.ge [sflag:s8], $0x8000  }
0x126: {  	[sflag:s8] =	ssyncset.done $0x0  }
0x127: {  	[sflag:s8] =	ssyncadd.s32 $0xFFFF8000  }
0x128: {  	[tilespmem:s10], [sflag:$0x2] =	stream.indirect.gather.add.f32 [hbm:s3], $0x40, s20, s5, $0xb8;
	[tilespmem:$0x1B400] =	vst v63  }
0x129: {  	_ =	swait.ge [sflag:s7], $0x8000  }
0x12a: {  	s1 =	sld [smem:$0x7E8]  }
0x12b: {  	[sflag:s7] =	ssyncset.done $0x0  }
0x12c: {  	[sflag:s7] =	ssyncadd.s32 $0xFFFF8000  }
0x12d: {  	[hbm4b:s1+s2] =	stream.linear.scatter [tilespmem:s10], [sflag:$0x3], $0x8000, $0x38;
	[tilespmem:$0x1B400] =	vst v63  }
0x12e: {  	_ =	swait.ge [sflag:s6], $0x8000  }
0x12f: {  	s1 =	sld [smem:$0x7E9]  }
0x130: {  	[sflag:s6] =	ssyncset.done $0x0  }
0x131: {  	[sflag:s6] =	ssyncadd.s32 $0xFFFF8000  }
0x132: {  	[tilespmem:s4], [sflag:$0x1] =	stream.linear.gather [hbm4b:s1+s2], $0x8000, $0x38;
	[tilespmem:$0x1B400] =	vst v63  }
0x133: {  	_ =	swait.ge [sflag:s8], $0x8000  }
0x134: {  	[sflag:s8] =	ssyncset.done $0x0  }
0x135: {  	[sflag:s8] =	ssyncadd.s32 $0xFFFF8000  }
0x136: {  	[tilespmem:s9], [sflag:$0x2] =	stream.indirect.gather.add.f32 [hbm:s3], $0x40, s19, s5, $0xb8;
	[tilespmem:$0x1B400] =	vst v63  }
0x137: {  	_ =	swait.ge [sflag:s7], $0x8000  }
0x138: {  	s1 =	sld [smem:$0x7EA]  }
0x139: {  	[sflag:s7] =	ssyncset.done $0x0  }
0x13a: {  	[sflag:s7] =	ssyncadd.s32 $0xFFFF8000  }
0x13b: {  	[hbm4b:s1+s2] =	stream.linear.scatter [tilespmem:s9], [sflag:$0x3], $0x8000, $0x38;
	[tilespmem:$0x1B400] =	vst v63  }
0x13c: {  	_ =	swait.ge [sflag:s6], $0x8000  }
0x13d: {  	s1 =	sld [smem:$0x7EB]  }
0x13e: {  	[sflag:s6] =	ssyncset.done $0x0  }
0x13f: {  	[sflag:s6] =	ssyncadd.s32 $0xFFFF8000  }
0x140: {  	[tilespmem:s10], [sflag:$0x1] =	stream.linear.gather [hbm4b:s1+s2], $0x8000, $0x38;
	[tilespmem:$0x1B400] =	vst v63  }
0x141: {  	_ =	swait.ge [sflag:s8], $0x8000  }
0x142: {  	[sflag:s8] =	ssyncset.done $0x0  }
0x143: {  	[sflag:s8] =	ssyncadd.s32 $0xFFFF8000  }
0x144: {  	[tilespmem:s4], [sflag:$0x2] =	stream.indirect.gather.add.f32 [hbm:s3], $0x40, s18, s5, $0xb8;
	[tilespmem:$0x1B400] =	vst v63  }
0x145: {  	_ =	swait.ge [sflag:s7], $0x8000  }
0x146: {  	s1 =	sld [smem:$0x7EC]  }
0x147: {  	[sflag:s7] =	ssyncset.done $0x0  }
0x148: {  	[sflag:s7] =	ssyncadd.s32 $0xFFFF8000  }
0x149: {  	[hbm4b:s1+s2] =	stream.linear.scatter [tilespmem:s4], [sflag:$0x3], $0x8000, $0x38;
	[tilespmem:$0x1B400] =	vst v63  }
0x14a: {  	_ =	swait.ge [sflag:s6], $0x8000  }
0x14b: {  	s1 =	sld [smem:$0x7ED]  }
0x14c: {  	[sflag:s6] =	ssyncset.done $0x0  }
0x14d: {  	[sflag:s6] =	ssyncadd.s32 $0xFFFF8000  }
0x14e: {  	[tilespmem:s9], [sflag:$0x1] =	stream.linear.gather [hbm4b:s1+s2], $0x8000, $0x38;
	[tilespmem:$0x1B400] =	vst v63  }
0x14f: {  	_ =	swait.ge [sflag:s8], $0x8000  }
0x150: {  	[sflag:s8] =	ssyncset.done $0x0  }
0x151: {  	[sflag:s8] =	ssyncadd.s32 $0xFFFF8000  }
0x152: {  	[tilespmem:s10], [sflag:$0x2] =	stream.indirect.gather.add.f32 [hbm:s3], $0x40, s17, s5, $0xb8;
	[tilespmem:$0x1B400] =	vst v63  }
0x153: {  	_ =	swait.ge [sflag:s7], $0x8000  }
0x154: {  	s1 =	sld [smem:$0x7EE]  }
0x155: {  	[sflag:s7] =	ssyncset.done $0x0  }
0x156: {  	[sflag:s7] =	ssyncadd.s32 $0xFFFF8000  }
0x157: {  	[hbm4b:s1+s2] =	stream.linear.scatter [tilespmem:s10], [sflag:$0x3], $0x8000, $0x38;
	[tilespmem:$0x1B400] =	vst v63  }
0x158: {  	_ =	swait.ge [sflag:s6], $0x8000  }
0x159: {  	s1 =	sld [smem:$0x7EF]  }
0x15a: {  	[sflag:s6] =	ssyncset.done $0x0  }
0x15b: {  	[sflag:s6] =	ssyncadd.s32 $0xFFFF8000  }
0x15c: {  	[tilespmem:s4], [sflag:$0x1] =	stream.linear.gather [hbm4b:s1+s2], $0x8000, $0x38;
	[tilespmem:$0x1B400] =	vst v63  }
0x15d: {  	_ =	swait.ge [sflag:s8], $0x8000  }
0x15e: {  	[sflag:s8] =	ssyncset.done $0x0  }
0x15f: {  	[sflag:s8] =	ssyncadd.s32 $0xFFFF8000  }
0x160: {  	[tilespmem:s9], [sflag:$0x2] =	stream.indirect.gather.add.f32 [hbm:s3], $0x40, s16, s5, $0xb8;
	[tilespmem:$0x1B400] =	vst v63  }
0x161: {  	_ =	swait.ge [sflag:s7], $0x8000  }
0x162: {  	s1 =	sld [smem:$0x7F0]  }
0x163: {  	[sflag:s7] =	ssyncset.done $0x0  }
0x164: {  	[sflag:s7] =	ssyncadd.s32 $0xFFFF8000  }
0x165: {  	[hbm4b:s1+s2] =	stream.linear.scatter [tilespmem:s9], [sflag:$0x3], $0x8000, $0x38;
	[tilespmem:$0x1B400] =	vst v63  }
0x166: {  	_ =	swait.ge [sflag:s6], $0x8000  }
0x167: {  	s1 =	sld [smem:$0x7F1]  }
0x168: {  	[sflag:s6] =	ssyncset.done $0x0  }
0x169: {  	[sflag:s6] =	ssyncadd.s32 $0xFFFF8000  }
0x16a: {  	[tilespmem:s10], [sflag:$0x1] =	stream.linear.gather [hbm4b:s1+s2], $0x8000, $0x38;
	[tilespmem:$0x1B400] =	vst v63  }
0x16b: {  	_ =	swait.ge [sflag:s8], $0x8000  }
0x16c: {  	[sflag:s8] =	ssyncset.done $0x0  }
0x16d: {  	[sflag:s8] =	ssyncadd.s32 $0xFFFF8000  }
0x16e: {  	[tilespmem:s4], [sflag:$0x2] =	stream.indirect.gather.add.f32 [hbm:s3], $0x40, s15, s5, $0xb8;
	[tilespmem:$0x1B400] =	vst v63  }
0x16f: {  	_ =	swait.ge [sflag:s7], $0x8000  }
0x170: {  	s1 =	sld [smem:$0x7F2]  }
0x171: {  	[sflag:s7] =	ssyncset.done $0x0  }
0x172: {  	[sflag:s7] =	ssyncadd.s32 $0xFFFF8000  }
0x173: {  	[hbm4b:s1+s2] =	stream.linear.scatter [tilespmem:s4], [sflag:$0x3], $0x8000, $0x38;
	[tilespmem:$0x1B400] =	vst v63  }
0x174: {  	_ =	swait.ge [sflag:s6], $0x8000  }
0x175: {  	s1 =	sld [smem:$0x7F3]  }
0x176: {  	[sflag:s6] =	ssyncset.done $0x0  }
0x177: {  	[sflag:s6] =	ssyncadd.s32 $0xFFFF8000  }
0x178: {  	[tilespmem:s9], [sflag:$0x1] =	stream.linear.gather [hbm4b:s1+s2], $0x8000, $0x38;
	[tilespmem:$0x1B400] =	vst v63  }
0x179: {  	_ =	swait.ge [sflag:s8], $0x8000  }
0x17a: {  	[sflag:s8] =	ssyncset.done $0x0  }
0x17b: {  	[sflag:s8] =	ssyncadd.s32 $0xFFFF8000  }
0x17c: {  	[tilespmem:s10], [sflag:$0x2] =	stream.indirect.gather.add.f32 [hbm:s3], $0x40, s14, s5, $0xb8;
	[tilespmem:$0x1B400] =	vst v63  }
0x17d: {  	_ =	swait.ge [sflag:s7], $0x8000  }
0x17e: {  	s1 =	sld [smem:$0x7F4]  }
0x17f: {  	[sflag:s7] =	ssyncset.done $0x0  }
0x180: {  	[sflag:s7] =	ssyncadd.s32 $0xFFFF8000  }
0x181: {  	[hbm4b:s1+s2] =	stream.linear.scatter [tilespmem:s10], [sflag:$0x3], $0x8000, $0x38;
	[tilespmem:$0x1B400] =	vst v63  }
0x182: {  	_ =	swait.ge [sflag:s6], $0x8000  }
0x183: {  	s1 =	sld [smem:$0x7F5]  }
0x184: {  	[sflag:s6] =	ssyncset.done $0x0  }
0x185: {  	[sflag:s6] =	ssyncadd.s32 $0xFFFF8000  }
0x186: {  	[tilespmem:s4], [sflag:$0x1] =	stream.linear.gather [hbm4b:s1+s2], $0x8000, $0x38;
	[tilespmem:$0x1B400] =	vst v63  }
0x187: {  	_ =	swait.ge [sflag:s8], $0x8000  }
0x188: {  	[sflag:s8] =	ssyncset.done $0x0  }
0x189: {  	[sflag:s8] =	ssyncadd.s32 $0xFFFF8000  }
0x18a: {  	[tilespmem:s9], [sflag:$0x2] =	stream.indirect.gather.add.f32 [hbm:s3], $0x40, s13, s5, $0xb8;
	[tilespmem:$0x1B400] =	vst v63  }
0x18b: {  	_ =	swait.ge [sflag:s7], $0x8000  }
0x18c: {  	s1 =	sld [smem:$0x7F6]  }
0x18d: {  	[sflag:s7] =	ssyncset.done $0x0  }
0x18e: {  	[sflag:s7] =	ssyncadd.s32 $0xFFFF8000  }
0x18f: {  	[hbm4b:s1+s2] =	stream.linear.scatter [tilespmem:s9], [sflag:$0x3], $0x8000, $0x38;
	[tilespmem:$0x1B400] =	vst v63  }
0x190: {  	_ =	swait.ge [sflag:s6], $0x8000  }
0x191: {  	[sflag:s6] =	ssyncset.done $0x0  }
0x192: {  	[sflag:s6] =	ssyncadd.s32 $0xFFFF8000  }
0x193: {  	_ =	swait.ge [sflag:s8], $0x8000  }
0x194: {  	[sflag:s8] =	ssyncset.done $0x0  }
0x195: {  	[sflag:s8] =	ssyncadd.s32 $0xFFFF8000  }
0x196: {  	[tilespmem:s4], [sflag:$0x2] =	stream.indirect.gather.add.f32 [hbm:s3], $0x40, s12, s5, $0xb8;
	[tilespmem:$0x1B400] =	vst v63  }
0x197: {  	_ =	swait.ge [sflag:s7], $0x8000  }
0x198: {  	s1 =	sld [smem:$0x7F7]  }
0x199: {  	[sflag:s7] =	ssyncset.done $0x0  }
0x19a: {  	p1 =	sne.s32 s11, $0x1;
	[sflag:s7] =	ssyncadd.s32 $0xFFFF8000  }
0x19b: {  	[hbm4b:s1+s2] =	stream.linear.scatter [tilespmem:s4], [sflag:$0x3], $0x8000, $0x38;
	[tilespmem:$0x1B400] =	vst v63  }
.Ltmp1:
0x19c: {  	_ =	swait.ge [sflag:s6], $0x8000;
	(pc) =	sbr.rel @!p1 .LBB2_3-.Ltmp1, $4  }
0x19d: {  	[sflag:s6] =	ssyncset.done $0x0  }
0x19e: {  	[sflag:s6] =	ssyncadd.s32 $0xFFFF8000  }
0x19f: {  	p0 =	por $0x1, $0x1;
	_ =	swait.ge [sflag:s6], $0x8000  }
0x1a0: {  	s1 =	sadd.s32 $0xFFFFFFFF, s11;
	s0 =	rddreg [dreg:$0x3];
	[sflag:s6] =	ssyncset.done $0x0  }
.LBB2_4:
0x1a1: {  	s11 =	sld [smem:$0x7F8];
	_ =	sdelay $0x1  }
0x1a2: {  	[sflag:s6] =	ssyncadd.s32 $0xFFFF8000  }
0x1a3: {  	[tilespmem:s2], [sflag:$0x4] =	stream.strided.gather [hbm4b:s0+s5], $0x3400, s11, s5, $0x38;
	[tilespmem:$0x1B400] =	vst v63  }
0x1a4: {  	_ =	swait.ge [sflag:s31], $0x3400  }
0x1a5: {  	[sflag:s31] =	ssyncset.done $0x0  }
0x1a6: {  	s0 =	rddreg [dreg:$0x4];
	[sflag:s31] =	ssyncadd.s32 $0xFFFFCC00  }
0x1a7: {  	[tilespmem:s9], [sflag:$0x1] =	stream.linear.gather [hbm4b:s0+s2], $0x8000, $0x38;
	[tilespmem:$0x1B400] =	vst v63  }
0x1a8: {  	s11 =	rddreg [dreg:$0x5]  }
0x1a9: {  	[tilespmem:s4], [sflag:$0x1] =	stream.linear.gather [hbm4b:s11+s2], $0x8000, $0x38;
	[tilespmem:$0x1B400] =	vst v63  }
0x1aa: {  	_ =	swait.ge [sflag:s8], $0x8000  }
0x1ab: {  	[sflag:s8] =	ssyncset.done $0x0  }
0x1ac: {  	[sflag:s8] =	ssyncadd.s32 $0xFFFF8000  }
0x1ad: {  	[tilespmem:s9], [sflag:$0x2] =	stream.indirect.gather.add.f32 [hbm:s3], $0x40, s2, s5, $0xb8;
	[tilespmem:$0x1B400] =	vst v63  }
0x1ae: {  	_ =	swait.ge [sflag:s7], $0x8000  }
0x1af: {  	[sflag:s7] =	ssyncset.done $0x0  }
0x1b0: {  	s0 =	rddreg [dreg:$0x6];
	[sflag:s7] =	ssyncadd.s32 $0xFFFF8000  }
0x1b1: {  	[hbm4b:s0+s2] =	stream.linear.scatter [tilespmem:s9], [sflag:$0x3], $0x8000, $0x38;
	[tilespmem:$0x1B400] =	vst v63  }
0x1b2: {  	s11 =	rddreg [dreg:$0x7]  }
0x1b3: {  	[tilespmem:s10], [sflag:$0x1] =	stream.linear.gather [hbm4b:s11+s2], $0x8000, $0x38;
	[tilespmem:$0x1B400] =	vst v63  }
0x1b4: {  	_ =	swait.ge [sflag:s8], $0x8000  }
0x1b5: {  	[sflag:s8] =	ssyncset.done $0x0  }
0x1b6: {  	[sflag:s8] =	ssyncadd.s32 $0xFFFF8000  }
0x1b7: {  	[tilespmem:s4], [sflag:$0x2] =	stream.indirect.gather.add.f32 [hbm:s3], $0x40, s5, s5, $0xb8;
	[tilespmem:$0x1B400] =	vst v63  }
0x1b8: {  	_ =	swait.ge [sflag:s7], $0x8000  }
0x1b9: {  	[sflag:s7] =	ssyncset.done $0x0  }
0x1ba: {  	s11 =	rddreg [dreg:$0x8];
	[sflag:s7] =	ssyncadd.s32 $0xFFFF8000  }
0x1bb: {  	[hbm4b:s11+s2] =	stream.linear.scatter [tilespmem:s4], [sflag:$0x3], $0x8000, $0x38;
	[tilespmem:$0x1B400] =	vst v63  }
0x1bc: {  	_ =	swait.ge [sflag:s6], $0x8000  }
0x1bd: {  	[sflag:s6] =	ssyncset.done $0x0  }
0x1be: {  	s11 =	rddreg [dreg:$0x9];
	[sflag:s6] =	ssyncadd.s32 $0xFFFF8000  }
0x1bf: {  	[tilespmem:s9], [sflag:$0x1] =	stream.linear.gather [hbm4b:s11+s2], $0x8000, $0x38;
	[tilespmem:$0x1B400] =	vst v63  }
0x1c0: {  	_ =	swait.ge [sflag:s8], $0x8000  }
0x1c1: {  	s11 =	sld [smem:$0x7F9]  }
0x1c2: {  	[sflag:s8] =	ssyncset.done $0x0  }
0x1c3: {  	[sflag:s8] =	ssyncadd.s32 $0xFFFF8000  }
0x1c4: {  	[tilespmem:s10], [sflag:$0x2] =	stream.indirect.gather.add.f32 [hbm:s3], $0x40, s11, s5, $0xb8;
	[tilespmem:$0x1B400] =	vst v63  }
0x1c5: {  	_ =	swait.ge [sflag:s7], $0x8000  }
0x1c6: {  	[sflag:s7] =	ssyncset.done $0x0  }
0x1c7: {  	s11 =	rddreg [dreg:$0xa];
	[sflag:s7] =	ssyncadd.s32 $0xFFFF8000  }
0x1c8: {  	[hbm4b:s11+s2] =	stream.linear.scatter [tilespmem:s10], [sflag:$0x3], $0x8000, $0x38;
	[tilespmem:$0x1B400] =	vst v63  }
0x1c9: {  	_ =	swait.ge [sflag:s6], $0x8000  }
0x1ca: {  	[sflag:s6] =	ssyncset.done $0x0  }
0x1cb: {  	s11 =	rddreg [dreg:$0xb];
	[sflag:s6] =	ssyncadd.s32 $0xFFFF8000  }
0x1cc: {  	[tilespmem:s4], [sflag:$0x1] =	stream.linear.gather [hbm4b:s11+s2], $0x8000, $0x38;
	[tilespmem:$0x1B400] =	vst v63  }
0x1cd: {  	_ =	swait.ge [sflag:s8], $0x8000  }
0x1ce: {  	s11 =	sld [smem:$0x7FA]  }
0x1cf: {  	[sflag:s8] =	ssyncset.done $0x0  }
0x1d0: {  	[sflag:s8] =	ssyncadd.s32 $0xFFFF8000  }
0x1d1: {  	[tilespmem:s9], [sflag:$0x2] =	stream.indirect.gather.add.f32 [hbm:s3], $0x40, s11, s5, $0xb8;
	[tilespmem:$0x1B400] =	vst v63  }
0x1d2: {  	_ =	swait.ge [sflag:s7], $0x8000  }
0x1d3: {  	[sflag:s7] =	ssyncset.done $0x0  }
0x1d4: {  	s11 =	rddreg [dreg:$0xc];
	[sflag:s7] =	ssyncadd.s32 $0xFFFF8000  }
0x1d5: {  	[hbm4b:s11+s2] =	stream.linear.scatter [tilespmem:s9], [sflag:$0x3], $0x8000, $0x38;
	[tilespmem:$0x1B400] =	vst v63  }
0x1d6: {  	_ =	swait.ge [sflag:s6], $0x8000  }
0x1d7: {  	[sflag:s6] =	ssyncset.done $0x0  }
0x1d8: {  	s11 =	rddreg [dreg:$0xd];
	[sflag:s6] =	ssyncadd.s32 $0xFFFF8000  }
0x1d9: {  	[tilespmem:s10], [sflag:$0x1] =	stream.linear.gather [hbm4b:s11+s2], $0x8000, $0x38;
	[tilespmem:$0x1B400] =	vst v63  }
0x1da: {  	_ =	swait.ge [sflag:s8], $0x8000  }
0x1db: {  	s11 =	sld [smem:$0x7FB]  }
0x1dc: {  	[sflag:s8] =	ssyncset.done $0x0  }
0x1dd: {  	[sflag:s8] =	ssyncadd.s32 $0xFFFF8000  }
0x1de: {  	[tilespmem:s4], [sflag:$0x2] =	stream.indirect.gather.add.f32 [hbm:s3], $0x40, s11, s5, $0xb8;
	[tilespmem:$0x1B400] =	vst v63  }
0x1df: {  	_ =	swait.ge [sflag:s7], $0x8000  }
0x1e0: {  	[sflag:s7] =	ssyncset.done $0x0  }
0x1e1: {  	s11 =	rddreg [dreg:$0xe];
	[sflag:s7] =	ssyncadd.s32 $0xFFFF8000  }
0x1e2: {  	[hbm4b:s11+s2] =	stream.linear.scatter [tilespmem:s4], [sflag:$0x3], $0x8000, $0x38;
	[tilespmem:$0x1B400] =	vst v63  }
0x1e3: {  	_ =	swait.ge [sflag:s6], $0x8000  }
0x1e4: {  	[sflag:s6] =	ssyncset.done $0x0  }
0x1e5: {  	s11 =	rddreg [dreg:$0xf];
	[sflag:s6] =	ssyncadd.s32 $0xFFFF8000  }
0x1e6: {  	[tilespmem:s9], [sflag:$0x1] =	stream.linear.gather [hbm4b:s11+s2], $0x8000, $0x38;
	[tilespmem:$0x1B400] =	vst v63  }
0x1e7: {  	_ =	swait.ge [sflag:s8], $0x8000  }
0x1e8: {  	s11 =	sld [smem:$0x7FC]  }
0x1e9: {  	[sflag:s8] =	ssyncset.done $0x0  }
0x1ea: {  	[sflag:s8] =	ssyncadd.s32 $0xFFFF8000  }
0x1eb: {  	[tilespmem:s10], [sflag:$0x2] =	stream.indirect.gather.add.f32 [hbm:s3], $0x40, s11, s5, $0xb8;
	[tilespmem:$0x1B400] =	vst v63  }
0x1ec: {  	_ =	swait.ge [sflag:s7], $0x8000  }
0x1ed: {  	[sflag:s7] =	ssyncset.done $0x0  }
0x1ee: {  	s11 =	rddreg [dreg:$0x10];
	[sflag:s7] =	ssyncadd.s32 $0xFFFF8000  }
0x1ef: {  	[hbm4b:s11+s2] =	stream.linear.scatter [tilespmem:s10], [sflag:$0x3], $0x8000, $0x38;
	[tilespmem:$0x1B400] =	vst v63  }
0x1f0: {  	_ =	swait.ge [sflag:s6], $0x8000  }
0x1f1: {  	[sflag:s6] =	ssyncset.done $0x0  }
0x1f2: {  	s11 =	rddreg [dreg:$0x11];
	[sflag:s6] =	ssyncadd.s32 $0xFFFF8000  }
0x1f3: {  	[tilespmem:s4], [sflag:$0x1] =	stream.linear.gather [hbm4b:s11+s2], $0x8000, $0x38;
	[tilespmem:$0x1B400] =	vst v63  }
0x1f4: {  	_ =	swait.ge [sflag:s8], $0x8000  }
0x1f5: {  	s11 =	sld [smem:$0x7FD]  }
0x1f6: {  	[sflag:s8] =	ssyncset.done $0x0  }
0x1f7: {  	[sflag:s8] =	ssyncadd.s32 $0xFFFF8000  }
0x1f8: {  	[tilespmem:s9], [sflag:$0x2] =	stream.indirect.gather.add.f32 [hbm:s3], $0x40, s11, s5, $0xb8;
	[tilespmem:$0x1B400] =	vst v63  }
0x1f9: {  	_ =	swait.ge [sflag:s7], $0x8000  }
0x1fa: {  	[sflag:s7] =	ssyncset.done $0x0  }
0x1fb: {  	s11 =	rddreg [dreg:$0x12];
	[sflag:s7] =	ssyncadd.s32 $0xFFFF8000  }
0x1fc: {  	[hbm4b:s11+s2] =	stream.linear.scatter [tilespmem:s9], [sflag:$0x3], $0x8000, $0x38;
	[tilespmem:$0x1B400] =	vst v63  }
0x1fd: {  	_ =	swait.ge [sflag:s6], $0x8000  }
0x1fe: {  	[sflag:s6] =	ssyncset.done $0x0  }
0x1ff: {  	s11 =	rddreg [dreg:$0x13];
	[sflag:s6] =	ssyncadd.s32 $0xFFFF8000  }
0x200: {  	[tilespmem:s10], [sflag:$0x1] =	stream.linear.gather [hbm4b:s11+s2], $0x8000, $0x38;
	[tilespmem:$0x1B400] =	vst v63  }
0x201: {  	_ =	swait.ge [sflag:s8], $0x8000  }
0x202: {  	[sflag:s8] =	ssyncset.done $0x0  }
0x203: {  	s11 =	simm.s32 $0xE00;
	[sflag:s8] =	ssyncadd.s32 $0xFFFF8000  }
0x204: {  	[tilespmem:s4], [sflag:$0x2] =	stream.indirect.gather.add.f32 [hbm:s3], $0x40, s11, s5, $0xb8;
	[tilespmem:$0x1B400] =	vst v63  }
0x205: {  	_ =	swait.ge [sflag:s7], $0x8000  }
0x206: {  	[sflag:s7] =	ssyncset.done $0x0  }
0x207: {  	s11 =	rddreg [dreg:$0x14];
	[sflag:s7] =	ssyncadd.s32 $0xFFFF8000  }
0x208: {  	[hbm4b:s11+s2] =	stream.linear.scatter [tilespmem:s4], [sflag:$0x3], $0x8000, $0x38;
	[tilespmem:$0x1B400] =	vst v63  }
0x209: {  	_ =	swait.ge [sflag:s6], $0x8000  }
0x20a: {  	[sflag:s6] =	ssyncset.done $0x0  }
0x20b: {  	s11 =	rddreg [dreg:$0x15];
	[sflag:s6] =	ssyncadd.s32 $0xFFFF8000  }
0x20c: {  	[tilespmem:s9], [sflag:$0x1] =	stream.linear.gather [hbm4b:s11+s2], $0x8000, $0x38;
	[tilespmem:$0x1B400] =	vst v63  }
0x20d: {  	_ =	swait.ge [sflag:s8], $0x8000  }
0x20e: {  	[sflag:s8] =	ssyncset.done $0x0  }
0x20f: {  	[sflag:s8] =	ssyncadd.s32 $0xFFFF8000  }
0x210: {  	[tilespmem:s10], [sflag:$0x2] =	stream.indirect.gather.add.f32 [hbm:s3], $0x40, s30, s5, $0xb8;
	[tilespmem:$0x1B400] =	vst v63  }
0x211: {  	_ =	swait.ge [sflag:s7], $0x8000  }
0x212: {  	[sflag:s7] =	ssyncset.done $0x0  }
0x213: {  	s11 =	rddreg [dreg:$0x16];
	[sflag:s7] =	ssyncadd.s32 $0xFFFF8000  }
0x214: {  	[hbm4b:s11+s2] =	stream.linear.scatter [tilespmem:s10], [sflag:$0x3], $0x8000, $0x38;
	[tilespmem:$0x1B400] =	vst v63  }
0x215: {  	_ =	swait.ge [sflag:s6], $0x8000  }
0x216: {  	[sflag:s6] =	ssyncset.done $0x0  }
0x217: {  	s11 =	rddreg [dreg:$0x17];
	[sflag:s6] =	ssyncadd.s32 $0xFFFF8000  }
0x218: {  	[tilespmem:s4], [sflag:$0x1] =	stream.linear.gather [hbm4b:s11+s2], $0x8000, $0x38;
	[tilespmem:$0x1B400] =	vst v63  }
0x219: {  	_ =	swait.ge [sflag:s8], $0x8000  }
0x21a: {  	[sflag:s8] =	ssyncset.done $0x0  }
0x21b: {  	[sflag:s8] =	ssyncadd.s32 $0xFFFF8000  }
0x21c: {  	[tilespmem:s9], [sflag:$0x2] =	stream.indirect.gather.add.f32 [hbm:s3], $0x40, s29, s5, $0xb8;
	[tilespmem:$0x1B400] =	vst v63  }
0x21d: {  	_ =	swait.ge [sflag:s7], $0x8000  }
0x21e: {  	[sflag:s7] =	ssyncset.done $0x0  }
0x21f: {  	s11 =	rddreg [dreg:$0x18];
	[sflag:s7] =	ssyncadd.s32 $0xFFFF8000  }
0x220: {  	[hbm4b:s11+s2] =	stream.linear.scatter [tilespmem:s9], [sflag:$0x3], $0x8000, $0x38;
	[tilespmem:$0x1B400] =	vst v63  }
0x221: {  	_ =	swait.ge [sflag:s6], $0x8000  }
0x222: {  	[sflag:s6] =	ssyncset.done $0x0  }
0x223: {  	s11 =	rddreg [dreg:$0x19];
	[sflag:s6] =	ssyncadd.s32 $0xFFFF8000  }
0x224: {  	[tilespmem:s10], [sflag:$0x1] =	stream.linear.gather [hbm4b:s11+s2], $0x8000, $0x38;
	[tilespmem:$0x1B400] =	vst v63  }
0x225: {  	_ =	swait.ge [sflag:s8], $0x8000  }
0x226: {  	[sflag:s8] =	ssyncset.done $0x0  }
0x227: {  	[sflag:s8] =	ssyncadd.s32 $0xFFFF8000  }
0x228: {  	[tilespmem:s4], [sflag:$0x2] =	stream.indirect.gather.add.f32 [hbm:s3], $0x40, s28, s5, $0xb8;
	[tilespmem:$0x1B400] =	vst v63  }
0x229: {  	_ =	swait.ge [sflag:s7], $0x8000  }
0x22a: {  	[sflag:s7] =	ssyncset.done $0x0  }
0x22b: {  	s11 =	rddreg [dreg:$0x1a];
	[sflag:s7] =	ssyncadd.s32 $0xFFFF8000  }
0x22c: {  	[hbm4b:s11+s2] =	stream.linear.scatter [tilespmem:s4], [sflag:$0x3], $0x8000, $0x38;
	[tilespmem:$0x1B400] =	vst v63  }
0x22d: {  	_ =	swait.ge [sflag:s6], $0x8000  }
0x22e: {  	[sflag:s6] =	ssyncset.done $0x0  }
0x22f: {  	s11 =	rddreg [dreg:$0x1b];
	[sflag:s6] =	ssyncadd.s32 $0xFFFF8000  }
0x230: {  	[tilespmem:s9], [sflag:$0x1] =	stream.linear.gather [hbm4b:s11+s2], $0x8000, $0x38;
	[tilespmem:$0x1B400] =	vst v63  }
0x231: {  	_ =	swait.ge [sflag:s8], $0x8000  }
0x232: {  	[sflag:s8] =	ssyncset.done $0x0  }
0x233: {  	[sflag:s8] =	ssyncadd.s32 $0xFFFF8000  }
0x234: {  	[tilespmem:s10], [sflag:$0x2] =	stream.indirect.gather.add.f32 [hbm:s3], $0x40, s26, s5, $0xb8;
	[tilespmem:$0x1B400] =	vst v63  }
0x235: {  	_ =	swait.ge [sflag:s7], $0x8000  }
0x236: {  	[sflag:s7] =	ssyncset.done $0x0  }
0x237: {  	s11 =	rddreg [dreg:$0x1c];
	[sflag:s7] =	ssyncadd.s32 $0xFFFF8000  }
0x238: {  	[hbm4b:s11+s2] =	stream.linear.scatter [tilespmem:s10], [sflag:$0x3], $0x8000, $0x38;
	[tilespmem:$0x1B400] =	vst v63  }
0x239: {  	_ =	swait.ge [sflag:s6], $0x8000  }
0x23a: {  	[sflag:s6] =	ssyncset.done $0x0  }
0x23b: {  	s11 =	rddreg [dreg:$0x1d];
	[sflag:s6] =	ssyncadd.s32 $0xFFFF8000  }
0x23c: {  	[tilespmem:s4], [sflag:$0x1] =	stream.linear.gather [hbm4b:s11+s2], $0x8000, $0x38;
	[tilespmem:$0x1B400] =	vst v63  }
0x23d: {  	_ =	swait.ge [sflag:s8], $0x8000  }
0x23e: {  	[sflag:s8] =	ssyncset.done $0x0  }
0x23f: {  	[sflag:s8] =	ssyncadd.s32 $0xFFFF8000  }
0x240: {  	[tilespmem:s9], [sflag:$0x2] =	stream.indirect.gather.add.f32 [hbm:s3], $0x40, s25, s5, $0xb8;
	[tilespmem:$0x1B400] =	vst v63  }
0x241: {  	_ =	swait.ge [sflag:s7], $0x8000  }
0x242: {  	[sflag:s7] =	ssyncset.done $0x0  }
0x243: {  	s11 =	rddreg [dreg:$0x1e];
	[sflag:s7] =	ssyncadd.s32 $0xFFFF8000  }
0x244: {  	[hbm4b:s11+s2] =	stream.linear.scatter [tilespmem:s9], [sflag:$0x3], $0x8000, $0x38;
	[tilespmem:$0x1B400] =	vst v63  }
0x245: {  	_ =	swait.ge [sflag:s6], $0x8000  }
0x246: {  	[sflag:s6] =	ssyncset.done $0x0  }
0x247: {  	s11 =	rddreg [dreg:$0x1f];
	[sflag:s6] =	ssyncadd.s32 $0xFFFF8000  }
0x248: {  	[tilespmem:s10], [sflag:$0x1] =	stream.linear.gather [hbm4b:s11+s2], $0x8000, $0x38;
	[tilespmem:$0x1B400] =	vst v63  }
0x249: {  	_ =	swait.ge [sflag:s8], $0x8000  }
0x24a: {  	[sflag:s8] =	ssyncset.done $0x0  }
0x24b: {  	[sflag:s8] =	ssyncadd.s32 $0xFFFF8000  }
0x24c: {  	[tilespmem:s4], [sflag:$0x2] =	stream.indirect.gather.add.f32 [hbm:s3], $0x40, s24, s5, $0xb8;
	[tilespmem:$0x1B400] =	vst v63  }
0x24d: {  	_ =	swait.ge [sflag:s7], $0x8000  }
0x24e: {  	s11 =	sld [smem:$0x7E0]  }
0x24f: {  	[sflag:s7] =	ssyncset.done $0x0  }
0x250: {  	[sflag:s7] =	ssyncadd.s32 $0xFFFF8000  }
0x251: {  	[hbm4b:s11+s2] =	stream.linear.scatter [tilespmem:s4], [sflag:$0x3], $0x8000, $0x38;
	[tilespmem:$0x1B400] =	vst v63  }
0x252: {  	_ =	swait.ge [sflag:s6], $0x8000  }
0x253: {  	s11 =	sld [smem:$0x7E1]  }
0x254: {  	[sflag:s6] =	ssyncset.done $0x0  }
0x255: {  	[sflag:s6] =	ssyncadd.s32 $0xFFFF8000  }
0x256: {  	[tilespmem:s9], [sflag:$0x1] =	stream.linear.gather [hbm4b:s11+s2], $0x8000, $0x38;
	[tilespmem:$0x1B400] =	vst v63  }
0x257: {  	_ =	swait.ge [sflag:s8], $0x8000  }
0x258: {  	[sflag:s8] =	ssyncset.done $0x0  }
0x259: {  	[sflag:s8] =	ssyncadd.s32 $0xFFFF8000  }
0x25a: {  	[tilespmem:s10], [sflag:$0x2] =	stream.indirect.gather.add.f32 [hbm:s3], $0x40, s23, s5, $0xb8;
	[tilespmem:$0x1B400] =	vst v63  }
0x25b: {  	_ =	swait.ge [sflag:s7], $0x8000  }
0x25c: {  	s11 =	sld [smem:$0x7E2]  }
0x25d: {  	[sflag:s7] =	ssyncset.done $0x0  }
0x25e: {  	[sflag:s7] =	ssyncadd.s32 $0xFFFF8000  }
0x25f: {  	[hbm4b:s11+s2] =	stream.linear.scatter [tilespmem:s10], [sflag:$0x3], $0x8000, $0x38;
	[tilespmem:$0x1B400] =	vst v63  }
0x260: {  	_ =	swait.ge [sflag:s6], $0x8000  }
0x261: {  	s11 =	sld [smem:$0x7E3]  }
0x262: {  	[sflag:s6] =	ssyncset.done $0x0  }
0x263: {  	[sflag:s6] =	ssyncadd.s32 $0xFFFF8000  }
0x264: {  	[tilespmem:s4], [sflag:$0x1] =	stream.linear.gather [hbm4b:s11+s2], $0x8000, $0x38;
	[tilespmem:$0x1B400] =	vst v63  }
0x265: {  	_ =	swait.ge [sflag:s8], $0x8000  }
0x266: {  	[sflag:s8] =	ssyncset.done $0x0  }
0x267: {  	[sflag:s8] =	ssyncadd.s32 $0xFFFF8000  }
0x268: {  	[tilespmem:s9], [sflag:$0x2] =	stream.indirect.gather.add.f32 [hbm:s3], $0x40, s22, s5, $0xb8;
	[tilespmem:$0x1B400] =	vst v63  }
0x269: {  	_ =	swait.ge [sflag:s7], $0x8000  }
0x26a: {  	s11 =	sld [smem:$0x7E4]  }
0x26b: {  	[sflag:s7] =	ssyncset.done $0x0  }
0x26c: {  	[sflag:s7] =	ssyncadd.s32 $0xFFFF8000  }
0x26d: {  	[hbm4b:s11+s2] =	stream.linear.scatter [tilespmem:s9], [sflag:$0x3], $0x8000, $0x38;
	[tilespmem:$0x1B400] =	vst v63  }
0x26e: {  	_ =	swait.ge [sflag:s6], $0x8000  }
0x26f: {  	s11 =	sld [smem:$0x7E5]  }
0x270: {  	[sflag:s6] =	ssyncset.done $0x0  }
0x271: {  	[sflag:s6] =	ssyncadd.s32 $0xFFFF8000  }
0x272: {  	[tilespmem:s10], [sflag:$0x1] =	stream.linear.gather [hbm4b:s11+s2], $0x8000, $0x38;
	[tilespmem:$0x1B400] =	vst v63  }
0x273: {  	_ =	swait.ge [sflag:s8], $0x8000  }
0x274: {  	[sflag:s8] =	ssyncset.done $0x0  }
0x275: {  	[sflag:s8] =	ssyncadd.s32 $0xFFFF8000  }
0x276: {  	[tilespmem:s4], [sflag:$0x2] =	stream.indirect.gather.add.f32 [hbm:s3], $0x40, s21, s5, $0xb8;
	[tilespmem:$0x1B400] =	vst v63  }
0x277: {  	_ =	swait.ge [sflag:s7], $0x8000  }
0x278: {  	s11 =	sld [smem:$0x7E6]  }
0x279: {  	[sflag:s7] =	ssyncset.done $0x0  }
0x27a: {  	[sflag:s7] =	ssyncadd.s32 $0xFFFF8000  }
0x27b: {  	[hbm4b:s11+s2] =	stream.linear.scatter [tilespmem:s4], [sflag:$0x3], $0x8000, $0x38;
	[tilespmem:$0x1B400] =	vst v63  }
0x27c: {  	_ =	swait.ge [sflag:s6], $0x8000  }
0x27d: {  	s11 =	sld [smem:$0x7E7]  }
0x27e: {  	[sflag:s6] =	ssyncset.done $0x0  }
0x27f: {  	[sflag:s6] =	ssyncadd.s32 $0xFFFF8000  }
0x280: {  	[tilespmem:s9], [sflag:$0x1] =	stream.linear.gather [hbm4b:s11+s2], $0x8000, $0x38;
	[tilespmem:$0x1B400] =	vst v63  }
0x281: {  	_ =	swait.ge [sflag:s8], $0x8000  }
0x282: {  	[sflag:s8] =	ssyncset.done $0x0  }
0x283: {  	[sflag:s8] =	ssyncadd.s32 $0xFFFF8000  }
0x284: {  	[tilespmem:s10], [sflag:$0x2] =	stream.indirect.gather.add.f32 [hbm:s3], $0x40, s20, s5, $0xb8;
	[tilespmem:$0x1B400] =	vst v63  }
0x285: {  	_ =	swait.ge [sflag:s7], $0x8000  }
0x286: {  	s11 =	sld [smem:$0x7E8]  }
0x287: {  	[sflag:s7] =	ssyncset.done $0x0  }
0x288: {  	[sflag:s7] =	ssyncadd.s32 $0xFFFF8000  }
0x289: {  	[hbm4b:s11+s2] =	stream.linear.scatter [tilespmem:s10], [sflag:$0x3], $0x8000, $0x38;
	[tilespmem:$0x1B400] =	vst v63  }
0x28a: {  	_ =	swait.ge [sflag:s6], $0x8000  }
0x28b: {  	s11 =	sld [smem:$0x7E9]  }
0x28c: {  	[sflag:s6] =	ssyncset.done $0x0  }
0x28d: {  	[sflag:s6] =	ssyncadd.s32 $0xFFFF8000  }
0x28e: {  	[tilespmem:s4], [sflag:$0x1] =	stream.linear.gather [hbm4b:s11+s2], $0x8000, $0x38;
	[tilespmem:$0x1B400] =	vst v63  }
0x28f: {  	_ =	swait.ge [sflag:s8], $0x8000  }
0x290: {  	[sflag:s8] =	ssyncset.done $0x0  }
0x291: {  	[sflag:s8] =	ssyncadd.s32 $0xFFFF8000  }
0x292: {  	[tilespmem:s9], [sflag:$0x2] =	stream.indirect.gather.add.f32 [hbm:s3], $0x40, s19, s5, $0xb8;
	[tilespmem:$0x1B400] =	vst v63  }
0x293: {  	_ =	swait.ge [sflag:s7], $0x8000  }
0x294: {  	s11 =	sld [smem:$0x7EA]  }
0x295: {  	[sflag:s7] =	ssyncset.done $0x0  }
0x296: {  	[sflag:s7] =	ssyncadd.s32 $0xFFFF8000  }
0x297: {  	[hbm4b:s11+s2] =	stream.linear.scatter [tilespmem:s9], [sflag:$0x3], $0x8000, $0x38;
	[tilespmem:$0x1B400] =	vst v63  }
0x298: {  	_ =	swait.ge [sflag:s6], $0x8000  }
0x299: {  	s11 =	sld [smem:$0x7EB]  }
0x29a: {  	[sflag:s6] =	ssyncset.done $0x0  }
0x29b: {  	[sflag:s6] =	ssyncadd.s32 $0xFFFF8000  }
0x29c: {  	[tilespmem:s10], [sflag:$0x1] =	stream.linear.gather [hbm4b:s11+s2], $0x8000, $0x38;
	[tilespmem:$0x1B400] =	vst v63  }
0x29d: {  	_ =	swait.ge [sflag:s8], $0x8000  }
0x29e: {  	[sflag:s8] =	ssyncset.done $0x0  }
0x29f: {  	[sflag:s8] =	ssyncadd.s32 $0xFFFF8000  }
0x2a0: {  	[tilespmem:s4], [sflag:$0x2] =	stream.indirect.gather.add.f32 [hbm:s3], $0x40, s18, s5, $0xb8;
	[tilespmem:$0x1B400] =	vst v63  }
0x2a1: {  	_ =	swait.ge [sflag:s7], $0x8000  }
0x2a2: {  	s11 =	sld [smem:$0x7EC]  }
0x2a3: {  	[sflag:s7] =	ssyncset.done $0x0  }
0x2a4: {  	[sflag:s7] =	ssyncadd.s32 $0xFFFF8000  }
0x2a5: {  	[hbm4b:s11+s2] =	stream.linear.scatter [tilespmem:s4], [sflag:$0x3], $0x8000, $0x38;
	[tilespmem:$0x1B400] =	vst v63  }
0x2a6: {  	_ =	swait.ge [sflag:s6], $0x8000  }
0x2a7: {  	s11 =	sld [smem:$0x7ED]  }
0x2a8: {  	[sflag:s6] =	ssyncset.done $0x0  }
0x2a9: {  	[sflag:s6] =	ssyncadd.s32 $0xFFFF8000  }
0x2aa: {  	[tilespmem:s9], [sflag:$0x1] =	stream.linear.gather [hbm4b:s11+s2], $0x8000, $0x38;
	[tilespmem:$0x1B400] =	vst v63  }
0x2ab: {  	_ =	swait.ge [sflag:s8], $0x8000  }
0x2ac: {  	[sflag:s8] =	ssyncset.done $0x0  }
0x2ad: {  	[sflag:s8] =	ssyncadd.s32 $0xFFFF8000  }
0x2ae: {  	[tilespmem:s10], [sflag:$0x2] =	stream.indirect.gather.add.f32 [hbm:s3], $0x40, s17, s5, $0xb8;
	[tilespmem:$0x1B400] =	vst v63  }
0x2af: {  	_ =	swait.ge [sflag:s7], $0x8000  }
0x2b0: {  	s11 =	sld [smem:$0x7EE]  }
0x2b1: {  	[sflag:s7] =	ssyncset.done $0x0  }
0x2b2: {  	[sflag:s7] =	ssyncadd.s32 $0xFFFF8000  }
0x2b3: {  	[hbm4b:s11+s2] =	stream.linear.scatter [tilespmem:s10], [sflag:$0x3], $0x8000, $0x38;
	[tilespmem:$0x1B400] =	vst v63  }
0x2b4: {  	_ =	swait.ge [sflag:s6], $0x8000  }
0x2b5: {  	s11 =	sld [smem:$0x7EF]  }
0x2b6: {  	[sflag:s6] =	ssyncset.done $0x0  }
0x2b7: {  	[sflag:s6] =	ssyncadd.s32 $0xFFFF8000  }
0x2b8: {  	[tilespmem:s4], [sflag:$0x1] =	stream.linear.gather [hbm4b:s11+s2], $0x8000, $0x38;
	[tilespmem:$0x1B400] =	vst v63  }
0x2b9: {  	_ =	swait.ge [sflag:s8], $0x8000  }
0x2ba: {  	[sflag:s8] =	ssyncset.done $0x0  }
0x2bb: {  	[sflag:s8] =	ssyncadd.s32 $0xFFFF8000  }
0x2bc: {  	[tilespmem:s9], [sflag:$0x2] =	stream.indirect.gather.add.f32 [hbm:s3], $0x40, s16, s5, $0xb8;
	[tilespmem:$0x1B400] =	vst v63  }
0x2bd: {  	_ =	swait.ge [sflag:s7], $0x8000  }
0x2be: {  	s11 =	sld [smem:$0x7F0]  }
0x2bf: {  	[sflag:s7] =	ssyncset.done $0x0  }
0x2c0: {  	[sflag:s7] =	ssyncadd.s32 $0xFFFF8000  }
0x2c1: {  	[hbm4b:s11+s2] =	stream.linear.scatter [tilespmem:s9], [sflag:$0x3], $0x8000, $0x38;
	[tilespmem:$0x1B400] =	vst v63  }
0x2c2: {  	_ =	swait.ge [sflag:s6], $0x8000  }
0x2c3: {  	s11 =	sld [smem:$0x7F1]  }
0x2c4: {  	[sflag:s6] =	ssyncset.done $0x0  }
0x2c5: {  	[sflag:s6] =	ssyncadd.s32 $0xFFFF8000  }
0x2c6: {  	[tilespmem:s10], [sflag:$0x1] =	stream.linear.gather [hbm4b:s11+s2], $0x8000, $0x38;
	[tilespmem:$0x1B400] =	vst v63  }
0x2c7: {  	_ =	swait.ge [sflag:s8], $0x8000  }
0x2c8: {  	[sflag:s8] =	ssyncset.done $0x0  }
0x2c9: {  	[sflag:s8] =	ssyncadd.s32 $0xFFFF8000  }
0x2ca: {  	[tilespmem:s4], [sflag:$0x2] =	stream.indirect.gather.add.f32 [hbm:s3], $0x40, s15, s5, $0xb8;
	[tilespmem:$0x1B400] =	vst v63  }
0x2cb: {  	_ =	swait.ge [sflag:s7], $0x8000  }
0x2cc: {  	s11 =	sld [smem:$0x7F2]  }
0x2cd: {  	[sflag:s7] =	ssyncset.done $0x0  }
0x2ce: {  	[sflag:s7] =	ssyncadd.s32 $0xFFFF8000  }
0x2cf: {  	[hbm4b:s11+s2] =	stream.linear.scatter [tilespmem:s4], [sflag:$0x3], $0x8000, $0x38;
	[tilespmem:$0x1B400] =	vst v63  }
0x2d0: {  	_ =	swait.ge [sflag:s6], $0x8000  }
0x2d1: {  	s11 =	sld [smem:$0x7F3]  }
0x2d2: {  	[sflag:s6] =	ssyncset.done $0x0  }
0x2d3: {  	[sflag:s6] =	ssyncadd.s32 $0xFFFF8000  }
0x2d4: {  	[tilespmem:s9], [sflag:$0x1] =	stream.linear.gather [hbm4b:s11+s2], $0x8000, $0x38;
	[tilespmem:$0x1B400] =	vst v63  }
0x2d5: {  	_ =	swait.ge [sflag:s8], $0x8000  }
0x2d6: {  	[sflag:s8] =	ssyncset.done $0x0  }
0x2d7: {  	[sflag:s8] =	ssyncadd.s32 $0xFFFF8000  }
0x2d8: {  	[tilespmem:s10], [sflag:$0x2] =	stream.indirect.gather.add.f32 [hbm:s3], $0x40, s14, s5, $0xb8;
	[tilespmem:$0x1B400] =	vst v63  }
0x2d9: {  	_ =	swait.ge [sflag:s7], $0x8000  }
0x2da: {  	s11 =	sld [smem:$0x7F4]  }
0x2db: {  	[sflag:s7] =	ssyncset.done $0x0  }
0x2dc: {  	[sflag:s7] =	ssyncadd.s32 $0xFFFF8000  }
0x2dd: {  	[hbm4b:s11+s2] =	stream.linear.scatter [tilespmem:s10], [sflag:$0x3], $0x8000, $0x38;
	[tilespmem:$0x1B400] =	vst v63  }
0x2de: {  	_ =	swait.ge [sflag:s6], $0x8000  }
0x2df: {  	s11 =	sld [smem:$0x7F5]  }
0x2e0: {  	[sflag:s6] =	ssyncset.done $0x0  }
0x2e1: {  	[sflag:s6] =	ssyncadd.s32 $0xFFFF8000  }
0x2e2: {  	[tilespmem:s4], [sflag:$0x1] =	stream.linear.gather [hbm4b:s11+s2], $0x8000, $0x38;
	[tilespmem:$0x1B400] =	vst v63  }
0x2e3: {  	_ =	swait.ge [sflag:s8], $0x8000  }
0x2e4: {  	[sflag:s8] =	ssyncset.done $0x0  }
0x2e5: {  	[sflag:s8] =	ssyncadd.s32 $0xFFFF8000  }
0x2e6: {  	[tilespmem:s9], [sflag:$0x2] =	stream.indirect.gather.add.f32 [hbm:s3], $0x40, s13, s5, $0xb8;
	[tilespmem:$0x1B400] =	vst v63  }
0x2e7: {  	_ =	swait.ge [sflag:s7], $0x8000  }
0x2e8: {  	s11 =	sld [smem:$0x7F6]  }
0x2e9: {  	[sflag:s7] =	ssyncset.done $0x0  }
0x2ea: {  	[sflag:s7] =	ssyncadd.s32 $0xFFFF8000  }
0x2eb: {  	[hbm4b:s11+s2] =	stream.linear.scatter [tilespmem:s9], [sflag:$0x3], $0x8000, $0x38;
	[tilespmem:$0x1B400] =	vst v63  }
0x2ec: {  	_ =	swait.ge [sflag:s6], $0x8000  }
0x2ed: {  	[sflag:s6] =	ssyncset.done $0x0  }
0x2ee: {  	[sflag:s6] =	ssyncadd.s32 $0xFFFF8000  }
0x2ef: {  	_ =	swait.ge [sflag:s8], $0x8000  }
0x2f0: {  	[sflag:s8] =	ssyncset.done $0x0  }
0x2f1: {  	[sflag:s8] =	ssyncadd.s32 $0xFFFF8000  }
0x2f2: {  	[tilespmem:s4], [sflag:$0x2] =	stream.indirect.gather.add.f32 [hbm:s3], $0x40, s12, s5, $0xb8;
	[tilespmem:$0x1B400] =	vst v63  }
0x2f3: {  	_ =	swait.ge [sflag:s7], $0x8000  }
0x2f4: {  	s11 =	sld [smem:$0x7F7]  }
0x2f5: {  	[sflag:s7] =	ssyncset.done $0x0  }
0x2f6: {  	p1 =	sne.s32 s1, $0x1;
	[sflag:s7] =	ssyncadd.s32 $0xFFFF8000  }
0x2f7: {  	[hbm4b:s11+s2] =	stream.linear.scatter [tilespmem:s4], [sflag:$0x3], $0x8000, $0x38;
	[tilespmem:$0x1B400] =	vst v63  }
.Ltmp2:
0x2f8: {  	_ =	swait.ge [sflag:s6], $0x8000;
	(pc) =	sbr.rel @p1 .LBB2_4-.Ltmp2, $4  }
0x2f9: {  	[sflag:s6] =	ssyncset.done $0x0  }
0x2fa: {  	[sflag:s6] =	ssyncadd.s32 $0xFFFF8000  }
0x2fb: {  	_ =	swait.ge [sflag:s6], $0x8000  }
0x2fc: {  	s1 =	sadd.s32 $0xFFFFFFFF, s1;
	s0 =	rddreg [dreg:$0x3];
	[sflag:s6] =	ssyncset.done $0x0  }
0x2fd: {  	s12 =	simm.s32 $0xE00  }
0x2fe: {  	s30 =	simm.s32 $0x1000;
	s29 =	simm.s32 $0x1200;
	s28 =	simm.s32 $0x1400  }
0x2ff: {  	s26 =	simm.s32 $0x1600;
	s25 =	simm.s32 $0x1800;
	s24 =	simm.s32 $0x1A00  }
0x300: {  	s23 =	simm.s32 $0x1C00;
	s22 =	simm.s32 $0x1E00;
	s21 =	simm.s32 $0x2000  }
0x301: {  	s20 =	simm.s32 $0x2200;
	s19 =	simm.s32 $0x2400;
	s18 =	simm.s32 $0x2600  }
0x302: {  	s17 =	simm.s32 $0x2800;
	s16 =	simm.s32 $0x2A00;
	s15 =	simm.s32 $0x2C00  }
0x303: {  	s14 =	simm.s32 $0x2E00;
	s13 =	simm.s32 $0x3000;
	s11 =	stileid.u32  }
.LBB2_6:
0x304: {  	s1 =	sld [smem:$0x7F8];
	_ =	sdelay $0x1  }
0x305: {  	[sflag:s6] =	ssyncadd.s32 @p0 $0xFFFF8000  }
0x306: {  	[tilespmem:s2], [sflag:$0x4] =	stream.strided.gather [hbm4b:s0+s5], $0x3400, s1, s5, $0x38;
	[tilespmem:$0x1B400] =	vst v63  }
0x307: {  	_ =	swait.ge [sflag:s31], $0x3400  }
0x308: {  	[sflag:s31] =	ssyncset.done $0x0  }
0x309: {  	s1 =	rddreg [dreg:$0x4];
	[sflag:s31] =	ssyncadd.s32 $0xFFFFCC00  }
0x30a: {  	[tilespmem:s9], [sflag:$0x1] =	stream.linear.gather [hbm4b:s1+s2], $0x8000, $0x38;
	[tilespmem:$0x1B400] =	vst v63  }
0x30b: {  	s31 =	rddreg [dreg:$0x5]  }
0x30c: {  	[tilespmem:s4], [sflag:$0x1] =	stream.linear.gather [hbm4b:s31+s2], $0x8000, $0x38;
	[tilespmem:$0x1B400] =	vst v63  }
0x30d: {  	_ =	swait.ge [sflag:s8], $0x8000  }
0x30e: {  	[sflag:s8] =	ssyncset.done $0x0  }
0x30f: {  	[sflag:s8] =	ssyncadd.s32 $0xFFFF8000  }
0x310: {  	[tilespmem:s9], [sflag:$0x2] =	stream.indirect.gather.add.f32 [hbm:s3], $0x40, s2, s5, $0xb8;
	[tilespmem:$0x1B400] =	vst v63  }
0x311: {  	_ =	swait.ge [sflag:s7], $0x8000  }
0x312: {  	[sflag:s7] =	ssyncset.done $0x0  }
0x313: {  	s1 =	rddreg [dreg:$0x6];
	[sflag:s7] =	ssyncadd.s32 $0xFFFF8000  }
0x314: {  	[hbm4b:s1+s2] =	stream.linear.scatter [tilespmem:s9], [sflag:$0x3], $0x8000, $0x38;
	[tilespmem:$0x1B400] =	vst v63  }
0x315: {  	s31 =	rddreg [dreg:$0x7]  }
0x316: {  	[tilespmem:s10], [sflag:$0x1] =	stream.linear.gather [hbm4b:s31+s2], $0x8000, $0x38;
	[tilespmem:$0x1B400] =	vst v63  }
0x317: {  	_ =	swait.ge [sflag:s8], $0x8000  }
0x318: {  	[sflag:s8] =	ssyncset.done $0x0  }
0x319: {  	[sflag:s8] =	ssyncadd.s32 $0xFFFF8000  }
0x31a: {  	[tilespmem:s4], [sflag:$0x2] =	stream.indirect.gather.add.f32 [hbm:s3], $0x40, s5, s5, $0xb8;
	[tilespmem:$0x1B400] =	vst v63  }
0x31b: {  	_ =	swait.ge [sflag:s7], $0x8000  }
0x31c: {  	[sflag:s7] =	ssyncset.done $0x0  }
0x31d: {  	s1 =	rddreg [dreg:$0x8];
	[sflag:s7] =	ssyncadd.s32 $0xFFFF8000  }
0x31e: {  	[hbm4b:s1+s2] =	stream.linear.scatter [tilespmem:s4], [sflag:$0x3], $0x8000, $0x38;
	[tilespmem:$0x1B400] =	vst v63  }
0x31f: {  	_ =	swait.ge [sflag:s6], $0x8000  }
0x320: {  	[sflag:s6] =	ssyncset.done $0x0  }
0x321: {  	s31 =	rddreg [dreg:$0x9];
	[sflag:s6] =	ssyncadd.s32 $0xFFFF8000  }
0x322: {  	[tilespmem:s9], [sflag:$0x1] =	stream.linear.gather [hbm4b:s31+s2], $0x8000, $0x38;
	[tilespmem:$0x1B400] =	vst v63  }
0x323: {  	_ =	swait.ge [sflag:s8], $0x8000  }
0x324: {  	s1 =	sld [smem:$0x7F9]  }
0x325: {  	[sflag:s8] =	ssyncset.done $0x0  }
0x326: {  	[sflag:s8] =	ssyncadd.s32 $0xFFFF8000  }
0x327: {  	[tilespmem:s10], [sflag:$0x2] =	stream.indirect.gather.add.f32 [hbm:s3], $0x40, s1, s5, $0xb8;
	[tilespmem:$0x1B400] =	vst v63  }
0x328: {  	_ =	swait.ge [sflag:s7], $0x8000  }
0x329: {  	[sflag:s7] =	ssyncset.done $0x0  }
0x32a: {  	s31 =	rddreg [dreg:$0xa];
	[sflag:s7] =	ssyncadd.s32 $0xFFFF8000  }
0x32b: {  	[hbm4b:s31+s2] =	stream.linear.scatter [tilespmem:s10], [sflag:$0x3], $0x8000, $0x38;
	[tilespmem:$0x1B400] =	vst v63  }
0x32c: {  	_ =	swait.ge [sflag:s6], $0x8000  }
0x32d: {  	[sflag:s6] =	ssyncset.done $0x0  }
0x32e: {  	s1 =	rddreg [dreg:$0xb];
	[sflag:s6] =	ssyncadd.s32 $0xFFFF8000  }
0x32f: {  	[tilespmem:s4], [sflag:$0x1] =	stream.linear.gather [hbm4b:s1+s2], $0x8000, $0x38;
	[tilespmem:$0x1B400] =	vst v63  }
0x330: {  	_ =	swait.ge [sflag:s8], $0x8000  }
0x331: {  	s31 =	sld [smem:$0x7FA]  }
0x332: {  	[sflag:s8] =	ssyncset.done $0x0  }
0x333: {  	[sflag:s8] =	ssyncadd.s32 $0xFFFF8000  }
0x334: {  	[tilespmem:s9], [sflag:$0x2] =	stream.indirect.gather.add.f32 [hbm:s3], $0x40, s31, s5, $0xb8;
	[tilespmem:$0x1B400] =	vst v63  }
0x335: {  	_ =	swait.ge [sflag:s7], $0x8000  }
0x336: {  	[sflag:s7] =	ssyncset.done $0x0  }
0x337: {  	s1 =	rddreg [dreg:$0xc];
	[sflag:s7] =	ssyncadd.s32 $0xFFFF8000  }
0x338: {  	[hbm4b:s1+s2] =	stream.linear.scatter [tilespmem:s9], [sflag:$0x3], $0x8000, $0x38;
	[tilespmem:$0x1B400] =	vst v63  }
0x339: {  	_ =	swait.ge [sflag:s6], $0x8000  }
0x33a: {  	[sflag:s6] =	ssyncset.done $0x0  }
0x33b: {  	s31 =	rddreg [dreg:$0xd];
	[sflag:s6] =	ssyncadd.s32 $0xFFFF8000  }
0x33c: {  	[tilespmem:s10], [sflag:$0x1] =	stream.linear.gather [hbm4b:s31+s2], $0x8000, $0x38;
	[tilespmem:$0x1B400] =	vst v63  }
0x33d: {  	_ =	swait.ge [sflag:s8], $0x8000  }
0x33e: {  	s1 =	sld [smem:$0x7FB]  }
0x33f: {  	[sflag:s8] =	ssyncset.done $0x0  }
0x340: {  	[sflag:s8] =	ssyncadd.s32 $0xFFFF8000  }
0x341: {  	[tilespmem:s4], [sflag:$0x2] =	stream.indirect.gather.add.f32 [hbm:s3], $0x40, s1, s5, $0xb8;
	[tilespmem:$0x1B400] =	vst v63  }
0x342: {  	_ =	swait.ge [sflag:s7], $0x8000  }
0x343: {  	[sflag:s7] =	ssyncset.done $0x0  }
0x344: {  	s31 =	rddreg [dreg:$0xe];
	[sflag:s7] =	ssyncadd.s32 $0xFFFF8000  }
0x345: {  	[hbm4b:s31+s2] =	stream.linear.scatter [tilespmem:s4], [sflag:$0x3], $0x8000, $0x38;
	[tilespmem:$0x1B400] =	vst v63  }
0x346: {  	_ =	swait.ge [sflag:s6], $0x8000  }
0x347: {  	[sflag:s6] =	ssyncset.done $0x0  }
0x348: {  	s1 =	rddreg [dreg:$0xf];
	[sflag:s6] =	ssyncadd.s32 $0xFFFF8000  }
0x349: {  	[tilespmem:s9], [sflag:$0x1] =	stream.linear.gather [hbm4b:s1+s2], $0x8000, $0x38;
	[tilespmem:$0x1B400] =	vst v63  }
0x34a: {  	_ =	swait.ge [sflag:s8], $0x8000  }
0x34b: {  	s31 =	sld [smem:$0x7FC]  }
0x34c: {  	[sflag:s8] =	ssyncset.done $0x0  }
0x34d: {  	[sflag:s8] =	ssyncadd.s32 $0xFFFF8000  }
0x34e: {  	[tilespmem:s10], [sflag:$0x2] =	stream.indirect.gather.add.f32 [hbm:s3], $0x40, s31, s5, $0xb8;
	[tilespmem:$0x1B400] =	vst v63  }
0x34f: {  	_ =	swait.ge [sflag:s7], $0x8000  }
0x350: {  	[sflag:s7] =	ssyncset.done $0x0  }
0x351: {  	s1 =	rddreg [dreg:$0x10];
	[sflag:s7] =	ssyncadd.s32 $0xFFFF8000  }
0x352: {  	[hbm4b:s1+s2] =	stream.linear.scatter [tilespmem:s10], [sflag:$0x3], $0x8000, $0x38;
	[tilespmem:$0x1B400] =	vst v63  }
0x353: {  	_ =	swait.ge [sflag:s6], $0x8000  }
0x354: {  	[sflag:s6] =	ssyncset.done $0x0  }
0x355: {  	s31 =	rddreg [dreg:$0x11];
	[sflag:s6] =	ssyncadd.s32 $0xFFFF8000  }
0x356: {  	[tilespmem:s4], [sflag:$0x1] =	stream.linear.gather [hbm4b:s31+s2], $0x8000, $0x38;
	[tilespmem:$0x1B400] =	vst v63  }
0x357: {  	_ =	swait.ge [sflag:s8], $0x8000  }
0x358: {  	s1 =	sld [smem:$0x7FD]  }
0x359: {  	[sflag:s8] =	ssyncset.done $0x0  }
0x35a: {  	[sflag:s8] =	ssyncadd.s32 $0xFFFF8000  }
0x35b: {  	[tilespmem:s9], [sflag:$0x2] =	stream.indirect.gather.add.f32 [hbm:s3], $0x40, s1, s5, $0xb8;
	[tilespmem:$0x1B400] =	vst v63  }
0x35c: {  	_ =	swait.ge [sflag:s7], $0x8000  }
0x35d: {  	[sflag:s7] =	ssyncset.done $0x0  }
0x35e: {  	s31 =	rddreg [dreg:$0x12];
	[sflag:s7] =	ssyncadd.s32 $0xFFFF8000  }
0x35f: {  	[hbm4b:s31+s2] =	stream.linear.scatter [tilespmem:s9], [sflag:$0x3], $0x8000, $0x38;
	[tilespmem:$0x1B400] =	vst v63  }
0x360: {  	_ =	swait.ge [sflag:s6], $0x8000  }
0x361: {  	[sflag:s6] =	ssyncset.done $0x0  }
0x362: {  	s1 =	rddreg [dreg:$0x13];
	[sflag:s6] =	ssyncadd.s32 $0xFFFF8000  }
0x363: {  	[tilespmem:s10], [sflag:$0x1] =	stream.linear.gather [hbm4b:s1+s2], $0x8000, $0x38;
	[tilespmem:$0x1B400] =	vst v63  }
0x364: {  	_ =	swait.ge [sflag:s8], $0x8000  }
0x365: {  	[sflag:s8] =	ssyncset.done $0x0  }
0x366: {  	[sflag:s8] =	ssyncadd.s32 $0xFFFF8000  }
0x367: {  	[tilespmem:s4], [sflag:$0x2] =	stream.indirect.gather.add.f32 [hbm:s3], $0x40, s12, s5, $0xb8;
	[tilespmem:$0x1B400] =	vst v63  }
0x368: {  	_ =	swait.ge [sflag:s7], $0x8000  }
0x369: {  	[sflag:s7] =	ssyncset.done $0x0  }
0x36a: {  	s12 =	rddreg [dreg:$0x14];
	[sflag:s7] =	ssyncadd.s32 $0xFFFF8000  }
0x36b: {  	[hbm4b:s12+s2] =	stream.linear.scatter [tilespmem:s4], [sflag:$0x3], $0x8000, $0x38;
	[tilespmem:$0x1B400] =	vst v63  }
0x36c: {  	_ =	swait.ge [sflag:s6], $0x8000  }
0x36d: {  	[sflag:s6] =	ssyncset.done $0x0  }
0x36e: {  	s31 =	rddreg [dreg:$0x15];
	[sflag:s6] =	ssyncadd.s32 $0xFFFF8000  }
0x36f: {  	[tilespmem:s9], [sflag:$0x1] =	stream.linear.gather [hbm4b:s31+s2], $0x8000, $0x38;
	[tilespmem:$0x1B400] =	vst v63  }
0x370: {  	_ =	swait.ge [sflag:s8], $0x8000  }
0x371: {  	[sflag:s8] =	ssyncset.done $0x0  }
0x372: {  	[sflag:s8] =	ssyncadd.s32 $0xFFFF8000  }
0x373: {  	[tilespmem:s10], [sflag:$0x2] =	stream.indirect.gather.add.f32 [hbm:s3], $0x40, s30, s5, $0xb8;
	[tilespmem:$0x1B400] =	vst v63  }
0x374: {  	_ =	swait.ge [sflag:s7], $0x8000  }
0x375: {  	[sflag:s7] =	ssyncset.done $0x0  }
0x376: {  	s1 =	rddreg [dreg:$0x16];
	[sflag:s7] =	ssyncadd.s32 $0xFFFF8000  }
0x377: {  	[hbm4b:s1+s2] =	stream.linear.scatter [tilespmem:s10], [sflag:$0x3], $0x8000, $0x38;
	[tilespmem:$0x1B400] =	vst v63  }
0x378: {  	_ =	swait.ge [sflag:s6], $0x8000  }
0x379: {  	[sflag:s6] =	ssyncset.done $0x0  }
0x37a: {  	s12 =	rddreg [dreg:$0x17];
	[sflag:s6] =	ssyncadd.s32 $0xFFFF8000  }
0x37b: {  	[tilespmem:s4], [sflag:$0x1] =	stream.linear.gather [hbm4b:s12+s2], $0x8000, $0x38;
	[tilespmem:$0x1B400] =	vst v63  }
0x37c: {  	_ =	swait.ge [sflag:s8], $0x8000  }
0x37d: {  	[sflag:s8] =	ssyncset.done $0x0  }
0x37e: {  	[sflag:s8] =	ssyncadd.s32 $0xFFFF8000  }
0x37f: {  	[tilespmem:s9], [sflag:$0x2] =	stream.indirect.gather.add.f32 [hbm:s3], $0x40, s29, s5, $0xb8;
	[tilespmem:$0x1B400] =	vst v63  }
0x380: {  	_ =	swait.ge [sflag:s7], $0x8000  }
0x381: {  	[sflag:s7] =	ssyncset.done $0x0  }
0x382: {  	s30 =	rddreg [dreg:$0x18];
	[sflag:s7] =	ssyncadd.s32 $0xFFFF8000  }
0x383: {  	[hbm4b:s30+s2] =	stream.linear.scatter [tilespmem:s9], [sflag:$0x3], $0x8000, $0x38;
	[tilespmem:$0x1B400] =	vst v63  }
0x384: {  	_ =	swait.ge [sflag:s6], $0x8000  }
0x385: {  	[sflag:s6] =	ssyncset.done $0x0  }
0x386: {  	s31 =	rddreg [dreg:$0x19];
	[sflag:s6] =	ssyncadd.s32 $0xFFFF8000  }
0x387: {  	[tilespmem:s10], [sflag:$0x1] =	stream.linear.gather [hbm4b:s31+s2], $0x8000, $0x38;
	[tilespmem:$0x1B400] =	vst v63  }
0x388: {  	_ =	swait.ge [sflag:s8], $0x8000  }
0x389: {  	[sflag:s8] =	ssyncset.done $0x0  }
0x38a: {  	[sflag:s8] =	ssyncadd.s32 $0xFFFF8000  }
0x38b: {  	[tilespmem:s4], [sflag:$0x2] =	stream.indirect.gather.add.f32 [hbm:s3], $0x40, s28, s5, $0xb8;
	[tilespmem:$0x1B400] =	vst v63  }
0x38c: {  	_ =	swait.ge [sflag:s7], $0x8000  }
0x38d: {  	[sflag:s7] =	ssyncset.done $0x0  }
0x38e: {  	s1 =	rddreg [dreg:$0x1a];
	[sflag:s7] =	ssyncadd.s32 $0xFFFF8000  }
0x38f: {  	[hbm4b:s1+s2] =	stream.linear.scatter [tilespmem:s4], [sflag:$0x3], $0x8000, $0x38;
	[tilespmem:$0x1B400] =	vst v63  }
0x390: {  	_ =	swait.ge [sflag:s6], $0x8000  }
0x391: {  	[sflag:s6] =	ssyncset.done $0x0  }
0x392: {  	s12 =	rddreg [dreg:$0x1b];
	[sflag:s6] =	ssyncadd.s32 $0xFFFF8000  }
0x393: {  	[tilespmem:s9], [sflag:$0x1] =	stream.linear.gather [hbm4b:s12+s2], $0x8000, $0x38;
	[tilespmem:$0x1B400] =	vst v63  }
0x394: {  	_ =	swait.ge [sflag:s8], $0x8000  }
0x395: {  	[sflag:s8] =	ssyncset.done $0x0  }
0x396: {  	[sflag:s8] =	ssyncadd.s32 $0xFFFF8000  }
0x397: {  	[tilespmem:s10], [sflag:$0x2] =	stream.indirect.gather.add.f32 [hbm:s3], $0x40, s26, s5, $0xb8;
	[tilespmem:$0x1B400] =	vst v63  }
0x398: {  	_ =	swait.ge [sflag:s7], $0x8000  }
0x399: {  	[sflag:s7] =	ssyncset.done $0x0  }
0x39a: {  	s28 =	rddreg [dreg:$0x1c];
	[sflag:s7] =	ssyncadd.s32 $0xFFFF8000  }
0x39b: {  	[hbm4b:s28+s2] =	stream.linear.scatter [tilespmem:s10], [sflag:$0x3], $0x8000, $0x38;
	[tilespmem:$0x1B400] =	vst v63  }
0x39c: {  	_ =	swait.ge [sflag:s6], $0x8000  }
0x39d: {  	[sflag:s6] =	ssyncset.done $0x0  }
0x39e: {  	s29 =	rddreg [dreg:$0x1d];
	[sflag:s6] =	ssyncadd.s32 $0xFFFF8000  }
0x39f: {  	[tilespmem:s4], [sflag:$0x1] =	stream.linear.gather [hbm4b:s29+s2], $0x8000, $0x38;
	[tilespmem:$0x1B400] =	vst v63  }
0x3a0: {  	_ =	swait.ge [sflag:s8], $0x8000  }
0x3a1: {  	[sflag:s8] =	ssyncset.done $0x0  }
0x3a2: {  	[sflag:s8] =	ssyncadd.s32 $0xFFFF8000  }
0x3a3: {  	[tilespmem:s9], [sflag:$0x2] =	stream.indirect.gather.add.f32 [hbm:s3], $0x40, s25, s5, $0xb8;
	[tilespmem:$0x1B400] =	vst v63  }
0x3a4: {  	_ =	swait.ge [sflag:s7], $0x8000  }
0x3a5: {  	[sflag:s7] =	ssyncset.done $0x0  }
0x3a6: {  	s30 =	rddreg [dreg:$0x1e];
	[sflag:s7] =	ssyncadd.s32 $0xFFFF8000  }
0x3a7: {  	[hbm4b:s30+s2] =	stream.linear.scatter [tilespmem:s9], [sflag:$0x3], $0x8000, $0x38;
	[tilespmem:$0x1B400] =	vst v63  }
0x3a8: {  	_ =	swait.ge [sflag:s6], $0x8000  }
0x3a9: {  	[sflag:s6] =	ssyncset.done $0x0  }
0x3aa: {  	s31 =	rddreg [dreg:$0x1f];
	[sflag:s6] =	ssyncadd.s32 $0xFFFF8000  }
0x3ab: {  	[tilespmem:s10], [sflag:$0x1] =	stream.linear.gather [hbm4b:s31+s2], $0x8000, $0x38;
	[tilespmem:$0x1B400] =	vst v63  }
0x3ac: {  	_ =	swait.ge [sflag:s8], $0x8000  }
0x3ad: {  	[sflag:s8] =	ssyncset.done $0x0  }
0x3ae: {  	[sflag:s8] =	ssyncadd.s32 $0xFFFF8000  }
0x3af: {  	[tilespmem:s4], [sflag:$0x2] =	stream.indirect.gather.add.f32 [hbm:s3], $0x40, s24, s5, $0xb8;
	[tilespmem:$0x1B400] =	vst v63  }
0x3b0: {  	_ =	swait.ge [sflag:s7], $0x8000  }
0x3b1: {  	s1 =	sld [smem:$0x7E0]  }
0x3b2: {  	[sflag:s7] =	ssyncset.done $0x0  }
0x3b3: {  	[sflag:s7] =	ssyncadd.s32 $0xFFFF8000  }
0x3b4: {  	[hbm4b:s1+s2] =	stream.linear.scatter [tilespmem:s4], [sflag:$0x3], $0x8000, $0x38;
	[tilespmem:$0x1B400] =	vst v63  }
0x3b5: {  	_ =	swait.ge [sflag:s6], $0x8000  }
0x3b6: {  	s12 =	sld [smem:$0x7E1]  }
0x3b7: {  	[sflag:s6] =	ssyncset.done $0x0  }
0x3b8: {  	[sflag:s6] =	ssyncadd.s32 $0xFFFF8000  }
0x3b9: {  	[tilespmem:s9], [sflag:$0x1] =	stream.linear.gather [hbm4b:s12+s2], $0x8000, $0x38;
	[tilespmem:$0x1B400] =	vst v63  }
0x3ba: {  	_ =	swait.ge [sflag:s8], $0x8000  }
0x3bb: {  	[sflag:s8] =	ssyncset.done $0x0  }
0x3bc: {  	[sflag:s8] =	ssyncadd.s32 $0xFFFF8000  }
0x3bd: {  	[tilespmem:s10], [sflag:$0x2] =	stream.indirect.gather.add.f32 [hbm:s3], $0x40, s23, s5, $0xb8;
	[tilespmem:$0x1B400] =	vst v63  }
0x3be: {  	_ =	swait.ge [sflag:s7], $0x8000  }
0x3bf: {  	s23 =	sld [smem:$0x7E2]  }
0x3c0: {  	[sflag:s7] =	ssyncset.done $0x0  }
0x3c1: {  	[sflag:s7] =	ssyncadd.s32 $0xFFFF8000  }
0x3c2: {  	[hbm4b:s23+s2] =	stream.linear.scatter [tilespmem:s10], [sflag:$0x3], $0x8000, $0x38;
	[tilespmem:$0x1B400] =	vst v63  }
0x3c3: {  	_ =	swait.ge [sflag:s6], $0x8000  }
0x3c4: {  	s24 =	sld [smem:$0x7E3]  }
0x3c5: {  	[sflag:s6] =	ssyncset.done $0x0  }
0x3c6: {  	[sflag:s6] =	ssyncadd.s32 $0xFFFF8000  }
0x3c7: {  	[tilespmem:s4], [sflag:$0x1] =	stream.linear.gather [hbm4b:s24+s2], $0x8000, $0x38;
	[tilespmem:$0x1B400] =	vst v63  }
0x3c8: {  	_ =	swait.ge [sflag:s8], $0x8000  }
0x3c9: {  	[sflag:s8] =	ssyncset.done $0x0  }
0x3ca: {  	[sflag:s8] =	ssyncadd.s32 $0xFFFF8000  }
0x3cb: {  	[tilespmem:s9], [sflag:$0x2] =	stream.indirect.gather.add.f32 [hbm:s3], $0x40, s22, s5, $0xb8;
	[tilespmem:$0x1B400] =	vst v63  }
0x3cc: {  	_ =	swait.ge [sflag:s7], $0x8000  }
0x3cd: {  	s25 =	sld [smem:$0x7E4]  }
0x3ce: {  	[sflag:s7] =	ssyncset.done $0x0  }
0x3cf: {  	[sflag:s7] =	ssyncadd.s32 $0xFFFF8000  }
0x3d0: {  	[hbm4b:s25+s2] =	stream.linear.scatter [tilespmem:s9], [sflag:$0x3], $0x8000, $0x38;
	[tilespmem:$0x1B400] =	vst v63  }
0x3d1: {  	_ =	swait.ge [sflag:s6], $0x8000  }
0x3d2: {  	s26 =	sld [smem:$0x7E5]  }
0x3d3: {  	[sflag:s6] =	ssyncset.done $0x0  }
0x3d4: {  	[sflag:s6] =	ssyncadd.s32 $0xFFFF8000  }
0x3d5: {  	[tilespmem:s10], [sflag:$0x1] =	stream.linear.gather [hbm4b:s26+s2], $0x8000, $0x38;
	[tilespmem:$0x1B400] =	vst v63  }
0x3d6: {  	_ =	swait.ge [sflag:s8], $0x8000  }
0x3d7: {  	[sflag:s8] =	ssyncset.done $0x0  }
0x3d8: {  	[sflag:s8] =	ssyncadd.s32 $0xFFFF8000  }
0x3d9: {  	[tilespmem:s4], [sflag:$0x2] =	stream.indirect.gather.add.f32 [hbm:s3], $0x40, s21, s5, $0xb8;
	[tilespmem:$0x1B400] =	vst v63  }
0x3da: {  	_ =	swait.ge [sflag:s7], $0x8000  }
0x3db: {  	s28 =	sld [smem:$0x7E6]  }
0x3dc: {  	[sflag:s7] =	ssyncset.done $0x0  }
0x3dd: {  	[sflag:s7] =	ssyncadd.s32 $0xFFFF8000  }
0x3de: {  	[hbm4b:s28+s2] =	stream.linear.scatter [tilespmem:s4], [sflag:$0x3], $0x8000, $0x38;
	[tilespmem:$0x1B400] =	vst v63  }
0x3df: {  	_ =	swait.ge [sflag:s6], $0x8000  }
0x3e0: {  	s29 =	sld [smem:$0x7E7]  }
0x3e1: {  	[sflag:s6] =	ssyncset.done $0x0  }
0x3e2: {  	[sflag:s6] =	ssyncadd.s32 $0xFFFF8000  }
0x3e3: {  	[tilespmem:s9], [sflag:$0x1] =	stream.linear.gather [hbm4b:s29+s2], $0x8000, $0x38;
	[tilespmem:$0x1B400] =	vst v63  }
0x3e4: {  	_ =	swait.ge [sflag:s8], $0x8000  }
0x3e5: {  	[sflag:s8] =	ssyncset.done $0x0  }
0x3e6: {  	[sflag:s8] =	ssyncadd.s32 $0xFFFF8000  }
0x3e7: {  	[tilespmem:s10], [sflag:$0x2] =	stream.indirect.gather.add.f32 [hbm:s3], $0x40, s20, s5, $0xb8;
	[tilespmem:$0x1B400] =	vst v63  }
0x3e8: {  	_ =	swait.ge [sflag:s7], $0x8000  }
0x3e9: {  	s30 =	sld [smem:$0x7E8]  }
0x3ea: {  	[sflag:s7] =	ssyncset.done $0x0  }
0x3eb: {  	[sflag:s7] =	ssyncadd.s32 $0xFFFF8000  }
0x3ec: {  	[hbm4b:s30+s2] =	stream.linear.scatter [tilespmem:s10], [sflag:$0x3], $0x8000, $0x38;
	[tilespmem:$0x1B400] =	vst v63  }
0x3ed: {  	_ =	swait.ge [sflag:s6], $0x8000  }
0x3ee: {  	s31 =	sld [smem:$0x7E9]  }
0x3ef: {  	[sflag:s6] =	ssyncset.done $0x0  }
0x3f0: {  	[sflag:s6] =	ssyncadd.s32 $0xFFFF8000  }
0x3f1: {  	[tilespmem:s4], [sflag:$0x1] =	stream.linear.gather [hbm4b:s31+s2], $0x8000, $0x38;
	[tilespmem:$0x1B400] =	vst v63  }
0x3f2: {  	_ =	swait.ge [sflag:s8], $0x8000  }
0x3f3: {  	[sflag:s8] =	ssyncset.done $0x0  }
0x3f4: {  	[sflag:s8] =	ssyncadd.s32 $0xFFFF8000  }
0x3f5: {  	[tilespmem:s9], [sflag:$0x2] =	stream.indirect.gather.add.f32 [hbm:s3], $0x40, s19, s5, $0xb8;
	[tilespmem:$0x1B400] =	vst v63  }
0x3f6: {  	_ =	swait.ge [sflag:s7], $0x8000  }
0x3f7: {  	s1 =	sld [smem:$0x7EA]  }
0x3f8: {  	[sflag:s7] =	ssyncset.done $0x0  }
0x3f9: {  	[sflag:s7] =	ssyncadd.s32 $0xFFFF8000  }
0x3fa: {  	[hbm4b:s1+s2] =	stream.linear.scatter [tilespmem:s9], [sflag:$0x3], $0x8000, $0x38;
	[tilespmem:$0x1B400] =	vst v63  }
0x3fb: {  	_ =	swait.ge [sflag:s6], $0x8000  }
0x3fc: {  	s12 =	sld [smem:$0x7EB]  }
0x3fd: {  	[sflag:s6] =	ssyncset.done $0x0  }
0x3fe: {  	[sflag:s6] =	ssyncadd.s32 $0xFFFF8000  }
0x3ff: {  	[tilespmem:s10], [sflag:$0x1] =	stream.linear.gather [hbm4b:s12+s2], $0x8000, $0x38;
	[tilespmem:$0x1B400] =	vst v63  }
0x400: {  	_ =	swait.ge [sflag:s8], $0x8000  }
0x401: {  	[sflag:s8] =	ssyncset.done $0x0  }
0x402: {  	[sflag:s8] =	ssyncadd.s32 $0xFFFF8000  }
0x403: {  	[tilespmem:s4], [sflag:$0x2] =	stream.indirect.gather.add.f32 [hbm:s3], $0x40, s18, s5, $0xb8;
	[tilespmem:$0x1B400] =	vst v63  }
0x404: {  	_ =	swait.ge [sflag:s7], $0x8000  }
0x405: {  	s18 =	sld [smem:$0x7EC]  }
0x406: {  	[sflag:s7] =	ssyncset.done $0x0  }
0x407: {  	[sflag:s7] =	ssyncadd.s32 $0xFFFF8000  }
0x408: {  	[hbm4b:s18+s2] =	stream.linear.scatter [tilespmem:s4], [sflag:$0x3], $0x8000, $0x38;
	[tilespmem:$0x1B400] =	vst v63  }
0x409: {  	_ =	swait.ge [sflag:s6], $0x8000  }
0x40a: {  	s19 =	sld [smem:$0x7ED]  }
0x40b: {  	[sflag:s6] =	ssyncset.done $0x0  }
0x40c: {  	[sflag:s6] =	ssyncadd.s32 $0xFFFF8000  }
0x40d: {  	[tilespmem:s9], [sflag:$0x1] =	stream.linear.gather [hbm4b:s19+s2], $0x8000, $0x38;
	[tilespmem:$0x1B400] =	vst v63  }
0x40e: {  	_ =	swait.ge [sflag:s8], $0x8000  }
0x40f: {  	[sflag:s8] =	ssyncset.done $0x0  }
0x410: {  	[sflag:s8] =	ssyncadd.s32 $0xFFFF8000  }
0x411: {  	[tilespmem:s10], [sflag:$0x2] =	stream.indirect.gather.add.f32 [hbm:s3], $0x40, s17, s5, $0xb8;
	[tilespmem:$0x1B400] =	vst v63  }
0x412: {  	_ =	swait.ge [sflag:s7], $0x8000  }
0x413: {  	s20 =	sld [smem:$0x7EE]  }
0x414: {  	[sflag:s7] =	ssyncset.done $0x0  }
0x415: {  	[sflag:s7] =	ssyncadd.s32 $0xFFFF8000  }
0x416: {  	[hbm4b:s20+s2] =	stream.linear.scatter [tilespmem:s10], [sflag:$0x3], $0x8000, $0x38;
	[tilespmem:$0x1B400] =	vst v63  }
0x417: {  	_ =	swait.ge [sflag:s6], $0x8000  }
0x418: {  	s21 =	sld [smem:$0x7EF]  }
0x419: {  	[sflag:s6] =	ssyncset.done $0x0  }
0x41a: {  	[sflag:s6] =	ssyncadd.s32 $0xFFFF8000  }
0x41b: {  	[tilespmem:s4], [sflag:$0x1] =	stream.linear.gather [hbm4b:s21+s2], $0x8000, $0x38;
	[tilespmem:$0x1B400] =	vst v63  }
0x41c: {  	_ =	swait.ge [sflag:s8], $0x8000  }
0x41d: {  	[sflag:s8] =	ssyncset.done $0x0  }
0x41e: {  	[sflag:s8] =	ssyncadd.s32 $0xFFFF8000  }
0x41f: {  	[tilespmem:s9], [sflag:$0x2] =	stream.indirect.gather.add.f32 [hbm:s3], $0x40, s16, s5, $0xb8;
	[tilespmem:$0x1B400] =	vst v63  }
0x420: {  	_ =	swait.ge [sflag:s7], $0x8000  }
0x421: {  	s22 =	sld [smem:$0x7F0]  }
0x422: {  	[sflag:s7] =	ssyncset.done $0x0  }
0x423: {  	[sflag:s7] =	ssyncadd.s32 $0xFFFF8000  }
0x424: {  	[hbm4b:s22+s2] =	stream.linear.scatter [tilespmem:s9], [sflag:$0x3], $0x8000, $0x38;
	[tilespmem:$0x1B400] =	vst v63  }
0x425: {  	_ =	swait.ge [sflag:s6], $0x8000  }
0x426: {  	s23 =	sld [smem:$0x7F1]  }
0x427: {  	[sflag:s6] =	ssyncset.done $0x0  }
0x428: {  	[sflag:s6] =	ssyncadd.s32 $0xFFFF8000  }
0x429: {  	[tilespmem:s10], [sflag:$0x1] =	stream.linear.gather [hbm4b:s23+s2], $0x8000, $0x38;
	[tilespmem:$0x1B400] =	vst v63  }
0x42a: {  	_ =	swait.ge [sflag:s8], $0x8000  }
0x42b: {  	[sflag:s8] =	ssyncset.done $0x0  }
0x42c: {  	[sflag:s8] =	ssyncadd.s32 $0xFFFF8000  }
0x42d: {  	[tilespmem:s4], [sflag:$0x2] =	stream.indirect.gather.add.f32 [hbm:s3], $0x40, s15, s5, $0xb8;
	[tilespmem:$0x1B400] =	vst v63  }
0x42e: {  	_ =	swait.ge [sflag:s7], $0x8000  }
0x42f: {  	s24 =	sld [smem:$0x7F2]  }
0x430: {  	[sflag:s7] =	ssyncset.done $0x0  }
0x431: {  	[sflag:s7] =	ssyncadd.s32 $0xFFFF8000  }
0x432: {  	[hbm4b:s24+s2] =	stream.linear.scatter [tilespmem:s4], [sflag:$0x3], $0x8000, $0x38;
	[tilespmem:$0x1B400] =	vst v63  }
0x433: {  	_ =	swait.ge [sflag:s6], $0x8000  }
0x434: {  	s25 =	sld [smem:$0x7F3]  }
0x435: {  	[sflag:s6] =	ssyncset.done $0x0  }
0x436: {  	[sflag:s6] =	ssyncadd.s32 $0xFFFF8000  }
0x437: {  	[tilespmem:s9], [sflag:$0x1] =	stream.linear.gather [hbm4b:s25+s2], $0x8000, $0x38;
	[tilespmem:$0x1B400] =	vst v63  }
0x438: {  	_ =	swait.ge [sflag:s8], $0x8000  }
0x439: {  	[sflag:s8] =	ssyncset.done $0x0  }
0x43a: {  	[sflag:s8] =	ssyncadd.s32 $0xFFFF8000  }
0x43b: {  	[tilespmem:s10], [sflag:$0x2] =	stream.indirect.gather.add.f32 [hbm:s3], $0x40, s14, s5, $0xb8;
	[tilespmem:$0x1B400] =	vst v63  }
0x43c: {  	_ =	swait.ge [sflag:s7], $0x8000  }
0x43d: {  	s26 =	sld [smem:$0x7F4]  }
0x43e: {  	[sflag:s7] =	ssyncset.done $0x0  }
0x43f: {  	[sflag:s7] =	ssyncadd.s32 $0xFFFF8000  }
0x440: {  	[hbm4b:s26+s2] =	stream.linear.scatter [tilespmem:s10], [sflag:$0x3], $0x8000, $0x38;
	[tilespmem:$0x1B400] =	vst v63  }
0x441: {  	_ =	swait.ge [sflag:s6], $0x8000  }
0x442: {  	s28 =	sld [smem:$0x7F5]  }
0x443: {  	[sflag:s6] =	ssyncset.done $0x0  }
0x444: {  	[sflag:s6] =	ssyncadd.s32 $0xFFFF8000  }
0x445: {  	[tilespmem:s4], [sflag:$0x1] =	stream.linear.gather [hbm4b:s28+s2], $0x8000, $0x38;
	[tilespmem:$0x1B400] =	vst v63  }
0x446: {  	_ =	swait.ge [sflag:s8], $0x8000  }
0x447: {  	[sflag:s8] =	ssyncset.done $0x0  }
0x448: {  	[sflag:s8] =	ssyncadd.s32 $0xFFFF8000  }
0x449: {  	[tilespmem:s9], [sflag:$0x2] =	stream.indirect.gather.add.f32 [hbm:s3], $0x40, s13, s5, $0xb8;
	[tilespmem:$0x1B400] =	vst v63  }
0x44a: {  	_ =	swait.ge [sflag:s7], $0x8000  }
0x44b: {  	s29 =	sld [smem:$0x7F6]  }
0x44c: {  	[sflag:s7] =	ssyncset.done $0x0  }
0x44d: {  	[sflag:s7] =	ssyncadd.s32 $0xFFFF8000  }
0x44e: {  	[hbm4b:s29+s2] =	stream.linear.scatter [tilespmem:s9], [sflag:$0x3], $0x8000, $0x38;
	[tilespmem:$0x1B400] =	vst v63  }
0x44f: {  	_ =	swait.ge [sflag:s6], $0x8000  }
0x450: {  	[sflag:s6] =	ssyncset.done $0x0  }
0x451: {  	[sflag:s6] =	ssyncadd.s32 $0xFFFF8000  }
0x452: {  	_ =	swait.ge [sflag:s8], $0x8000  }
0x453: {  	[sflag:s8] =	ssyncset.done $0x0  }
0x454: {  	s30 =	simm.s32 $0x3200;
	[sflag:s8] =	ssyncadd.s32 $0xFFFF8000  }
0x455: {  	[tilespmem:s4], [sflag:$0x2] =	stream.indirect.gather.add.f32 [hbm:s3], $0x40, s30, s5, $0xb8;
	[tilespmem:$0x1B400] =	vst v63  }
0x456: {  	_ =	swait.ge [sflag:s7], $0x8000  }
0x457: {  	s31 =	sld [smem:$0x7F7]  }
0x458: {  	[sflag:s7] =	ssyncset.done $0x0  }
0x459: {  	[sflag:s7] =	ssyncadd.s32 $0xFFFF8000  }
0x45a: {  	[hbm4b:s31+s2] =	stream.linear.scatter [tilespmem:s4], [sflag:$0x3], $0x8000, $0x38;
	[tilespmem:$0x1B400] =	vst v63  }
0x45b: {  	_ =	swait.ge [sflag:s6], $0x8000  }
0x45c: {  	[sflag:s6] =	ssyncset.done $0x0  }
0x45d: {  	[sflag:s6] =	ssyncadd.s32 $0xFFFF8000  }
0x45e: {  	_ =	swait.ge [sflag:s6], $0x8000  }
0x45f: {  	[sflag:s6] =	ssyncset.done $0x0  }
0x460: {  	[sflag:s6] =	ssyncadd.s32 $0xFFFF8000  }
0x461: {  	_ =	sfence.sel $0x180000  }
0x462: {  	[bflag:$0x0] =	sbarrier.arrive $0xFFFF  }
0x463: {  	_ =	strace $0x90000047  }
0x464: {  	[bflag:$0x2] =	sbarrier.arrive $0xFFFF  }
0x465: {  	p0 =	sne.s32 s11, $0x0;
	s0 =	rddreg [dreg:$0x2]  }
0x466: {  	s0 =	sadd.s32 @!p0 $0x100000, s0  }
0x467: {  	[sflag:s0] =	ssyncadd.tile.s32 @!p0 $0x1;
	_ =	shalt  }
.LBB2_1:
0x468: {  	s12 =	simm.s32 $0xE00  }
0x469: {  	s30 =	simm.s32 $0x1000;
	s29 =	simm.s32 $0x1200;
	s28 =	simm.s32 $0x1400  }
.Ltmp3:
0x46a: {  	s26 =	simm.s32 $0x1600;
	s25 =	simm.s32 $0x1800;
	(pc) =	sbr.rel .LBB2_6-.Ltmp3, $4  }
0x46b: {  	s24 =	simm.s32 $0x1A00;
	s23 =	simm.s32 $0x1C00;
	s22 =	simm.s32 $0x1E00  }
0x46c: {  	s21 =	simm.s32 $0x2000;
	s20 =	simm.s32 $0x2200;
	s19 =	simm.s32 $0x2400  }
0x46d: {  	s18 =	simm.s32 $0x2600;
	s17 =	simm.s32 $0x2800;
	s16 =	simm.s32 $0x2A00  }
0x46e: {  	s15 =	simm.s32 $0x2C00;
	s14 =	simm.s32 $0x2E00;
	s13 =	simm.s32 $0x3000  }
.LBB2_3:
0x46f: {  	s12 =	simm.s32 $0xE00;
	s30 =	simm.s32 $0x1000  }
0x470: {  	s29 =	simm.s32 $0x1200;
	s28 =	simm.s32 $0x1400;
	s26 =	simm.s32 $0x1600  }
.Ltmp4:
0x471: {  	s25 =	simm.s32 $0x1800;
	s24 =	simm.s32 $0x1A00;
	(pc) =	sbr.rel .LBB2_6-.Ltmp4, $4  }
0x472: {  	s23 =	simm.s32 $0x1C00;
	s22 =	simm.s32 $0x1E00;
	s21 =	simm.s32 $0x2000  }
0x473: {  	s20 =	simm.s32 $0x2200;
	s19 =	simm.s32 $0x2400;
	s18 =	simm.s32 $0x2600  }
0x474: {  	s17 =	simm.s32 $0x2800;
	s16 =	simm.s32 $0x2A00;
	s15 =	simm.s32 $0x2C00  }
0x475: {  	s14 =	simm.s32 $0x2E00;
	s13 =	simm.s32 $0x3000;
	s11 =	stileid.u32  }
.Lfunc_end2:
_tile_overlayer_lowered:
.L_overlay_start_2:
0x476: {  	(tag) =	ssettag $0x2  }
0x477: {  	s0 =	rddreg [dreg:$0x0];
	s2 =	stileid.u32  }
0x478: {  	s1 =	rddreg [dreg:$0x1];
	p0 =	sne.s32 s2, $0x0  }
0x479: {  	s3 =	rddreg [dreg:$0x2];
	[bflag:$0x3] =	sbarrier.arrive $0xFFFF;
	s2 =	simm.s32 @!p0 $0x1C04  }
0x47a: {  	[timem:s3], [sflag:s2] =	dma.local @!p0 [hbm:s0], s1  }
0x47b: {  	s0 =	simm.s32 @!p0 $0x4  }
0x47c: {  	_ =	swait.ge @!p0 [sflag:s0], s1  }
0x47d: {  	s1 =	ssub.s32 @!p0 $0x0, s1;
	[sflag:s0] =	ssyncset.done @!p0 $0x0  }
0x47e: {  	[sflag:s0] =	ssyncadd.s32 @!p0 s1  }
0x47f: {  	[bflag:$0x3] =	sbarrier.arrive $0xFFFF  }
0x480: {  	_ =	shalt  }

// kernel: sparse-core-data-format-call.cloned.1.call-start
scs
called_computation_lowered:
.L_overlay_start_0:
0x0: {  	s2 =	sld [smem:$0x3FD9]  }
0x1: {  	s3 =	sld [smem:$0x3FFE];
	_ =	sdelay $0x1  }
0x2: {  	s1 =	srdreg.scid  }
0x3: {  	s0 =	sand.u32 $0x1, s1  }
0x4: {  	s18 =	sshll.u32 s0, $0xA;
	s2 =	sadd.s32 s3, s2  }
0x5: {  	s2 =	sadd.s32 s2, s18  }
0x6: {  	[smem:$0x3FC5] =	sst s2  }
0x7: {  	_ = 	snop  }
0x8: {  	s2 =	sld [smem:$0x3FD0];
	(tm) =	ssettm $0x1  }
0x9: {  	s19 =	sld [smem:$0x3FFB];
	_ =	sdelay $0x3  }
0xa: {  	_ =	strace s19  }
0xb: {  	s3 =	sld [smem:$0x3FFC];
	_ =	sdelay $0x3  }
0xc: {  	_ =	strace s3  }
0xd: {  	s3 =	sld [smem:$0x3FFD];
	_ =	sdelay $0x3  }
0xe: {  	_ =	strace s3  }
0xf: {  	_ =	strace $0x8FFFFFFF  }
0x10: {  	s20 =	sld [smem:$0x3FDB];
	_ =	sdelay $0x1  }
0x11: {  	s4 =	simm.s32 $_scs_section_size  }
0x12: {  	s5 =	simm.s32 $_size__tile_overlayer_lowered;
	s6 =	simm.s32 $_tile_overlayer_lowered  }
0x13: {  	s23 =	simm.s32 $0x1BFF;
	s22 =	sshll.u32 s6, $0x1;
	s3 =	sadd.s32 s4, s20  }
0x14: {  	s7 =	simm.s32 $0x0;
	s21 =	sshll.u32 s5, $0x1;
	s5 =	sadd.s32 s22, s3  }
0x15: {  	[timem:s7], [sflag:s23] =	dma.local [hbm:s5], s21  }
0x16: {  	_ =	swait.ge [sflag:s23], s21  }
0x17: {  	s4 =	ssub.s32 $0x0, s21;
	[sflag:s23] =	ssyncset.done $0x0  }
0x18: {  	[sflag:s23] =	ssyncadd.s32 s4;
	_ =	sdelay $0x1  }
0x19: {  	s24 =	simm.s32 $0x1B8B  }
0x1a: {  	_ =	swait.ge [sflag:s24], $0x1  }
0x1b: {  	[sflag:s24] =	ssyncset.done $0x0  }
0x1c: {  	s26 =	simm.s32 $0x1B8E;
	s25 =	sld [smem:$0x3FFE];
	[sflag:s24] =	ssyncadd.s32 $0xFFFFFFFF  }
0x1d: {  	s27 =	simm.s32 $execute0_lowered;
	[smem:$0x3FD2] =	sst s26  }
0x1e: {  	s5 =	sshll.u32 s27, $0x1;
	_ =	strace $0x80000049;
	[dreg:$0x1] =	wrdreg $0xFFFFFFFF  }
0x1f: {  	s28 =	simm.s32 $_size_execute0_lowered;
	s3 =	sadd.s32 s3, s5;
	[dreg:$0x0] =	wrdreg $0x0  }
0x20: {  	s5 =	sshll.u32 s28, $0x1;
	[dreg:$0x2] =	wrdreg s3  }
0x21: {  	[dreg:$0x3] =	wrdreg s5  }
0x22: {  	[dreg:$0x4] =	wrdreg $0xC0  }
0x23: {  	_ =	task [dreg:s7], $0x5FFFF  }
0x24: {  	[dreg:$0x1] =	wrdreg $0xFFFFFFFF  }
0x25: {  	[dreg:$0x0] =	wrdreg $0x60  }
0x26: {  	[dreg:$0x2] =	wrdreg s25  }
0x27: {  	[dreg:$0x3] =	wrdreg s2  }
0x28: {  	[dreg:$0x4] =	wrdreg $0x9  }
0x29: {  	_ =	task.clear_ibuf [dreg:s7], $0x5FFFF;
	_ =	strace $0x90000049  }
0x2a: {  	s29 =	simm.s32 $0x9;
	_ =	strace $0x8000004B  }
0x2b: {  	_ =	swait.ge [sflag:s29], $0x1  }
0x2c: {  	[sflag:s29] =	ssyncadd.s32 $0xFFFFFFFF  }
0x2d: {  	_ =	strace $0x9000004B  }
0x2e: {  	_ =	sfence  }
0x2f: {  	s30 =	sld [smem:$0x0];
	_ =	sdelay $0x2  }
0x30: {  	s31 =	sshll.u32 s1, $0xD;
	s1 =	sshrl.u32 s1, $0x2  }
0x31: {  	s3 =	sand.u32 $0x4000, s31;
	s1 =	sadd.s32 s1, s30  }
0x32: {  	s0 =	sor.u32 s3, s0;
	s1 =	sshll.u32 s1, $0x11  }
0x33: {  	s0 =	sor.u32 s1, s0  }
0x34: {  	s0 =	sadd.s32 $0x8F2B, s0  }
0x35: {  	[sflag:s0] =	ssyncadd.remote.s32 $0x1  }
0x36: {  	_ =	sfence.sel $0xFFFF  }
0x37: {  	[dreg:$0x0] =	wrdreg $0xFFFFFFFF;
	(pc) =	sbr.abs _section_cstart, $3  }
0x38: {  	[dreg:$0x1] =	wrdreg $0xFFFFFFFF  }
0x39: {  	_ =	task.clear_ibuf [dreg:s7], $0x2FFFF;
	_ =	strace $0x9FFFFFFF  }
0x3a: {  	(tm) =	ssettm $0x7FFFFFFF  }
0x3b: {  	_ =	shalt  }
tec
execute0_lowered:
.L_overlay_start_1:
0x0: {  	(tag) =	ssettag $0x1  }
0x1: {  	s0 =	srdreg.scid  }
0x2: {  	s1 =	sshll.u32 s0, $0x4  }
0x3: {  	s0 =	stileid.u32;
	s1 =	sand.u32 $0x10, s1  }
0x4: {  	s7 =	rddreg [dreg:$0x0];
	s1 =	sor.u32 s0, s1  }
0x5: {  	s4 =	simm.s32 $0x1;
	s8 =	simm.s32 $0x2;
	s2 =	sshll.u32 s1, $0x7  }
0x6: {  	s13 =	simm.s32 $0x0;
	s9 =	simm.s32 $0x20000;
	s1 =	ssub.s32 $0x4000, s2  }
0x7: {  	s14 =	simm.s32 $0x0;
	s11 =	simm.s32 $0x0;
	s3 =	sand.u32 $0xF80, s1  }
0x8: {  	s12 =	simm.s32 $0x0;
	s5 =	sshrl.u32 s1, $0xC;
	p0 =	sne.s32 s3, $0x0  }
.Ltmp0:
0x9: {  	s1 =	rddreg [dreg:$0x2];
	s4 =	simm.s32 @!p0 $0x0;
	(pc) =	sbr.rel .LBB1_1-.Ltmp0, $4  }
0xa: {  	s6 =	sadd.s32 $0x34DA00, s7;
	s3 =	rddreg [dreg:$0x1];
	s5 =	sadd.s32 s4, s5  }
0xb: {  	_ =	strace $0x8000004A;
	s4 =	simm.s32 $0x1;
	s5 =	smul.u32 $0xD, s5  }
0xc: {  	s7 =	sadd.s32 $0x38DA00, s7;
	s10 =	smov.u32 s2;
	[sflag:s4] =	ssyncpa.u1 $0x0  }
0xd: {  	p0 =	por $0x0, $0x0;
	[sflag:s8] =	ssyncpa.u1 $0x0;
	s8 =	sadd.s32 $0x1, s5  }
.LBB1_7:
0xe: {  	s15 =	sadd.s32 $0x1000, s10  }
0xf: {  	s13 =	sadd.s32 $0x2, s11;
	s17 =	smov.u32 s11;
	p2 =	sgt.s32 s15, $0x3FFF  }
0x10: {  	s17 =	smov.u32 @p2 s13  }
0x11: {  	s15 =	smov.u32 @p2 s2;
	p2 =	sgt.s32 s17, $0x19  }
0x12: {  	s17 =	simm.s32 @p2 $0x0;
	p2 =	sne.s32 s12, s8  }
.Ltmp1:
0x13: {  	p1 =	slt.u32 s12, $0x2;
	(pc) =	sbr.rel @!p2 .LBB1_8-.Ltmp1, $4  }
0x14: {  	s16 =	simm.s32 @!p1 $0x2  }
0x15: {  	s14 =	smov.u32 s11;
	p0 =	por !p0, !p0;
	_ =	swait.ge @!p1 [sflag:s16], $0x4000  }
0x16: {  	s13 =	smov.u32 s10;
	[sflag:s16] =	ssyncset.done @!p1 $0x0;
	s10 =	smov.u32 s15  }
0x17: {  	s12 =	sadd.s32 $0x1, s12;
	[sflag:s16] =	ssyncadd.s32 @!p1 $0xFFFFC000;
	s11 =	smov.u32 s17  }
.LBB1_1:
0x18: {  	p1 =	sge.u32 s12, s5  }
0x19: {  	s15 =	sxor.u32 @!p1 $0xFFFFFFFF, s12;
	s16 =	sshll.u32 @!p1 s11, $0x12  }
0x1a: {  	s17 =	sshll.u32 @!p1 s10, $0x4;
	s19 =	simm.s32 @!p1 $0x40;
	s20 =	simm.s32 @!p1 $0x80  }
0x1b: {  	s15 =	sshll.u32 @!p1 s15, $0xE;
	s17 =	sand.u32 @!p1 $0x3FFF0, s17;
	s18 =	sadd.s32 @!p1 s6, s16  }
0x1c: {  	s16 =	sadd.s32 @!p1 s16, s7;
	s15 =	sand.u32 @!p1 $0x4000, s15;
	s18 =	sadd.s32 @!p1 s17, s18  }
0x1d: {  	[tilespmem:s15], [sflag:$0x1] =	stream.strided.gather @!p1 [hbm4b:s18+s19], $0x2000, s20, s19, $0x38;
	[tilespmem:$0x10100] =	vst v63  }
0x1e: {  	s31 =	sadd.s32 $0xFFFFFFFF, s12;
	s16 =	sadd.s32 @!p1 s17, s16;
	s15 =	sor.u32 @!p1 $0x2000, s15  }
0x1f: {  	[tilespmem:s15], [sflag:$0x1] =	stream.strided.gather @!p1 [hbm4b:s16+s19], $0x2000, s20, s19, $0x38;
	[tilespmem:$0x10100] =	vst v63  }
0x20: {  	p1 =	sge.u32 s31, s5  }
.Ltmp2:
0x21: {  	_ = 	snop;
	(pc) =	sbr.rel @p1 .LBB1_7-.Ltmp2, $1  }
0x22: {  	_ =	sdelay $0x3  }
0x23: {  	s15 =	simm.s32 $0x1;
	s17 =	sand.u32 $0x1, s12  }
0x24: {  	_ =	swait.ge [sflag:s4], $0x4000;
	s15 =	simm.s32 @!p0 $0x0;
	s17 =	smul.u32 $0x10200, s17  }
0x25: {  	p2 =	por $0x1, $0x1;
	[sflag:s4] =	ssyncset.done $0x0;
	s16 =	smul.u32 $0x10200, s15  }
0x26: {  	s18 =	sshll.u32 s15, $0x10;
	[sflag:s4] =	ssyncadd.s32 $0xFFFFC000;
	s30 =	sshrl.u32 s17, $0x2  }
0x27: {  	s31 =	sshrl.u32 s18, $0x2;
	s18 =	simm.s32 $0x0;
	s16 =	sshrl.u32 s16, $0x2  }
0x28: {  	s15 =	sor.u32 $0x8000, s30;
	s17 =	sadd.s32 $0x20, s31;
	s16 =	sor.u32 $0x8000, s16  }
.LBB1_3:
0x29: {  	s19 =	sshll.u32 s18, $0xD  }
0x2a: {  	s19 =	sand.u32 $0x3FFFE000, s19  }
0x2b: {  	s21 =	sadd.s32 s19, s17  }
0x2c: {  	s31 =	smul.u32 $0x8100, s18;
	v3 =	vld [tilespmem:s21+$0x10]  }
0x2d: {  	v1 =	vld [tilespmem:s21+$0xFFFFFFF0]  }
0x2e: {  	s18 =	sshra.s32 s31, $0x2;
	v0 =	vld [tilespmem:s21+$0x0]  }
0x2f: {  	s18 =	sadd.s32 s18, s16;
	v2 =	vld [tilespmem:s21+$0xFFFFFFE0]  }
0x30: {  	s19 =	sadd.s32 $0x0, s18  }
0x31: {  	p1 =	por p2, p2;
	s20 =	simm.s32 $0x4;
	s21 =	sadd.s32 $0x40, s21;
	[tilespmem:s19+$0x1830 ss:$0x81] =	vst.msk $0xffff, v3  }
.LBB1_4:
0x32: {  	v3 =	vld [tilespmem:s21+$0x10];
	p2 =	sne.s32 s20, $0x1FC;
	[tilespmem:s19+$0x810 ss:$0x81] =	vst.msk $0xffff, v1;
	s22 =	smov.u32 s20;
	s20 =	sadd.s32 $0x4, s20  }
.Ltmp3:
0x33: {  	v1 =	vld [tilespmem:s21+$0xFFFFFFF0];
	[tilespmem:s19+$0x1020 ss:$0x81] =	vst.msk $0xffff, v0;
	(pc) =	sbr.rel @p2 .LBB1_4-.Ltmp3, $4  }
0x34: {  	v0 =	vld [tilespmem:s21+$0x0];
	[tilespmem:s19+$0x0 ss:$0x81] =	vst.msk $0xffff, v2  }
0x35: {  	s19 =	sshra.s32 s22, $0x2;
	v2 =	vld [tilespmem:s21+$0xFFFFFFE0]  }
0x36: {  	s19 =	sadd.s32 s19, s18  }
0x37: {  	s21 =	sadd.s32 $0x40, s21;
	[tilespmem:s19+$0x1830 ss:$0x81] =	vst.msk $0xffff, v3  }
.Ltmp4:
0x38: {  	(pc) =	sbr.rel @p1 .LBB1_3-.Ltmp4, $4  }
0x39: {  	_ = 	snop  }
0x3a: {  	[tilespmem:s19+$0x810 ss:$0x81] =	vst.msk $0xffff, v1  }
0x3b: {  	[tilespmem:s19+$0x1020 ss:$0x81] =	vst.msk $0xffff, v0  }
0x3c: {  	s18 =	simm.s32 $0x1;
	p2 =	por $0x0, $0x0;
	[tilespmem:s19+$0x0 ss:$0x81] =	vst.msk $0xffff, v2  }
0x3d: {  	s16 =	sshll.u32 s13, $0x3;
	s17 =	sand.u32 $0x78, s13;
	s14 =	sshll.u32 s14, $0x11  }
.Ltmp5:
0x3e: {  	s30 =	sand.u32 $0x1F800, s13;
	s16 =	sand.u32 $0x3C00, s16;
	(pc) =	sbr.rel .LBB1_7-.Ltmp5, $4  }
0x3f: {  	s31 =	sand.u32 $0x7, s13;
	s14 =	sadd.s32 s3, s14;
	s16 =	sor.u32 s17, s16  }
0x40: {  	s13 =	sshll.u32 s31, $0x12;
	s14 =	sadd.s32 s30, s14;
	s16 =	sshrl.u32 s16, $0x3  }
0x41: {  	s13 =	sor.u32 $0x400, s13;
	s14 =	sadd.s32 s16, s14  }
0x42: {  	[hbm4b:s14+s13] =	stream.strided.scatter [tilespmem:s15], [sflag:$0x2], $0x4000, s9, s13, $0x20;
	[tilespmem:$0x10100] =	vst v63  }
.LBB1_8:
0x43: {  	_ =	sfence.sel $0x180000  }
0x44: {  	s2 =	simm.s32 $0x1;
	[bflag:$0x0] =	sbarrier.arrive $0xFFFF  }
0x45: {  	s31 =	simm.s32 $0x2;
	[sflag:s2] =	ssyncpa.u1 $0x1  }
0x46: {  	[sflag:s31] =	ssyncpa.u1 $0x1  }
0x47: {  	p0 =	sne.s32 s0, $0x0;
	_ =	strace $0x9000004A  }
0x48: {  	s0 =	sadd.s32 @!p0 $0x100000, s1;
	[bflag:$0x2] =	sbarrier.arrive $0xFFFF  }
0x49: {  	[sflag:s0] =	ssyncadd.tile.s32 @!p0 $0x1;
	_ =	shalt  }
.Lfunc_end1:
_tile_overlayer_lowered:
.L_overlay_start_2:
0x4a: {  	(tag) =	ssettag $0x2  }
0x4b: {  	s0 =	rddreg [dreg:$0x0];
	s2 =	stileid.u32  }
0x4c: {  	s1 =	rddreg [dreg:$0x1];
	p0 =	sne.s32 s2, $0x0  }
0x4d: {  	s3 =	rddreg [dreg:$0x2];
	[bflag:$0x3] =	sbarrier.arrive $0xFFFF;
	s2 =	simm.s32 @!p0 $0x1C01  }
0x4e: {  	[timem:s3], [sflag:s2] =	dma.local @!p0 [hbm:s0], s1  }
0x4f: {  	s0 =	simm.s32 @!p0 $0x1  }
0x50: {  	_ =	swait.ge @!p0 [sflag:s0], s1  }
0x51: {  	s1 =	ssub.s32 @!p0 $0x0, s1;
	[sflag:s0] =	ssyncset.done @!p0 $0x0  }
0x52: {  	[sflag:s0] =	ssyncadd.s32 @!p0 s1  }
0x53: {  	[bflag:$0x3] =	sbarrier.arrive $0xFFFF  }
0x54: {  	_ =	shalt  }

</sc_bundles>
